<compile_context>
chip_gen: v7x
topology: tpu7x:2x2x1
jax: 0.10.2.dev20260603
libtpu: 0.0.44.dev20260713+nightly
codegen_flags: <defaults>
</compile_context>

<pallas_src>
import functools
import jax
import jax.numpy as jnp
from jax import lax
from jax.experimental import pallas as pl
from jax.experimental.pallas import tpu as pltpu
from jax.experimental.pallas import tpu_sc as plsc

_K = 10
_B = 128
_V = 32768
_LANES = 128
_VI = _V // 2
_CW = _LANES
_NCH = _VI // _CW
_CBLK = 4096
_NC = _VI // _CBLK
_NSL = _CBLK // _LANES
_NEG = -3.0e38

_SC_NC = 2
_SC_NS = 16
_NW = _SC_NC * _SC_NS
_NIDX = _B * _K
_BPW = _NIDX // _NW


def _keyed_chunk_max(x_ref, m_ref, step):
    cols = []
    for j in range(_NSL):
        v = x_ref[:, j * _LANES:(j + 1) * _LANES]
        lo = v & 0xFFFF
        hi = (v >> 16) & 0xFFFF
        klo = jnp.where(lo >= 0x8000, 0xFFFF - lo, lo + 0x8000)
        khi = jnp.where(hi >= 0x8000, 0xFFFF - hi, hi + 0x8000)
        m = jnp.maximum(klo, khi)
        cols.append(jnp.max(m, axis=1, keepdims=True))
    m_ref[step] = jnp.concatenate(cols, axis=1)


def _topk_chunk_idx(m_ref):
    cand = jnp.concatenate([m_ref[c] for c in range(_NC)], axis=1)
    idx = lax.broadcasted_iota(jnp.int32, cand.shape, 1)
    outs = []
    for _ in range(_K):
        m = jnp.max(cand, axis=1, keepdims=True)
        eq = cand == m
        pos = jnp.min(jnp.where(eq, idx, _NCH), axis=1, keepdims=True)
        cand = jnp.where(idx == pos, -1, cand)
        outs.append(pos)
    rows = lax.broadcasted_iota(jnp.int32, (_B, _K), 0)
    return jnp.concatenate(outs, axis=1) + rows * _NCH


def _select_body(llm_ref, slm_ref, il_ref, is_ref, ml_ref, ms_ref):
    step = pl.program_id(0)
    _keyed_chunk_max(llm_ref, ml_ref, step)
    _keyed_chunk_max(slm_ref, ms_ref, step)

    @pl.when(step == _NC - 1)
    def _():
        il_ref[...] = _topk_chunk_idx(ml_ref)
        is_ref[...] = _topk_chunk_idx(ms_ref)


def _select_chunks(iv_l, iv_s):
    return pl.pallas_call(
        _select_body,
        grid=(_NC,),
        in_specs=[
            pl.BlockSpec((_B, _CBLK), lambda c: (0, c)),
            pl.BlockSpec((_B, _CBLK), lambda c: (0, c)),
        ],
        out_specs=[
            pl.BlockSpec((_B, _K), lambda c: (0, 0)),
            pl.BlockSpec((_B, _K), lambda c: (0, 0)),
        ],
        out_shape=[
            jax.ShapeDtypeStruct((_B, _K), jnp.int32),
            jax.ShapeDtypeStruct((_B, _K), jnp.int32),
        ],
        scratch_shapes=[
            pltpu.VMEM((_NC, _B, _NSL), jnp.int32),
            pltpu.VMEM((_NC, _B, _NSL), jnp.int32),
        ],
    )(iv_l, iv_s)


@functools.lru_cache(maxsize=None)
def _build_sc_gather():
    mesh = plsc.VectorSubcoreMesh(core_axis_name="c", subcore_axis_name="s")

    @functools.partial(
        pl.kernel,
        mesh=mesh,
        out_type=[
            jax.ShapeDtypeStruct((_NIDX, _CW), jnp.int32),
            jax.ShapeDtypeStruct((_NIDX, _CW), jnp.int32),
        ],
        scratch_types=[
            pltpu.VMEM((_BPW,), jnp.int32),
            pltpu.VMEM((_BPW, _CW), jnp.int32),
            pltpu.SemaphoreType.DMA,
        ],
    )
    def gather(tl_hbm, ts_hbm, il_hbm, is_hbm, ol_hbm, os_hbm,
               idx_v, rows_v, sem):
        wid = lax.axis_index("s") * _SC_NC + lax.axis_index("c")
        base = wid * _BPW
        pltpu.sync_copy(il_hbm.at[pl.ds(base, _BPW)], idx_v)
        pltpu.async_copy(tl_hbm.at[idx_v], rows_v, sem).wait()
        pltpu.sync_copy(rows_v, ol_hbm.at[pl.ds(base, _BPW)])
        pltpu.sync_copy(is_hbm.at[pl.ds(base, _BPW)], idx_v)
        pltpu.async_copy(ts_hbm.at[idx_v], rows_v, sem).wait()
        pltpu.sync_copy(rows_v, os_hbm.at[pl.ds(base, _BPW)])

    return gather


def _sc_gather(tl, ts, il, isx):
    return _build_sc_gather()(tl, ts, il, isx)


def _merge_topk(cand):
    idx = lax.broadcasted_iota(jnp.int32, cand.shape, 1)
    n = cand.shape[1]
    outs = []
    for _ in range(_K):
        m = jnp.max(cand, axis=1, keepdims=True)
        eq = cand == m
        pos = jnp.min(jnp.where(eq, idx, n), axis=1, keepdims=True)
        cand = jnp.where(idx == pos, _NEG, cand)
        outs.append(m)
    return jnp.concatenate(outs, axis=1)


def _finish_body(cl_ref, cs_ref, w1t_ref, b1_ref, w2t_ref, b2_ref,
                 w3t_ref, b3_ref, out_ref):
    tl = _merge_topk(cl_ref[...])
    ts = _merge_topk(cs_ref[...])
    c = jnp.concatenate([tl, ts], axis=1)
    z1 = jnp.dot(c, w1t_ref[...], preferred_element_type=jnp.float32) + b1_ref[...]
    h1 = jnp.maximum(z1, 0.0)
    z2 = jnp.dot(h1, w2t_ref[...], preferred_element_type=jnp.float32) + b2_ref[...]
    h2 = jnp.maximum(z2, 0.0)
    z3 = jnp.dot(h2, w3t_ref[...], preferred_element_type=jnp.float32) + b3_ref[...]
    raw = jax.nn.sigmoid(z3)
    out_ref[...] = raw / jnp.sum(raw, axis=1, keepdims=True)


def _finish(cl32, cs32, w1t, b1r, w2t, b2r, w3t, b3r):
    full = lambda shape: pl.BlockSpec(shape, lambda: (0,) * len(shape))
    return pl.pallas_call(
        _finish_body,
        in_specs=[full(cl32.shape), full(cs32.shape),
                  full(w1t.shape), full(b1r.shape),
                  full(w2t.shape), full(b2r.shape),
                  full(w3t.shape), full(b3r.shape)],
        out_specs=full((_B, 2)),
        out_shape=jax.ShapeDtypeStruct((_B, 2), jnp.float32),
    )(cl32, cs32, w1t, b1r, w2t, b2r, w3t, b3r)


def _cand_values(g):
    h = jax.lax.bitcast_convert_type(g, jnp.float16)
    return h.reshape(_B, _K * _CW * 2).astype(jnp.float32)


def kernel(llm_logits, slm_logits, W1, b1, W2, b2, W3, b3):
    iv_l = jax.lax.bitcast_convert_type(
        llm_logits.reshape(_B, _VI, 2), jnp.int32)
    iv_s = jax.lax.bitcast_convert_type(
        slm_logits.reshape(_B, _VI, 2), jnp.int32)

    idx_l, idx_s = _select_chunks(iv_l, iv_s)

    gl, gs = _sc_gather(iv_l.reshape(_B * _NCH, _CW),
                        iv_s.reshape(_B * _NCH, _CW),
                        idx_l.reshape(_NIDX), idx_s.reshape(_NIDX))

    w1t = W1.T.astype(jnp.float32)
    w2t = W2.T.astype(jnp.float32)
    w3t = W3.T.astype(jnp.float32)
    b1r = b1.reshape(1, -1).astype(jnp.float32)
    b2r = b2.reshape(1, -1).astype(jnp.float32)
    b3r = b3.reshape(1, -1).astype(jnp.float32)

    out = _finish(_cand_values(gl), _cand_values(gs),
                  w1t, b1r, w2t, b2r, w3t, b3r)
    return out.astype(jnp.float16)

# --- scband reference (transcript-rebuilt; emitter-appended) ---
"""Pipeline reference for scband-weight-network-90898687852714 (READ-ONLY COPY).

The authoritative reference and input builder live on the scoring server;
editing this copy changes nothing except your own understanding.
"""

import jax, jax.numpy as jnp
import numpy as np

LOGIT_DIM = 10
B, V = 128, 32768


def _kaiming(key, out_dim, in_dim):
    std = np.sqrt(2.0 / in_dim)
    w = jax.random.normal(key, (out_dim, in_dim), dtype=jnp.float32) * std
    return w.astype(jnp.float16)


def setup_inputs(seed: int = 0) -> dict:
    key = jax.random.key(seed)
    ks = jax.random.split(key, 8)
    llm_logits = jax.random.normal(ks[0], (B, V), dtype=jnp.float32).astype(jnp.float16)
    slm_logits = jax.random.normal(ks[1], (B, V), dtype=jnp.float32).astype(jnp.float16)
    W1 = _kaiming(ks[2], 512, 2 * LOGIT_DIM)
    b1 = jnp.full((512,), 0.1, dtype=jnp.float16)
    W2 = _kaiming(ks[3], 16, 512)
    b2 = jnp.full((16,), 0.1, dtype=jnp.float16)
    W3 = _kaiming(ks[4], 2, 16)
    b3 = jnp.full((2,), 0.1, dtype=jnp.float16)
    return {"llm_logits": llm_logits, "slm_logits": slm_logits,
            "W1": W1, "b1": b1, "W2": W2, "b2": b2, "W3": W3, "b3": b3}


def reference(llm_logits, slm_logits, W1, b1, W2, b2, W3, b3):
    topk_llm = jax.lax.top_k(llm_logits, LOGIT_DIM)[0]
    topk_slm = jax.lax.top_k(slm_logits, LOGIT_DIM)[0]
    combined = jnp.concatenate([topk_llm, topk_slm], axis=-1)
    h = jax.nn.relu(combined @ W1.T + b1)
    h = jax.nn.relu(h @ W2.T + b2)
    raw_weights = jax.nn.sigmoid(h @ W3.T + b3)
    normalized_weights = raw_weights / jnp.sum(raw_weights, axis=-1, keepdims=True)
    return normalized_weights

if __name__ == "__main__":
    import jax
    _d = setup_inputs()
    print(jax.jit(kernel)(*tuple(_d.values())))

</pallas_src>

<mosaic_0001>
#map = affine_map<(d0, d1) -> (0, 0)>
#map1 = affine_map<(d0, d1) -> (0)>
module attributes {stable_mosaic.version = 14 : i64} {
  func.func @gather(%arg0: i32, %arg1: i32, %arg2: memref<16384x128xi32, #tpu.memory_space<hbm>>, %arg3: memref<16384x128xi32, #tpu.memory_space<hbm>>, %arg4: memref<1280xi32, #tpu.memory_space<hbm>>, %arg5: memref<1280xi32, #tpu.memory_space<hbm>>, %arg6: memref<1280x128xi32, #tpu.memory_space<hbm>>, %arg7: memref<1280x128xi32, #tpu.memory_space<hbm>>, %arg8: memref<40xi32, #tpu.memory_space<vmem>>, %arg9: memref<40x128xi32, #tpu.memory_space<vmem>>, %arg10: memref<!tpu.dma_semaphore, #tpu.memory_space<semaphore_mem>>) attributes {dimension_semantics = [#tpu.dimension_semantics<core_parallel>, #tpu.dimension_semantics<subcore_parallel>], iteration_bounds = array<i64: 2, 16>, scalar_prefetch = 0 : i64, scratch_operands = 3 : i64, tpu.core_type = #tpu.core_type<sc_vector_subcore>, window_params = [{transform_indices = #map}, {transform_indices = #map}, {transform_indices = #map1}, {transform_indices = #map1}, {transform_indices = #map}, {transform_indices = #map}]} {
    %mul3A = arith.constant 2 : i32
    %mul3A_0 = arith.muli %arg1, %mul3A : i32
    %add3A = arith.addi %mul3A_0, %arg0 : i32
    %mul3A_1 = arith.constant 40 : i32
    %mul3A_2 = arith.muli %add3A, %mul3A_1 : i32
    "tpu.region"() ({
      %run_scoped3A = tpu.sem_alloc : memref<!tpu.dma_semaphore, #tpu.memory_space<semaphore_mem>>
      %dma_start3A_13 = tpu.memref_slice %arg4[%mul3A_2] : memref<1280xi32, #tpu.memory_space<hbm>> -> memref<40xi32, #tpu.memory_space<hbm>>
      %dma_start3A_14 = tpu.memref_slice %arg4[%mul3A_2] : memref<1280xi32, #tpu.memory_space<hbm>> -> memref<40xi32, #tpu.memory_space<hbm>>
      tpu.enqueue_dma source(%dma_start3A_14 : memref<40xi32, #tpu.memory_space<hbm>>) target(%arg8 : memref<40xi32, #tpu.memory_space<vmem>>) target_semaphore(%run_scoped3A : memref<!tpu.dma_semaphore, #tpu.memory_space<semaphore_mem>>)
      %dma_wait3A_15 = tpu.memref_slice %arg4[%mul3A_2] : memref<1280xi32, #tpu.memory_space<hbm>> -> memref<40xi32, #tpu.memory_space<hbm>>
      %dma_wait3A_16 = tpu.memref_slice %arg4[%mul3A_2] : memref<1280xi32, #tpu.memory_space<hbm>> -> memref<40xi32, #tpu.memory_space<hbm>>
      tpu.wait_dma2 semaphore(%run_scoped3A : memref<!tpu.dma_semaphore, #tpu.memory_space<semaphore_mem>>) src(%dma_wait3A_16 : memref<40xi32, #tpu.memory_space<hbm>>) dst(%arg8 : memref<40xi32, #tpu.memory_space<vmem>>)
      tpu.yield
    }) : () -> ()
    %dma_start3A = arith.constant 0 : i32
    %dma_start3A_3 = arith.constant 0 : i32
    %dma_start3A_4 = tpu.memref_slice %arg2[%dma_start3A, %dma_start3A_3] : memref<16384x128xi32, #tpu.memory_space<hbm>> -> memref<16384x128xi32, #tpu.memory_space<hbm>>
    tpu.enqueue_indirect_dma source(%dma_start3A_4 : memref<16384x128xi32, #tpu.memory_space<hbm>>) target(%arg9 : memref<40x128xi32, #tpu.memory_space<vmem>>) offsets(%arg8 : memref<40xi32, #tpu.memory_space<vmem>>) semaphore(%arg10 : memref<!tpu.dma_semaphore, #tpu.memory_space<semaphore_mem>>)
    %dma_wait3A = arith.constant 0 : i32
    %dma_wait3A_5 = arith.constant 0 : i32
    %dma_wait3A_6 = tpu.memref_slice %arg2[%dma_wait3A, %dma_wait3A_5] : memref<16384x128xi32, #tpu.memory_space<hbm>> -> memref<16384x128xi32, #tpu.memory_space<hbm>>
    tpu.wait_indirect_dma semaphore(%arg10 : memref<!tpu.dma_semaphore, #tpu.memory_space<semaphore_mem>>) src(%dma_wait3A_6 : memref<16384x128xi32, #tpu.memory_space<hbm>>) dst(%arg9 : memref<40x128xi32, #tpu.memory_space<vmem>>)
    "tpu.region"() ({
      %run_scoped3A = tpu.sem_alloc : memref<!tpu.dma_semaphore, #tpu.memory_space<semaphore_mem>>
      %dma_start3A_13 = arith.constant 0 : i32
      %dma_start3A_14 = tpu.memref_slice %arg6[%mul3A_2, %dma_start3A_13] : memref<1280x128xi32, #tpu.memory_space<hbm>> -> memref<40x128xi32, #tpu.memory_space<hbm>>
      %dma_start3A_15 = arith.constant 0 : i32
      %dma_start3A_16 = tpu.memref_slice %arg6[%mul3A_2, %dma_start3A_15] : memref<1280x128xi32, #tpu.memory_space<hbm>> -> memref<40x128xi32, #tpu.memory_space<hbm>>
      tpu.enqueue_dma source(%arg9 : memref<40x128xi32, #tpu.memory_space<vmem>>) target(%dma_start3A_16 : memref<40x128xi32, #tpu.memory_space<hbm>>) target_semaphore(%run_scoped3A : memref<!tpu.dma_semaphore, #tpu.memory_space<semaphore_mem>>)
      %dma_wait3A_17 = arith.constant 0 : i32
      %dma_wait3A_18 = tpu.memref_slice %arg6[%mul3A_2, %dma_wait3A_17] : memref<1280x128xi32, #tpu.memory_space<hbm>> -> memref<40x128xi32, #tpu.memory_space<hbm>>
      %dma_wait3A_19 = arith.constant 0 : i32
      %dma_wait3A_20 = tpu.memref_slice %arg6[%mul3A_2, %dma_wait3A_19] : memref<1280x128xi32, #tpu.memory_space<hbm>> -> memref<40x128xi32, #tpu.memory_space<hbm>>
      tpu.wait_dma2 semaphore(%run_scoped3A : memref<!tpu.dma_semaphore, #tpu.memory_space<semaphore_mem>>) src(%arg9 : memref<40x128xi32, #tpu.memory_space<vmem>>) dst(%dma_wait3A_20 : memref<40x128xi32, #tpu.memory_space<hbm>>)
      tpu.yield
    }) : () -> ()
    "tpu.region"() ({
      %run_scoped3A = tpu.sem_alloc : memref<!tpu.dma_semaphore, #tpu.memory_space<semaphore_mem>>
      %dma_start3A_13 = tpu.memref_slice %arg5[%mul3A_2] : memref<1280xi32, #tpu.memory_space<hbm>> -> memref<40xi32, #tpu.memory_space<hbm>>
      %dma_start3A_14 = tpu.memref_slice %arg5[%mul3A_2] : memref<1280xi32, #tpu.memory_space<hbm>> -> memref<40xi32, #tpu.memory_space<hbm>>
      tpu.enqueue_dma source(%dma_start3A_14 : memref<40xi32, #tpu.memory_space<hbm>>) target(%arg8 : memref<40xi32, #tpu.memory_space<vmem>>) target_semaphore(%run_scoped3A : memref<!tpu.dma_semaphore, #tpu.memory_space<semaphore_mem>>)
      %dma_wait3A_15 = tpu.memref_slice %arg5[%mul3A_2] : memref<1280xi32, #tpu.memory_space<hbm>> -> memref<40xi32, #tpu.memory_space<hbm>>
      %dma_wait3A_16 = tpu.memref_slice %arg5[%mul3A_2] : memref<1280xi32, #tpu.memory_space<hbm>> -> memref<40xi32, #tpu.memory_space<hbm>>
      tpu.wait_dma2 semaphore(%run_scoped3A : memref<!tpu.dma_semaphore, #tpu.memory_space<semaphore_mem>>) src(%dma_wait3A_16 : memref<40xi32, #tpu.memory_space<hbm>>) dst(%arg8 : memref<40xi32, #tpu.memory_space<vmem>>)
      tpu.yield
    }) : () -> ()
    %dma_start3A_7 = arith.constant 0 : i32
    %dma_start3A_8 = arith.constant 0 : i32
    %dma_start3A_9 = tpu.memref_slice %arg3[%dma_start3A_7, %dma_start3A_8] : memref<16384x128xi32, #tpu.memory_space<hbm>> -> memref<16384x128xi32, #tpu.memory_space<hbm>>
    tpu.enqueue_indirect_dma source(%dma_start3A_9 : memref<16384x128xi32, #tpu.memory_space<hbm>>) target(%arg9 : memref<40x128xi32, #tpu.memory_space<vmem>>) offsets(%arg8 : memref<40xi32, #tpu.memory_space<vmem>>) semaphore(%arg10 : memref<!tpu.dma_semaphore, #tpu.memory_space<semaphore_mem>>)
    %dma_wait3A_10 = arith.constant 0 : i32
    %dma_wait3A_11 = arith.constant 0 : i32
    %dma_wait3A_12 = tpu.memref_slice %arg3[%dma_wait3A_10, %dma_wait3A_11] : memref<16384x128xi32, #tpu.memory_space<hbm>> -> memref<16384x128xi32, #tpu.memory_space<hbm>>
    tpu.wait_indirect_dma semaphore(%arg10 : memref<!tpu.dma_semaphore, #tpu.memory_space<semaphore_mem>>) src(%dma_wait3A_12 : memref<16384x128xi32, #tpu.memory_space<hbm>>) dst(%arg9 : memref<40x128xi32, #tpu.memory_space<vmem>>)
    "tpu.region"() ({
      %run_scoped3A = tpu.sem_alloc : memref<!tpu.dma_semaphore, #tpu.memory_space<semaphore_mem>>
      %dma_start3A_13 = arith.constant 0 : i32
      %dma_start3A_14 = tpu.memref_slice %arg7[%mul3A_2, %dma_start3A_13] : memref<1280x128xi32, #tpu.memory_space<hbm>> -> memref<40x128xi32, #tpu.memory_space<hbm>>
      %dma_start3A_15 = arith.constant 0 : i32
      %dma_start3A_16 = tpu.memref_slice %arg7[%mul3A_2, %dma_start3A_15] : memref<1280x128xi32, #tpu.memory_space<hbm>> -> memref<40x128xi32, #tpu.memory_space<hbm>>
      tpu.enqueue_dma source(%arg9 : memref<40x128xi32, #tpu.memory_space<vmem>>) target(%dma_start3A_16 : memref<40x128xi32, #tpu.memory_space<hbm>>) target_semaphore(%run_scoped3A : memref<!tpu.dma_semaphore, #tpu.memory_space<semaphore_mem>>)
      %dma_wait3A_17 = arith.constant 0 : i32
      %dma_wait3A_18 = tpu.memref_slice %arg7[%mul3A_2, %dma_wait3A_17] : memref<1280x128xi32, #tpu.memory_space<hbm>> -> memref<40x128xi32, #tpu.memory_space<hbm>>
      %dma_wait3A_19 = arith.constant 0 : i32
      %dma_wait3A_20 = tpu.memref_slice %arg7[%mul3A_2, %dma_wait3A_19] : memref<1280x128xi32, #tpu.memory_space<hbm>> -> memref<40x128xi32, #tpu.memory_space<hbm>>
      tpu.wait_dma2 semaphore(%run_scoped3A : memref<!tpu.dma_semaphore, #tpu.memory_space<semaphore_mem>>) src(%arg9 : memref<40x128xi32, #tpu.memory_space<vmem>>) dst(%dma_wait3A_20 : memref<40x128xi32, #tpu.memory_space<hbm>>)
      tpu.yield
    }) : () -> ()
    return
  }
}

module attributes {stable_mosaic.version = 14 : i64} {
  func.func @_select_body(%arg0: i32, %arg1: memref<128x4096xi32, #tpu.memory_space<vmem>>, %arg2: memref<128x4096xi32, #tpu.memory_space<vmem>>, %arg3: memref<128x10xi32, #tpu.memory_space<vmem>>, %arg4: memref<128x10xi32, #tpu.memory_space<vmem>>, %arg5: memref<4x128x32xi32, #tpu.memory_space<vmem>>, %arg6: memref<4x128x32xi32, #tpu.memory_space<vmem>>) attributes {dimension_semantics = [#tpu.dimension_semantics<arbitrary>], iteration_bounds = array<i64: 4>, scalar_prefetch = 0 : i64, scratch_operands = 2 : i64, tpu.core_type = #tpu.core_type<tc>, window_params = [{transform_indices = @transform_0, window_bounds = array<i64: 128, 4096>}, {transform_indices = @transform_1, window_bounds = array<i64: 128, 4096>}, {pipeline_mode = #tpu.pipeline_mode<synchronous>, transform_indices = @transform_2, window_bounds = array<i64: 128, 10>}, {pipeline_mode = #tpu.pipeline_mode<synchronous>, transform_indices = @transform_3, window_bounds = array<i64: 128, 10>}]} {
    %get3A = arith.constant 0 : index
    %get3A_0 = arith.constant 0 : index
    %get3A_1 = vector.load %arg1[%get3A, %get3A_0] : memref<128x4096xi32, #tpu.memory_space<vmem>>, vector<128x128xi32>
    %and3A = arith.constant 65535 : i32
    %and3A_2 = vector.broadcast %and3A : i32 to vector<128x128xi32>
    %and3A_3 = arith.andi %get3A_1, %and3A_2 : vector<128x128xi32>
    %shift_right_arithmetic3A = arith.constant 16 : i32
    %shift_right_arithmetic3A_4 = vector.broadcast %shift_right_arithmetic3A : i32 to vector<128x128xi32>
    %shift_right_arithmetic3A_5 = arith.shrsi %get3A_1, %shift_right_arithmetic3A_4 : vector<128x128xi32>
    %and3A_6 = arith.constant 65535 : i32
    %and3A_7 = vector.broadcast %and3A_6 : i32 to vector<128x128xi32>
    %and3A_8 = arith.andi %shift_right_arithmetic3A_5, %and3A_7 : vector<128x128xi32>
    %ge3A = arith.constant 32768 : i32
    %ge3A_9 = vector.broadcast %ge3A : i32 to vector<128x128xi32>
    %ge3A_10 = arith.cmpi sge, %and3A_3, %ge3A_9 : vector<128x128xi32>
    %sub3A = arith.constant 65535 : i32
    %sub3A_11 = vector.broadcast %sub3A : i32 to vector<128x128xi32>
    %sub3A_12 = arith.subi %sub3A_11, %and3A_3 : vector<128x128xi32>
    %add3A = arith.constant 32768 : i32
    %add3A_13 = vector.broadcast %add3A : i32 to vector<128x128xi32>
    %add3A_14 = arith.addi %and3A_3, %add3A_13 : vector<128x128xi32>
    %select_n3A = arith.select %ge3A_10, %sub3A_12, %add3A_14 : vector<128x128xi1>, vector<128x128xi32>
    %ge3A_15 = arith.constant 32768 : i32
    %ge3A_16 = vector.broadcast %ge3A_15 : i32 to vector<128x128xi32>
    %ge3A_17 = arith.cmpi sge, %and3A_8, %ge3A_16 : vector<128x128xi32>
    %sub3A_18 = arith.constant 65535 : i32
    %sub3A_19 = vector.broadcast %sub3A_18 : i32 to vector<128x128xi32>
    %sub3A_20 = arith.subi %sub3A_19, %and3A_8 : vector<128x128xi32>
    %add3A_21 = arith.constant 32768 : i32
    %add3A_22 = vector.broadcast %add3A_21 : i32 to vector<128x128xi32>
    %add3A_23 = arith.addi %and3A_8, %add3A_22 : vector<128x128xi32>
    %select_n3A_24 = arith.select %ge3A_17, %sub3A_20, %add3A_23 : vector<128x128xi1>, vector<128x128xi32>
    %max3A = arith.maxsi %select_n3A, %select_n3A_24 : vector<128x128xi32>
    %reduce_max3A = arith.constant dense<-2147483648> : vector<128xi32>
    %reduce_max3A_25 = vector.multi_reduction <maxsi>, %max3A, %reduce_max3A [1] : vector<128x128xi32> to vector<128xi32>
    %broadcast_in_dim3A = vector.shape_cast %reduce_max3A_25 : vector<128xi32> to vector<128x1xi32>
    %get3A_26 = arith.constant 0 : index
    %get3A_27 = arith.constant 128 : index
    %get3A_28 = vector.load %arg1[%get3A_26, %get3A_27] : memref<128x4096xi32, #tpu.memory_space<vmem>>, vector<128x128xi32>
    %and3A_29 = arith.constant 65535 : i32
    %and3A_30 = vector.broadcast %and3A_29 : i32 to vector<128x128xi32>
    %and3A_31 = arith.andi %get3A_28, %and3A_30 : vector<128x128xi32>
    %shift_right_arithmetic3A_32 = arith.constant 16 : i32
    %shift_right_arithmetic3A_33 = vector.broadcast %shift_right_arithmetic3A_32 : i32 to vector<128x128xi32>
    %shift_right_arithmetic3A_34 = arith.shrsi %get3A_28, %shift_right_arithmetic3A_33 : vector<128x128xi32>
    %and3A_35 = arith.constant 65535 : i32
    %and3A_36 = vector.broadcast %and3A_35 : i32 to vector<128x128xi32>
    %and3A_37 = arith.andi %shift_right_arithmetic3A_34, %and3A_36 : vector<128x128xi32>
    %ge3A_38 = arith.constant 32768 : i32
    %ge3A_39 = vector.broadcast %ge3A_38 : i32 to vector<128x128xi32>
    %ge3A_40 = arith.cmpi sge, %and3A_31, %ge3A_39 : vector<128x128xi32>
    %sub3A_41 = arith.constant 65535 : i32
    %sub3A_42 = vector.broadcast %sub3A_41 : i32 to vector<128x128xi32>
    %sub3A_43 = arith.subi %sub3A_42, %and3A_31 : vector<128x128xi32>
    %add3A_44 = arith.constant 32768 : i32
    %add3A_45 = vector.broadcast %add3A_44 : i32 to vector<128x128xi32>
    %add3A_46 = arith.addi %and3A_31, %add3A_45 : vector<128x128xi32>
    %select_n3A_47 = arith.select %ge3A_40, %sub3A_43, %add3A_46 : vector<128x128xi1>, vector<128x128xi32>
    %ge3A_48 = arith.constant 32768 : i32
    %ge3A_49 = vector.broadcast %ge3A_48 : i32 to vector<128x128xi32>
    %ge3A_50 = arith.cmpi sge, %and3A_37, %ge3A_49 : vector<128x128xi32>
    %sub3A_51 = arith.constant 65535 : i32
    %sub3A_52 = vector.broadcast %sub3A_51 : i32 to vector<128x128xi32>
    %sub3A_53 = arith.subi %sub3A_52, %and3A_37 : vector<128x128xi32>
    %add3A_54 = arith.constant 32768 : i32
    %add3A_55 = vector.broadcast %add3A_54 : i32 to vector<128x128xi32>
    %add3A_56 = arith.addi %and3A_37, %add3A_55 : vector<128x128xi32>
    %select_n3A_57 = arith.select %ge3A_50, %sub3A_53, %add3A_56 : vector<128x128xi1>, vector<128x128xi32>
    %max3A_58 = arith.maxsi %select_n3A_47, %select_n3A_57 : vector<128x128xi32>
    %reduce_max3A_59 = arith.constant dense<-2147483648> : vector<128xi32>
    %reduce_max3A_60 = vector.multi_reduction <maxsi>, %max3A_58, %reduce_max3A_59 [1] : vector<128x128xi32> to vector<128xi32>
    %broadcast_in_dim3A_61 = vector.shape_cast %reduce_max3A_60 : vector<128xi32> to vector<128x1xi32>
    %get3A_62 = arith.constant 0 : index
    %get3A_63 = arith.constant 256 : index
    %get3A_64 = vector.load %arg1[%get3A_62, %get3A_63] : memref<128x4096xi32, #tpu.memory_space<vmem>>, vector<128x128xi32>
    %and3A_65 = arith.constant 65535 : i32
    %and3A_66 = vector.broadcast %and3A_65 : i32 to vector<128x128xi32>
    %and3A_67 = arith.andi %get3A_64, %and3A_66 : vector<128x128xi32>
    %shift_right_arithmetic3A_68 = arith.constant 16 : i32
    %shift_right_arithmetic3A_69 = vector.broadcast %shift_right_arithmetic3A_68 : i32 to vector<128x128xi32>
    %shift_right_arithmetic3A_70 = arith.shrsi %get3A_64, %shift_right_arithmetic3A_69 : vector<128x128xi32>
    %and3A_71 = arith.constant 65535 : i32
    %and3A_72 = vector.broadcast %and3A_71 : i32 to vector<128x128xi32>
    %and3A_73 = arith.andi %shift_right_arithmetic3A_70, %and3A_72 : vector<128x128xi32>
    %ge3A_74 = arith.constant 32768 : i32
    %ge3A_75 = vector.broadcast %ge3A_74 : i32 to vector<128x128xi32>
    %ge3A_76 = arith.cmpi sge, %and3A_67, %ge3A_75 : vector<128x128xi32>
    %sub3A_77 = arith.constant 65535 : i32
    %sub3A_78 = vector.broadcast %sub3A_77 : i32 to vector<128x128xi32>
    %sub3A_79 = arith.subi %sub3A_78, %and3A_67 : vector<128x128xi32>
    %add3A_80 = arith.constant 32768 : i32
    %add3A_81 = vector.broadcast %add3A_80 : i32 to vector<128x128xi32>
    %add3A_82 = arith.addi %and3A_67, %add3A_81 : vector<128x128xi32>
    %select_n3A_83 = arith.select %ge3A_76, %sub3A_79, %add3A_82 : vector<128x128xi1>, vector<128x128xi32>
    %ge3A_84 = arith.constant 32768 : i32
    %ge3A_85 = vector.broadcast %ge3A_84 : i32 to vector<128x128xi32>
    %ge3A_86 = arith.cmpi sge, %and3A_73, %ge3A_85 : vector<128x128xi32>
    %sub3A_87 = arith.constant 65535 : i32
    %sub3A_88 = vector.broadcast %sub3A_87 : i32 to vector<128x128xi32>
    %sub3A_89 = arith.subi %sub3A_88, %and3A_73 : vector<128x128xi32>
    %add3A_90 = arith.constant 32768 : i32
    %add3A_91 = vector.broadcast %add3A_90 : i32 to vector<128x128xi32>
    %add3A_92 = arith.addi %and3A_73, %add3A_91 : vector<128x128xi32>
    %select_n3A_93 = arith.select %ge3A_86, %sub3A_89, %add3A_92 : vector<128x128xi1>, vector<128x128xi32>
    %max3A_94 = arith.maxsi %select_n3A_83, %select_n3A_93 : vector<128x128xi32>
    %reduce_max3A_95 = arith.constant dense<-2147483648> : vector<128xi32>
    %reduce_max3A_96 = vector.multi_reduction <maxsi>, %max3A_94, %reduce_max3A_95 [1] : vector<128x128xi32> to vector<128xi32>
    %broadcast_in_dim3A_97 = vector.shape_cast %reduce_max3A_96 : vector<128xi32> to vector<128x1xi32>
    %get3A_98 = arith.constant 0 : index
    %get3A_99 = arith.constant 384 : index
    %get3A_100 = vector.load %arg1[%get3A_98, %get3A_99] : memref<128x4096xi32, #tpu.memory_space<vmem>>, vector<128x128xi32>
    %and3A_101 = arith.constant 65535 : i32
    %and3A_102 = vector.broadcast %and3A_101 : i32 to vector<128x128xi32>
    %and3A_103 = arith.andi %get3A_100, %and3A_102 : vector<128x128xi32>
    %shift_right_arithmetic3A_104 = arith.constant 16 : i32
    %shift_right_arithmetic3A_105 = vector.broadcast %shift_right_arithmetic3A_104 : i32 to vector<128x128xi32>
    %shift_right_arithmetic3A_106 = arith.shrsi %get3A_100, %shift_right_arithmetic3A_105 : vector<128x128xi32>
    %and3A_107 = arith.constant 65535 : i32
    %and3A_108 = vector.broadcast %and3A_107 : i32 to vector<128x128xi32>
    %and3A_109 = arith.andi %shift_right_arithmetic3A_106, %and3A_108 : vector<128x128xi32>
    %ge3A_110 = arith.constant 32768 : i32
    %ge3A_111 = vector.broadcast %ge3A_110 : i32 to vector<128x128xi32>
    %ge3A_112 = arith.cmpi sge, %and3A_103, %ge3A_111 : vector<128x128xi32>
    %sub3A_113 = arith.constant 65535 : i32
    %sub3A_114 = vector.broadcast %sub3A_113 : i32 to vector<128x128xi32>
    %sub3A_115 = arith.subi %sub3A_114, %and3A_103 : vector<128x128xi32>
    %add3A_116 = arith.constant 32768 : i32
    %add3A_117 = vector.broadcast %add3A_116 : i32 to vector<128x128xi32>
    %add3A_118 = arith.addi %and3A_103, %add3A_117 : vector<128x128xi32>
    %select_n3A_119 = arith.select %ge3A_112, %sub3A_115, %add3A_118 : vector<128x128xi1>, vector<128x128xi32>
    %ge3A_120 = arith.constant 32768 : i32
    %ge3A_121 = vector.broadcast %ge3A_120 : i32 to vector<128x128xi32>
    %ge3A_122 = arith.cmpi sge, %and3A_109, %ge3A_121 : vector<128x128xi32>
    %sub3A_123 = arith.constant 65535 : i32
    %sub3A_124 = vector.broadcast %sub3A_123 : i32 to vector<128x128xi32>
    %sub3A_125 = arith.subi %sub3A_124, %and3A_109 : vector<128x128xi32>
    %add3A_126 = arith.constant 32768 : i32
    %add3A_127 = vector.broadcast %add3A_126 : i32 to vector<128x128xi32>
    %add3A_128 = arith.addi %and3A_109, %add3A_127 : vector<128x128xi32>
    %select_n3A_129 = arith.select %ge3A_122, %sub3A_125, %add3A_128 : vector<128x128xi1>, vector<128x128xi32>
    %max3A_130 = arith.maxsi %select_n3A_119, %select_n3A_129 : vector<128x128xi32>
    %reduce_max3A_131 = arith.constant dense<-2147483648> : vector<128xi32>
    %reduce_max3A_132 = vector.multi_reduction <maxsi>, %max3A_130, %reduce_max3A_131 [1] : vector<128x128xi32> to vector<128xi32>
    %broadcast_in_dim3A_133 = vector.shape_cast %reduce_max3A_132 : vector<128xi32> to vector<128x1xi32>
    %get3A_134 = arith.constant 0 : index
    %get3A_135 = arith.constant 512 : index
    %get3A_136 = vector.load %arg1[%get3A_134, %get3A_135] : memref<128x4096xi32, #tpu.memory_space<vmem>>, vector<128x128xi32>
    %and3A_137 = arith.constant 65535 : i32
    %and3A_138 = vector.broadcast %and3A_137 : i32 to vector<128x128xi32>
    %and3A_139 = arith.andi %get3A_136, %and3A_138 : vector<128x128xi32>
    %shift_right_arithmetic3A_140 = arith.constant 16 : i32
    %shift_right_arithmetic3A_141 = vector.broadcast %shift_right_arithmetic3A_140 : i32 to vector<128x128xi32>
    %shift_right_arithmetic3A_142 = arith.shrsi %get3A_136, %shift_right_arithmetic3A_141 : vector<128x128xi32>
    %and3A_143 = arith.constant 65535 : i32
    %and3A_144 = vector.broadcast %and3A_143 : i32 to vector<128x128xi32>
    %and3A_145 = arith.andi %shift_right_arithmetic3A_142, %and3A_144 : vector<128x128xi32>
    %ge3A_146 = arith.constant 32768 : i32
    %ge3A_147 = vector.broadcast %ge3A_146 : i32 to vector<128x128xi32>
    %ge3A_148 = arith.cmpi sge, %and3A_139, %ge3A_147 : vector<128x128xi32>
    %sub3A_149 = arith.constant 65535 : i32
    %sub3A_150 = vector.broadcast %sub3A_149 : i32 to vector<128x128xi32>
    %sub3A_151 = arith.subi %sub3A_150, %and3A_139 : vector<128x128xi32>
    %add3A_152 = arith.constant 32768 : i32
    %add3A_153 = vector.broadcast %add3A_152 : i32 to vector<128x128xi32>
    %add3A_154 = arith.addi %and3A_139, %add3A_153 : vector<128x128xi32>
    %select_n3A_155 = arith.select %ge3A_148, %sub3A_151, %add3A_154 : vector<128x128xi1>, vector<128x128xi32>
    %ge3A_156 = arith.constant 32768 : i32
    %ge3A_157 = vector.broadcast %ge3A_156 : i32 to vector<128x128xi32>
    %ge3A_158 = arith.cmpi sge, %and3A_145, %ge3A_157 : vector<128x128xi32>
    %sub3A_159 = arith.constant 65535 : i32
    %sub3A_160 = vector.broadcast %sub3A_159 : i32 to vector<128x128xi32>
    %sub3A_161 = arith.subi %sub3A_160, %and3A_145 : vector<128x128xi32>
    %add3A_162 = arith.constant 32768 : i32
    %add3A_163 = vector.broadcast %add3A_162 : i32 to vector<128x128xi32>
    %add3A_164 = arith.addi %and3A_145, %add3A_163 : vector<128x128xi32>
    %select_n3A_165 = arith.select %ge3A_158, %sub3A_161, %add3A_164 : vector<128x128xi1>, vector<128x128xi32>
    %max3A_166 = arith.maxsi %select_n3A_155, %select_n3A_165 : vector<128x128xi32>
    %reduce_max3A_167 = arith.constant dense<-2147483648> : vector<128xi32>
    %reduce_max3A_168 = vector.multi_reduction <maxsi>, %max3A_166, %reduce_max3A_167 [1] : vector<128x128xi32> to vector<128xi32>
    %broadcast_in_dim3A_169 = vector.shape_cast %reduce_max3A_168 : vector<128xi32> to vector<128x1xi32>
    %get3A_170 = arith.constant 0 : index
    %get3A_171 = arith.constant 640 : index
    %get3A_172 = vector.load %arg1[%get3A_170, %get3A_171] : memref<128x4096xi32, #tpu.memory_space<vmem>>, vector<128x128xi32>
    %and3A_173 = arith.constant 65535 : i32
    %and3A_174 = vector.broadcast %and3A_173 : i32 to vector<128x128xi32>
    %and3A_175 = arith.andi %get3A_172, %and3A_174 : vector<128x128xi32>
    %shift_right_arithmetic3A_176 = arith.constant 16 : i32
    %shift_right_arithmetic3A_177 = vector.broadcast %shift_right_arithmetic3A_176 : i32 to vector<128x128xi32>
    %shift_right_arithmetic3A_178 = arith.shrsi %get3A_172, %shift_right_arithmetic3A_177 : vector<128x128xi32>
    %and3A_179 = arith.constant 65535 : i32
    %and3A_180 = vector.broadcast %and3A_179 : i32 to vector<128x128xi32>
    %and3A_181 = arith.andi %shift_right_arithmetic3A_178, %and3A_180 : vector<128x128xi32>
    %ge3A_182 = arith.constant 32768 : i32
    %ge3A_183 = vector.broadcast %ge3A_182 : i32 to vector<128x128xi32>
    %ge3A_184 = arith.cmpi sge, %and3A_175, %ge3A_183 : vector<128x128xi32>
    %sub3A_185 = arith.constant 65535 : i32
    %sub3A_186 = vector.broadcast %sub3A_185 : i32 to vector<128x128xi32>
    %sub3A_187 = arith.subi %sub3A_186, %and3A_175 : vector<128x128xi32>
    %add3A_188 = arith.constant 32768 : i32
    %add3A_189 = vector.broadcast %add3A_188 : i32 to vector<128x128xi32>
    %add3A_190 = arith.addi %and3A_175, %add3A_189 : vector<128x128xi32>
    %select_n3A_191 = arith.select %ge3A_184, %sub3A_187, %add3A_190 : vector<128x128xi1>, vector<128x128xi32>
    %ge3A_192 = arith.constant 32768 : i32
    %ge3A_193 = vector.broadcast %ge3A_192 : i32 to vector<128x128xi32>
    %ge3A_194 = arith.cmpi sge, %and3A_181, %ge3A_193 : vector<128x128xi32>
    %sub3A_195 = arith.constant 65535 : i32
    %sub3A_196 = vector.broadcast %sub3A_195 : i32 to vector<128x128xi32>
    %sub3A_197 = arith.subi %sub3A_196, %and3A_181 : vector<128x128xi32>
    %add3A_198 = arith.constant 32768 : i32
    %add3A_199 = vector.broadcast %add3A_198 : i32 to vector<128x128xi32>
    %add3A_200 = arith.addi %and3A_181, %add3A_199 : vector<128x128xi32>
    %select_n3A_201 = arith.select %ge3A_194, %sub3A_197, %add3A_200 : vector<128x128xi1>, vector<128x128xi32>
    %max3A_202 = arith.maxsi %select_n3A_191, %select_n3A_201 : vector<128x128xi32>
    %reduce_max3A_203 = arith.constant dense<-2147483648> : vector<128xi32>
    %reduce_max3A_204 = vector.multi_reduction <maxsi>, %max3A_202, %reduce_max3A_203 [1] : vector<128x128xi32> to vector<128xi32>
    %broadcast_in_dim3A_205 = vector.shape_cast %reduce_max3A_204 : vector<128xi32> to vector<128x1xi32>
    %get3A_206 = arith.constant 0 : index
    %get3A_207 = arith.constant 768 : index
    %get3A_208 = vector.load %arg1[%get3A_206, %get3A_207] : memref<128x4096xi32, #tpu.memory_space<vmem>>, vector<128x128xi32>
    %and3A_209 = arith.constant 65535 : i32
    %and3A_210 = vector.broadcast %and3A_209 : i32 to vector<128x128xi32>
    %and3A_211 = arith.andi %get3A_208, %and3A_210 : vector<128x128xi32>
    %shift_right_arithmetic3A_212 = arith.constant 16 : i32
    %shift_right_arithmetic3A_213 = vector.broadcast %shift_right_arithmetic3A_212 : i32 to vector<128x128xi32>
    %shift_right_arithmetic3A_214 = arith.shrsi %get3A_208, %shift_right_arithmetic3A_213 : vector<128x128xi32>
    %and3A_215 = arith.constant 65535 : i32
    %and3A_216 = vector.broadcast %and3A_215 : i32 to vector<128x128xi32>
    %and3A_217 = arith.andi %shift_right_arithmetic3A_214, %and3A_216 : vector<128x128xi32>
    %ge3A_218 = arith.constant 32768 : i32
    %ge3A_219 = vector.broadcast %ge3A_218 : i32 to vector<128x128xi32>
    %ge3A_220 = arith.cmpi sge, %and3A_211, %ge3A_219 : vector<128x128xi32>
    %sub3A_221 = arith.constant 65535 : i32
    %sub3A_222 = vector.broadcast %sub3A_221 : i32 to vector<128x128xi32>
    %sub3A_223 = arith.subi %sub3A_222, %and3A_211 : vector<128x128xi32>
    %add3A_224 = arith.constant 32768 : i32
    %add3A_225 = vector.broadcast %add3A_224 : i32 to vector<128x128xi32>
    %add3A_226 = arith.addi %and3A_211, %add3A_225 : vector<128x128xi32>
    %select_n3A_227 = arith.select %ge3A_220, %sub3A_223, %add3A_226 : vector<128x128xi1>, vector<128x128xi32>
    %ge3A_228 = arith.constant 32768 : i32
    %ge3A_229 = vector.broadcast %ge3A_228 : i32 to vector<128x128xi32>
    %ge3A_230 = arith.cmpi sge, %and3A_217, %ge3A_229 : vector<128x128xi32>
    %sub3A_231 = arith.constant 65535 : i32
    %sub3A_232 = vector.broadcast %sub3A_231 : i32 to vector<128x128xi32>
    %sub3A_233 = arith.subi %sub3A_232, %and3A_217 : vector<128x128xi32>
    %add3A_234 = arith.constant 32768 : i32
    %add3A_235 = vector.broadcast %add3A_234 : i32 to vector<128x128xi32>
    %add3A_236 = arith.addi %and3A_217, %add3A_235 : vector<128x128xi32>
    %select_n3A_237 = arith.select %ge3A_230, %sub3A_233, %add3A_236 : vector<128x128xi1>, vector<128x128xi32>
    %max3A_238 = arith.maxsi %select_n3A_227, %select_n3A_237 : vector<128x128xi32>
    %reduce_max3A_239 = arith.constant dense<-2147483648> : vector<128xi32>
    %reduce_max3A_240 = vector.multi_reduction <maxsi>, %max3A_238, %reduce_max3A_239 [1] : vector<128x128xi32> to vector<128xi32>
    %broadcast_in_dim3A_241 = vector.shape_cast %reduce_max3A_240 : vector<128xi32> to vector<128x1xi32>
    %get3A_242 = arith.constant 0 : index
    %get3A_243 = arith.constant 896 : index
    %get3A_244 = vector.load %arg1[%get3A_242, %get3A_243] : memref<128x4096xi32, #tpu.memory_space<vmem>>, vector<128x128xi32>
    %and3A_245 = arith.constant 65535 : i32
    %and3A_246 = vector.broadcast %and3A_245 : i32 to vector<128x128xi32>
    %and3A_247 = arith.andi %get3A_244, %and3A_246 : vector<128x128xi32>
    %shift_right_arithmetic3A_248 = arith.constant 16 : i32
    %shift_right_arithmetic3A_249 = vector.broadcast %shift_right_arithmetic3A_248 : i32 to vector<128x128xi32>
    %shift_right_arithmetic3A_250 = arith.shrsi %get3A_244, %shift_right_arithmetic3A_249 : vector<128x128xi32>
    %and3A_251 = arith.constant 65535 : i32
    %and3A_252 = vector.broadcast %and3A_251 : i32 to vector<128x128xi32>
    %and3A_253 = arith.andi %shift_right_arithmetic3A_250, %and3A_252 : vector<128x128xi32>
    %ge3A_254 = arith.constant 32768 : i32
    %ge3A_255 = vector.broadcast %ge3A_254 : i32 to vector<128x128xi32>
    %ge3A_256 = arith.cmpi sge, %and3A_247, %ge3A_255 : vector<128x128xi32>
    %sub3A_257 = arith.constant 65535 : i32
    %sub3A_258 = vector.broadcast %sub3A_257 : i32 to vector<128x128xi32>
    %sub3A_259 = arith.subi %sub3A_258, %and3A_247 : vector<128x128xi32>
    %add3A_260 = arith.constant 32768 : i32
    %add3A_261 = vector.broadcast %add3A_260 : i32 to vector<128x128xi32>
    %add3A_262 = arith.addi %and3A_247, %add3A_261 : vector<128x128xi32>
    %select_n3A_263 = arith.select %ge3A_256, %sub3A_259, %add3A_262 : vector<128x128xi1>, vector<128x128xi32>
    %ge3A_264 = arith.constant 32768 : i32
    %ge3A_265 = vector.broadcast %ge3A_264 : i32 to vector<128x128xi32>
    %ge3A_266 = arith.cmpi sge, %and3A_253, %ge3A_265 : vector<128x128xi32>
    %sub3A_267 = arith.constant 65535 : i32
    %sub3A_268 = vector.broadcast %sub3A_267 : i32 to vector<128x128xi32>
    %sub3A_269 = arith.subi %sub3A_268, %and3A_253 : vector<128x128xi32>
    %add3A_270 = arith.constant 32768 : i32
    %add3A_271 = vector.broadcast %add3A_270 : i32 to vector<128x128xi32>
    %add3A_272 = arith.addi %and3A_253, %add3A_271 : vector<128x128xi32>
    %select_n3A_273 = arith.select %ge3A_266, %sub3A_269, %add3A_272 : vector<128x128xi1>, vector<128x128xi32>
    %max3A_274 = arith.maxsi %select_n3A_263, %select_n3A_273 : vector<128x128xi32>
    %reduce_max3A_275 = arith.constant dense<-2147483648> : vector<128xi32>
    %reduce_max3A_276 = vector.multi_reduction <maxsi>, %max3A_274, %reduce_max3A_275 [1] : vector<128x128xi32> to vector<128xi32>
    %broadcast_in_dim3A_277 = vector.shape_cast %reduce_max3A_276 : vector<128xi32> to vector<128x1xi32>
    %get3A_278 = arith.constant 0 : index
    %get3A_279 = arith.constant 1024 : index
    %get3A_280 = vector.load %arg1[%get3A_278, %get3A_279] : memref<128x4096xi32, #tpu.memory_space<vmem>>, vector<128x128xi32>
    %and3A_281 = arith.constant 65535 : i32
    %and3A_282 = vector.broadcast %and3A_281 : i32 to vector<128x128xi32>
    %and3A_283 = arith.andi %get3A_280, %and3A_282 : vector<128x128xi32>
    %shift_right_arithmetic3A_284 = arith.constant 16 : i32
    %shift_right_arithmetic3A_285 = vector.broadcast %shift_right_arithmetic3A_284 : i32 to vector<128x128xi32>
    %shift_right_arithmetic3A_286 = arith.shrsi %get3A_280, %shift_right_arithmetic3A_285 : vector<128x128xi32>
    %and3A_287 = arith.constant 65535 : i32
    %and3A_288 = vector.broadcast %and3A_287 : i32 to vector<128x128xi32>
    %and3A_289 = arith.andi %shift_right_arithmetic3A_286, %and3A_288 : vector<128x128xi32>
    %ge3A_290 = arith.constant 32768 : i32
    %ge3A_291 = vector.broadcast %ge3A_290 : i32 to vector<128x128xi32>
    %ge3A_292 = arith.cmpi sge, %and3A_283, %ge3A_291 : vector<128x128xi32>
    %sub3A_293 = arith.constant 65535 : i32
    %sub3A_294 = vector.broadcast %sub3A_293 : i32 to vector<128x128xi32>
    %sub3A_295 = arith.subi %sub3A_294, %and3A_283 : vector<128x128xi32>
    %add3A_296 = arith.constant 32768 : i32
    %add3A_297 = vector.broadcast %add3A_296 : i32 to vector<128x128xi32>
    %add3A_298 = arith.addi %and3A_283, %add3A_297 : vector<128x128xi32>
    %select_n3A_299 = arith.select %ge3A_292, %sub3A_295, %add3A_298 : vector<128x128xi1>, vector<128x128xi32>
    %ge3A_300 = arith.constant 32768 : i32
    %ge3A_301 = vector.broadcast %ge3A_300 : i32 to vector<128x128xi32>
    %ge3A_302 = arith.cmpi sge, %and3A_289, %ge3A_301 : vector<128x128xi32>
    %sub3A_303 = arith.constant 65535 : i32
    %sub3A_304 = vector.broadcast %sub3A_303 : i32 to vector<128x128xi32>
    %sub3A_305 = arith.subi %sub3A_304, %and3A_289 : vector<128x128xi32>
    %add3A_306 = arith.constant 32768 : i32
    %add3A_307 = vector.broadcast %add3A_306 : i32 to vector<128x128xi32>
    %add3A_308 = arith.addi %and3A_289, %add3A_307 : vector<128x128xi32>
    %select_n3A_309 = arith.select %ge3A_302, %sub3A_305, %add3A_308 : vector<128x128xi1>, vector<128x128xi32>
    %max3A_310 = arith.maxsi %select_n3A_299, %select_n3A_309 : vector<128x128xi32>
    %reduce_max3A_311 = arith.constant dense<-2147483648> : vector<128xi32>
    %reduce_max3A_312 = vector.multi_reduction <maxsi>, %max3A_310, %reduce_max3A_311 [1] : vector<128x128xi32> to vector<128xi32>
    %broadcast_in_dim3A_313 = vector.shape_cast %reduce_max3A_312 : vector<128xi32> to vector<128x1xi32>
    %get3A_314 = arith.constant 0 : index
    %get3A_315 = arith.constant 1152 : index
    %get3A_316 = vector.load %arg1[%get3A_314, %get3A_315] : memref<128x4096xi32, #tpu.memory_space<vmem>>, vector<128x128xi32>
    %and3A_317 = arith.constant 65535 : i32
    %and3A_318 = vector.broadcast %and3A_317 : i32 to vector<128x128xi32>
    %and3A_319 = arith.andi %get3A_316, %and3A_318 : vector<128x128xi32>
    %shift_right_arithmetic3A_320 = arith.constant 16 : i32
    %shift_right_arithmetic3A_321 = vector.broadcast %shift_right_arithmetic3A_320 : i32 to vector<128x128xi32>
    %shift_right_arithmetic3A_322 = arith.shrsi %get3A_316, %shift_right_arithmetic3A_321 : vector<128x128xi32>
    %and3A_323 = arith.constant 65535 : i32
    %and3A_324 = vector.broadcast %and3A_323 : i32 to vector<128x128xi32>
    %and3A_325 = arith.andi %shift_right_arithmetic3A_322, %and3A_324 : vector<128x128xi32>
    %ge3A_326 = arith.constant 32768 : i32
    %ge3A_327 = vector.broadcast %ge3A_326 : i32 to vector<128x128xi32>
    %ge3A_328 = arith.cmpi sge, %and3A_319, %ge3A_327 : vector<128x128xi32>
    %sub3A_329 = arith.constant 65535 : i32
    %sub3A_330 = vector.broadcast %sub3A_329 : i32 to vector<128x128xi32>
    %sub3A_331 = arith.subi %sub3A_330, %and3A_319 : vector<128x128xi32>
    %add3A_332 = arith.constant 32768 : i32
    %add3A_333 = vector.broadcast %add3A_332 : i32 to vector<128x128xi32>
    %add3A_334 = arith.addi %and3A_319, %add3A_333 : vector<128x128xi32>
    %select_n3A_335 = arith.select %ge3A_328, %sub3A_331, %add3A_334 : vector<128x128xi1>, vector<128x128xi32>
    %ge3A_336 = arith.constant 32768 : i32
    %ge3A_337 = vector.broadcast %ge3A_336 : i32 to vector<128x128xi32>
    %ge3A_338 = arith.cmpi sge, %and3A_325, %ge3A_337 : vector<128x128xi32>
    %sub3A_339 = arith.constant 65535 : i32
    %sub3A_340 = vector.broadcast %sub3A_339 : i32 to vector<128x128xi32>
    %sub3A_341 = arith.subi %sub3A_340, %and3A_325 : vector<128x128xi32>
    %add3A_342 = arith.constant 32768 : i32
    %add3A_343 = vector.broadcast %add3A_342 : i32 to vector<128x128xi32>
    %add3A_344 = arith.addi %and3A_325, %add3A_343 : vector<128x128xi32>
    %select_n3A_345 = arith.select %ge3A_338, %sub3A_341, %add3A_344 : vector<128x128xi1>, vector<128x128xi32>
    %max3A_346 = arith.maxsi %select_n3A_335, %select_n3A_345 : vector<128x128xi32>
    %reduce_max3A_347 = arith.constant dense<-2147483648> : vector<128xi32>
    %reduce_max3A_348 = vector.multi_reduction <maxsi>, %max3A_346, %reduce_max3A_347 [1] : vector<128x128xi32> to vector<128xi32>
    %broadcast_in_dim3A_349 = vector.shape_cast %reduce_max3A_348 : vector<128xi32> to vector<128x1xi32>
    %get3A_350 = arith.constant 0 : index
    %get3A_351 = arith.constant 1280 : index
    %get3A_352 = vector.load %arg1[%get3A_350, %get3A_351] : memref<128x4096xi32, #tpu.memory_space<vmem>>, vector<128x128xi32>
    %and3A_353 = arith.constant 65535 : i32
    %and3A_354 = vector.broadcast %and3A_353 : i32 to vector<128x128xi32>
    %and3A_355 = arith.andi %get3A_352, %and3A_354 : vector<128x128xi32>
    %shift_right_arithmetic3A_356 = arith.constant 16 : i32
    %shift_right_arithmetic3A_357 = vector.broadcast %shift_right_arithmetic3A_356 : i32 to vector<128x128xi32>
    %shift_right_arithmetic3A_358 = arith.shrsi %get3A_352, %shift_right_arithmetic3A_357 : vector<128x128xi32>
    %and3A_359 = arith.constant 65535 : i32
    %and3A_360 = vector.broadcast %and3A_359 : i32 to vector<128x128xi32>
    %and3A_361 = arith.andi %shift_right_arithmetic3A_358, %and3A_360 : vector<128x128xi32>
    %ge3A_362 = arith.constant 32768 : i32
    %ge3A_363 = vector.broadcast %ge3A_362 : i32 to vector<128x128xi32>
    %ge3A_364 = arith.cmpi sge, %and3A_355, %ge3A_363 : vector<128x128xi32>
    %sub3A_365 = arith.constant 65535 : i32
    %sub3A_366 = vector.broadcast %sub3A_365 : i32 to vector<128x128xi32>
    %sub3A_367 = arith.subi %sub3A_366, %and3A_355 : vector<128x128xi32>
    %add3A_368 = arith.constant 32768 : i32
    %add3A_369 = vector.broadcast %add3A_368 : i32 to vector<128x128xi32>
    %add3A_370 = arith.addi %and3A_355, %add3A_369 : vector<128x128xi32>
    %select_n3A_371 = arith.select %ge3A_364, %sub3A_367, %add3A_370 : vector<128x128xi1>, vector<128x128xi32>
    %ge3A_372 = arith.constant 32768 : i32
    %ge3A_373 = vector.broadcast %ge3A_372 : i32 to vector<128x128xi32>
    %ge3A_374 = arith.cmpi sge, %and3A_361, %ge3A_373 : vector<128x128xi32>
    %sub3A_375 = arith.constant 65535 : i32
    %sub3A_376 = vector.broadcast %sub3A_375 : i32 to vector<128x128xi32>
    %sub3A_377 = arith.subi %sub3A_376, %and3A_361 : vector<128x128xi32>
    %add3A_378 = arith.constant 32768 : i32
    %add3A_379 = vector.broadcast %add3A_378 : i32 to vector<128x128xi32>
    %add3A_380 = arith.addi %and3A_361, %add3A_379 : vector<128x128xi32>
    %select_n3A_381 = arith.select %ge3A_374, %sub3A_377, %add3A_380 : vector<128x128xi1>, vector<128x128xi32>
    %max3A_382 = arith.maxsi %select_n3A_371, %select_n3A_381 : vector<128x128xi32>
    %reduce_max3A_383 = arith.constant dense<-2147483648> : vector<128xi32>
    %reduce_max3A_384 = vector.multi_reduction <maxsi>, %max3A_382, %reduce_max3A_383 [1] : vector<128x128xi32> to vector<128xi32>
    %broadcast_in_dim3A_385 = vector.shape_cast %reduce_max3A_384 : vector<128xi32> to vector<128x1xi32>
    %get3A_386 = arith.constant 0 : index
    %get3A_387 = arith.constant 1408 : index
    %get3A_388 = vector.load %arg1[%get3A_386, %get3A_387] : memref<128x4096xi32, #tpu.memory_space<vmem>>, vector<128x128xi32>
    %and3A_389 = arith.constant 65535 : i32
    %and3A_390 = vector.broadcast %and3A_389 : i32 to vector<128x128xi32>
    %and3A_391 = arith.andi %get3A_388, %and3A_390 : vector<128x128xi32>
    %shift_right_arithmetic3A_392 = arith.constant 16 : i32
    %shift_right_arithmetic3A_393 = vector.broadcast %shift_right_arithmetic3A_392 : i32 to vector<128x128xi32>
    %shift_right_arithmetic3A_394 = arith.shrsi %get3A_388, %shift_right_arithmetic3A_393 : vector<128x128xi32>
    %and3A_395 = arith.constant 65535 : i32
    %and3A_396 = vector.broadcast %and3A_395 : i32 to vector<128x128xi32>
    %and3A_397 = arith.andi %shift_right_arithmetic3A_394, %and3A_396 : vector<128x128xi32>
    %ge3A_398 = arith.constant 32768 : i32
    %ge3A_399 = vector.broadcast %ge3A_398 : i32 to vector<128x128xi32>
    %ge3A_400 = arith.cmpi sge, %and3A_391, %ge3A_399 : vector<128x128xi32>
    %sub3A_401 = arith.constant 65535 : i32
    %sub3A_402 = vector.broadcast %sub3A_401 : i32 to vector<128x128xi32>
    %sub3A_403 = arith.subi %sub3A_402, %and3A_391 : vector<128x128xi32>
    %add3A_404 = arith.constant 32768 : i32
    %add3A_405 = vector.broadcast %add3A_404 : i32 to vector<128x128xi32>
    %add3A_406 = arith.addi %and3A_391, %add3A_405 : vector<128x128xi32>
    %select_n3A_407 = arith.select %ge3A_400, %sub3A_403, %add3A_406 : vector<128x128xi1>, vector<128x128xi32>
    %ge3A_408 = arith.constant 32768 : i32
    %ge3A_409 = vector.broadcast %ge3A_408 : i32 to vector<128x128xi32>
    %ge3A_410 = arith.cmpi sge, %and3A_397, %ge3A_409 : vector<128x128xi32>
    %sub3A_411 = arith.constant 65535 : i32
    %sub3A_412 = vector.broadcast %sub3A_411 : i32 to vector<128x128xi32>
    %sub3A_413 = arith.subi %sub3A_412, %and3A_397 : vector<128x128xi32>
    %add3A_414 = arith.constant 32768 : i32
    %add3A_415 = vector.broadcast %add3A_414 : i32 to vector<128x128xi32>
    %add3A_416 = arith.addi %and3A_397, %add3A_415 : vector<128x128xi32>
    %select_n3A_417 = arith.select %ge3A_410, %sub3A_413, %add3A_416 : vector<128x128xi1>, vector<128x128xi32>
    %max3A_418 = arith.maxsi %select_n3A_407, %select_n3A_417 : vector<128x128xi32>
    %reduce_max3A_419 = arith.constant dense<-2147483648> : vector<128xi32>
    %reduce_max3A_420 = vector.multi_reduction <maxsi>, %max3A_418, %reduce_max3A_419 [1] : vector<128x128xi32> to vector<128xi32>
    %broadcast_in_dim3A_421 = vector.shape_cast %reduce_max3A_420 : vector<128xi32> to vector<128x1xi32>
    %get3A_422 = arith.constant 0 : index
    %get3A_423 = arith.constant 1536 : index
    %get3A_424 = vector.load %arg1[%get3A_422, %get3A_423] : memref<128x4096xi32, #tpu.memory_space<vmem>>, vector<128x128xi32>
    %and3A_425 = arith.constant 65535 : i32
    %and3A_426 = vector.broadcast %and3A_425 : i32 to vector<128x128xi32>
    %and3A_427 = arith.andi %get3A_424, %and3A_426 : vector<128x128xi32>
    %shift_right_arithmetic3A_428 = arith.constant 16 : i32
    %shift_right_arithmetic3A_429 = vector.broadcast %shift_right_arithmetic3A_428 : i32 to vector<128x128xi32>
    %shift_right_arithmetic3A_430 = arith.shrsi %get3A_424, %shift_right_arithmetic3A_429 : vector<128x128xi32>
    %and3A_431 = arith.constant 65535 : i32
    %and3A_432 = vector.broadcast %and3A_431 : i32 to vector<128x128xi32>
    %and3A_433 = arith.andi %shift_right_arithmetic3A_430, %and3A_432 : vector<128x128xi32>
    %ge3A_434 = arith.constant 32768 : i32
    %ge3A_435 = vector.broadcast %ge3A_434 : i32 to vector<128x128xi32>
    %ge3A_436 = arith.cmpi sge, %and3A_427, %ge3A_435 : vector<128x128xi32>
    %sub3A_437 = arith.constant 65535 : i32
    %sub3A_438 = vector.broadcast %sub3A_437 : i32 to vector<128x128xi32>
    %sub3A_439 = arith.subi %sub3A_438, %and3A_427 : vector<128x128xi32>
    %add3A_440 = arith.constant 32768 : i32
    %add3A_441 = vector.broadcast %add3A_440 : i32 to vector<128x128xi32>
    %add3A_442 = arith.addi %and3A_427, %add3A_441 : vector<128x128xi32>
    %select_n3A_443 = arith.select %ge3A_436, %sub3A_439, %add3A_442 : vector<128x128xi1>, vector<128x128xi32>
    %ge3A_444 = arith.constant 32768 : i32
    %ge3A_445 = vector.broadcast %ge3A_444 : i32 to vector<128x128xi32>
    %ge3A_446 = arith.cmpi sge, %and3A_433, %ge3A_445 : vector<128x128xi32>
    %sub3A_447 = arith.constant 65535 : i32
    %sub3A_448 = vector.broadcast %sub3A_447 : i32 to vector<128x128xi32>
    %sub3A_449 = arith.subi %sub3A_448, %and3A_433 : vector<128x128xi32>
    %add3A_450 = arith.constant 32768 : i32
    %add3A_451 = vector.broadcast %add3A_450 : i32 to vector<128x128xi32>
    %add3A_452 = arith.addi %and3A_433, %add3A_451 : vector<128x128xi32>
    %select_n3A_453 = arith.select %ge3A_446, %sub3A_449, %add3A_452 : vector<128x128xi1>, vector<128x128xi32>
    %max3A_454 = arith.maxsi %select_n3A_443, %select_n3A_453 : vector<128x128xi32>
    %reduce_max3A_455 = arith.constant dense<-2147483648> : vector<128xi32>
    %reduce_max3A_456 = vector.multi_reduction <maxsi>, %max3A_454, %reduce_max3A_455 [1] : vector<128x128xi32> to vector<128xi32>
    %broadcast_in_dim3A_457 = vector.shape_cast %reduce_max3A_456 : vector<128xi32> to vector<128x1xi32>
    %get3A_458 = arith.constant 0 : index
    %get3A_459 = arith.constant 1664 : index
    %get3A_460 = vector.load %arg1[%get3A_458, %get3A_459] : memref<128x4096xi32, #tpu.memory_space<vmem>>, vector<128x128xi32>
    %and3A_461 = arith.constant 65535 : i32
    %and3A_462 = vector.broadcast %and3A_461 : i32 to vector<128x128xi32>
    %and3A_463 = arith.andi %get3A_460, %and3A_462 : vector<128x128xi32>
    %shift_right_arithmetic3A_464 = arith.constant 16 : i32
    %shift_right_arithmetic3A_465 = vector.broadcast %shift_right_arithmetic3A_464 : i32 to vector<128x128xi32>
    %shift_right_arithmetic3A_466 = arith.shrsi %get3A_460, %shift_right_arithmetic3A_465 : vector<128x128xi32>
    %and3A_467 = arith.constant 65535 : i32
    %and3A_468 = vector.broadcast %and3A_467 : i32 to vector<128x128xi32>
    %and3A_469 = arith.andi %shift_right_arithmetic3A_466, %and3A_468 : vector<128x128xi32>
    %ge3A_470 = arith.constant 32768 : i32
    %ge3A_471 = vector.broadcast %ge3A_470 : i32 to vector<128x128xi32>
    %ge3A_472 = arith.cmpi sge, %and3A_463, %ge3A_471 : vector<128x128xi32>
    %sub3A_473 = arith.constant 65535 : i32
    %sub3A_474 = vector.broadcast %sub3A_473 : i32 to vector<128x128xi32>
    %sub3A_475 = arith.subi %sub3A_474, %and3A_463 : vector<128x128xi32>
    %add3A_476 = arith.constant 32768 : i32
    %add3A_477 = vector.broadcast %add3A_476 : i32 to vector<128x128xi32>
    %add3A_478 = arith.addi %and3A_463, %add3A_477 : vector<128x128xi32>
    %select_n3A_479 = arith.select %ge3A_472, %sub3A_475, %add3A_478 : vector<128x128xi1>, vector<128x128xi32>
    %ge3A_480 = arith.constant 32768 : i32
    %ge3A_481 = vector.broadcast %ge3A_480 : i32 to vector<128x128xi32>
    %ge3A_482 = arith.cmpi sge, %and3A_469, %ge3A_481 : vector<128x128xi32>
    %sub3A_483 = arith.constant 65535 : i32
    %sub3A_484 = vector.broadcast %sub3A_483 : i32 to vector<128x128xi32>
    %sub3A_485 = arith.subi %sub3A_484, %and3A_469 : vector<128x128xi32>
    %add3A_486 = arith.constant 32768 : i32
    %add3A_487 = vector.broadcast %add3A_486 : i32 to vector<128x128xi32>
    %add3A_488 = arith.addi %and3A_469, %add3A_487 : vector<128x128xi32>
    %select_n3A_489 = arith.select %ge3A_482, %sub3A_485, %add3A_488 : vector<128x128xi1>, vector<128x128xi32>
    %max3A_490 = arith.maxsi %select_n3A_479, %select_n3A_489 : vector<128x128xi32>
    %reduce_max3A_491 = arith.constant dense<-2147483648> : vector<128xi32>
    %reduce_max3A_492 = vector.multi_reduction <maxsi>, %max3A_490, %reduce_max3A_491 [1] : vector<128x128xi32> to vector<128xi32>
    %broadcast_in_dim3A_493 = vector.shape_cast %reduce_max3A_492 : vector<128xi32> to vector<128x1xi32>
    %get3A_494 = arith.constant 0 : index
    %get3A_495 = arith.constant 1792 : index
    %get3A_496 = vector.load %arg1[%get3A_494, %get3A_495] : memref<128x4096xi32, #tpu.memory_space<vmem>>, vector<128x128xi32>
    %and3A_497 = arith.constant 65535 : i32
    %and3A_498 = vector.broadcast %and3A_497 : i32 to vector<128x128xi32>
    %and3A_499 = arith.andi %get3A_496, %and3A_498 : vector<128x128xi32>
    %shift_right_arithmetic3A_500 = arith.constant 16 : i32
    %shift_right_arithmetic3A_501 = vector.broadcast %shift_right_arithmetic3A_500 : i32 to vector<128x128xi32>
    %shift_right_arithmetic3A_502 = arith.shrsi %get3A_496, %shift_right_arithmetic3A_501 : vector<128x128xi32>
    %and3A_503 = arith.constant 65535 : i32
    %and3A_504 = vector.broadcast %and3A_503 : i32 to vector<128x128xi32>
    %and3A_505 = arith.andi %shift_right_arithmetic3A_502, %and3A_504 : vector<128x128xi32>
    %ge3A_506 = arith.constant 32768 : i32
    %ge3A_507 = vector.broadcast %ge3A_506 : i32 to vector<128x128xi32>
    %ge3A_508 = arith.cmpi sge, %and3A_499, %ge3A_507 : vector<128x128xi32>
    %sub3A_509 = arith.constant 65535 : i32
    %sub3A_510 = vector.broadcast %sub3A_509 : i32 to vector<128x128xi32>
    %sub3A_511 = arith.subi %sub3A_510, %and3A_499 : vector<128x128xi32>
    %add3A_512 = arith.constant 32768 : i32
    %add3A_513 = vector.broadcast %add3A_512 : i32 to vector<128x128xi32>
    %add3A_514 = arith.addi %and3A_499, %add3A_513 : vector<128x128xi32>
    %select_n3A_515 = arith.select %ge3A_508, %sub3A_511, %add3A_514 : vector<128x128xi1>, vector<128x128xi32>
    %ge3A_516 = arith.constant 32768 : i32
    %ge3A_517 = vector.broadcast %ge3A_516 : i32 to vector<128x128xi32>
    %ge3A_518 = arith.cmpi sge, %and3A_505, %ge3A_517 : vector<128x128xi32>
    %sub3A_519 = arith.constant 65535 : i32
    %sub3A_520 = vector.broadcast %sub3A_519 : i32 to vector<128x128xi32>
    %sub3A_521 = arith.subi %sub3A_520, %and3A_505 : vector<128x128xi32>
    %add3A_522 = arith.constant 32768 : i32
    %add3A_523 = vector.broadcast %add3A_522 : i32 to vector<128x128xi32>
    %add3A_524 = arith.addi %and3A_505, %add3A_523 : vector<128x128xi32>
    %select_n3A_525 = arith.select %ge3A_518, %sub3A_521, %add3A_524 : vector<128x128xi1>, vector<128x128xi32>
    %max3A_526 = arith.maxsi %select_n3A_515, %select_n3A_525 : vector<128x128xi32>
    %reduce_max3A_527 = arith.constant dense<-2147483648> : vector<128xi32>
    %reduce_max3A_528 = vector.multi_reduction <maxsi>, %max3A_526, %reduce_max3A_527 [1] : vector<128x128xi32> to vector<128xi32>
    %broadcast_in_dim3A_529 = vector.shape_cast %reduce_max3A_528 : vector<128xi32> to vector<128x1xi32>
    %get3A_530 = arith.constant 0 : index
    %get3A_531 = arith.constant 1920 : index
    %get3A_532 = vector.load %arg1[%get3A_530, %get3A_531] : memref<128x4096xi32, #tpu.memory_space<vmem>>, vector<128x128xi32>
    %and3A_533 = arith.constant 65535 : i32
    %and3A_534 = vector.broadcast %and3A_533 : i32 to vector<128x128xi32>
    %and3A_535 = arith.andi %get3A_532, %and3A_534 : vector<128x128xi32>
    %shift_right_arithmetic3A_536 = arith.constant 16 : i32
    %shift_right_arithmetic3A_537 = vector.broadcast %shift_right_arithmetic3A_536 : i32 to vector<128x128xi32>
    %shift_right_arithmetic3A_538 = arith.shrsi %get3A_532, %shift_right_arithmetic3A_537 : vector<128x128xi32>
    %and3A_539 = arith.constant 65535 : i32
    %and3A_540 = vector.broadcast %and3A_539 : i32 to vector<128x128xi32>
    %and3A_541 = arith.andi %shift_right_arithmetic3A_538, %and3A_540 : vector<128x128xi32>
    %ge3A_542 = arith.constant 32768 : i32
    %ge3A_543 = vector.broadcast %ge3A_542 : i32 to vector<128x128xi32>
    %ge3A_544 = arith.cmpi sge, %and3A_535, %ge3A_543 : vector<128x128xi32>
    %sub3A_545 = arith.constant 65535 : i32
    %sub3A_546 = vector.broadcast %sub3A_545 : i32 to vector<128x128xi32>
    %sub3A_547 = arith.subi %sub3A_546, %and3A_535 : vector<128x128xi32>
    %add3A_548 = arith.constant 32768 : i32
    %add3A_549 = vector.broadcast %add3A_548 : i32 to vector<128x128xi32>
    %add3A_550 = arith.addi %and3A_535, %add3A_549 : vector<128x128xi32>
    %select_n3A_551 = arith.select %ge3A_544, %sub3A_547, %add3A_550 : vector<128x128xi1>, vector<128x128xi32>
    %ge3A_552 = arith.constant 32768 : i32
    %ge3A_553 = vector.broadcast %ge3A_552 : i32 to vector<128x128xi32>
    %ge3A_554 = arith.cmpi sge, %and3A_541, %ge3A_553 : vector<128x128xi32>
    %sub3A_555 = arith.constant 65535 : i32
    %sub3A_556 = vector.broadcast %sub3A_555 : i32 to vector<128x128xi32>
    %sub3A_557 = arith.subi %sub3A_556, %and3A_541 : vector<128x128xi32>
    %add3A_558 = arith.constant 32768 : i32
    %add3A_559 = vector.broadcast %add3A_558 : i32 to vector<128x128xi32>
    %add3A_560 = arith.addi %and3A_541, %add3A_559 : vector<128x128xi32>
    %select_n3A_561 = arith.select %ge3A_554, %sub3A_557, %add3A_560 : vector<128x128xi1>, vector<128x128xi32>
    %max3A_562 = arith.maxsi %select_n3A_551, %select_n3A_561 : vector<128x128xi32>
    %reduce_max3A_563 = arith.constant dense<-2147483648> : vector<128xi32>
    %reduce_max3A_564 = vector.multi_reduction <maxsi>, %max3A_562, %reduce_max3A_563 [1] : vector<128x128xi32> to vector<128xi32>
    %broadcast_in_dim3A_565 = vector.shape_cast %reduce_max3A_564 : vector<128xi32> to vector<128x1xi32>
    %get3A_566 = arith.constant 0 : index
    %get3A_567 = arith.constant 2048 : index
    %get3A_568 = vector.load %arg1[%get3A_566, %get3A_567] : memref<128x4096xi32, #tpu.memory_space<vmem>>, vector<128x128xi32>
    %and3A_569 = arith.constant 65535 : i32
    %and3A_570 = vector.broadcast %and3A_569 : i32 to vector<128x128xi32>
    %and3A_571 = arith.andi %get3A_568, %and3A_570 : vector<128x128xi32>
    %shift_right_arithmetic3A_572 = arith.constant 16 : i32
    %shift_right_arithmetic3A_573 = vector.broadcast %shift_right_arithmetic3A_572 : i32 to vector<128x128xi32>
    %shift_right_arithmetic3A_574 = arith.shrsi %get3A_568, %shift_right_arithmetic3A_573 : vector<128x128xi32>
    %and3A_575 = arith.constant 65535 : i32
    %and3A_576 = vector.broadcast %and3A_575 : i32 to vector<128x128xi32>
    %and3A_577 = arith.andi %shift_right_arithmetic3A_574, %and3A_576 : vector<128x128xi32>
    %ge3A_578 = arith.constant 32768 : i32
    %ge3A_579 = vector.broadcast %ge3A_578 : i32 to vector<128x128xi32>
    %ge3A_580 = arith.cmpi sge, %and3A_571, %ge3A_579 : vector<128x128xi32>
    %sub3A_581 = arith.constant 65535 : i32
    %sub3A_582 = vector.broadcast %sub3A_581 : i32 to vector<128x128xi32>
    %sub3A_583 = arith.subi %sub3A_582, %and3A_571 : vector<128x128xi32>
    %add3A_584 = arith.constant 32768 : i32
    %add3A_585 = vector.broadcast %add3A_584 : i32 to vector<128x128xi32>
    %add3A_586 = arith.addi %and3A_571, %add3A_585 : vector<128x128xi32>
    %select_n3A_587 = arith.select %ge3A_580, %sub3A_583, %add3A_586 : vector<128x128xi1>, vector<128x128xi32>
    %ge3A_588 = arith.constant 32768 : i32
    %ge3A_589 = vector.broadcast %ge3A_588 : i32 to vector<128x128xi32>
    %ge3A_590 = arith.cmpi sge, %and3A_577, %ge3A_589 : vector<128x128xi32>
    %sub3A_591 = arith.constant 65535 : i32
    %sub3A_592 = vector.broadcast %sub3A_591 : i32 to vector<128x128xi32>
    %sub3A_593 = arith.subi %sub3A_592, %and3A_577 : vector<128x128xi32>
    %add3A_594 = arith.constant 32768 : i32
    %add3A_595 = vector.broadcast %add3A_594 : i32 to vector<128x128xi32>
    %add3A_596 = arith.addi %and3A_577, %add3A_595 : vector<128x128xi32>
    %select_n3A_597 = arith.select %ge3A_590, %sub3A_593, %add3A_596 : vector<128x128xi1>, vector<128x128xi32>
    %max3A_598 = arith.maxsi %select_n3A_587, %select_n3A_597 : vector<128x128xi32>
    %reduce_max3A_599 = arith.constant dense<-2147483648> : vector<128xi32>
    %reduce_max3A_600 = vector.multi_reduction <maxsi>, %max3A_598, %reduce_max3A_599 [1] : vector<128x128xi32> to vector<128xi32>
    %broadcast_in_dim3A_601 = vector.shape_cast %reduce_max3A_600 : vector<128xi32> to vector<128x1xi32>
    %get3A_602 = arith.constant 0 : index
    %get3A_603 = arith.constant 2176 : index
    %get3A_604 = vector.load %arg1[%get3A_602, %get3A_603] : memref<128x4096xi32, #tpu.memory_space<vmem>>, vector<128x128xi32>
    %and3A_605 = arith.constant 65535 : i32
    %and3A_606 = vector.broadcast %and3A_605 : i32 to vector<128x128xi32>
    %and3A_607 = arith.andi %get3A_604, %and3A_606 : vector<128x128xi32>
    %shift_right_arithmetic3A_608 = arith.constant 16 : i32
    %shift_right_arithmetic3A_609 = vector.broadcast %shift_right_arithmetic3A_608 : i32 to vector<128x128xi32>
    %shift_right_arithmetic3A_610 = arith.shrsi %get3A_604, %shift_right_arithmetic3A_609 : vector<128x128xi32>
    %and3A_611 = arith.constant 65535 : i32
    %and3A_612 = vector.broadcast %and3A_611 : i32 to vector<128x128xi32>
    %and3A_613 = arith.andi %shift_right_arithmetic3A_610, %and3A_612 : vector<128x128xi32>
    %ge3A_614 = arith.constant 32768 : i32
    %ge3A_615 = vector.broadcast %ge3A_614 : i32 to vector<128x128xi32>
    %ge3A_616 = arith.cmpi sge, %and3A_607, %ge3A_615 : vector<128x128xi32>
    %sub3A_617 = arith.constant 65535 : i32
    %sub3A_618 = vector.broadcast %sub3A_617 : i32 to vector<128x128xi32>
    %sub3A_619 = arith.subi %sub3A_618, %and3A_607 : vector<128x128xi32>
    %add3A_620 = arith.constant 32768 : i32
    %add3A_621 = vector.broadcast %add3A_620 : i32 to vector<128x128xi32>
    %add3A_622 = arith.addi %and3A_607, %add3A_621 : vector<128x128xi32>
    %select_n3A_623 = arith.select %ge3A_616, %sub3A_619, %add3A_622 : vector<128x128xi1>, vector<128x128xi32>
    %ge3A_624 = arith.constant 32768 : i32
    %ge3A_625 = vector.broadcast %ge3A_624 : i32 to vector<128x128xi32>
    %ge3A_626 = arith.cmpi sge, %and3A_613, %ge3A_625 : vector<128x128xi32>
    %sub3A_627 = arith.constant 65535 : i32
    %sub3A_628 = vector.broadcast %sub3A_627 : i32 to vector<128x128xi32>
    %sub3A_629 = arith.subi %sub3A_628, %and3A_613 : vector<128x128xi32>
    %add3A_630 = arith.constant 32768 : i32
    %add3A_631 = vector.broadcast %add3A_630 : i32 to vector<128x128xi32>
    %add3A_632 = arith.addi %and3A_613, %add3A_631 : vector<128x128xi32>
    %select_n3A_633 = arith.select %ge3A_626, %sub3A_629, %add3A_632 : vector<128x128xi1>, vector<128x128xi32>
    %max3A_634 = arith.maxsi %select_n3A_623, %select_n3A_633 : vector<128x128xi32>
    %reduce_max3A_635 = arith.constant dense<-2147483648> : vector<128xi32>
    %reduce_max3A_636 = vector.multi_reduction <maxsi>, %max3A_634, %reduce_max3A_635 [1] : vector<128x128xi32> to vector<128xi32>
    %broadcast_in_dim3A_637 = vector.shape_cast %reduce_max3A_636 : vector<128xi32> to vector<128x1xi32>
    %get3A_638 = arith.constant 0 : index
    %get3A_639 = arith.constant 2304 : index
    %get3A_640 = vector.load %arg1[%get3A_638, %get3A_639] : memref<128x4096xi32, #tpu.memory_space<vmem>>, vector<128x128xi32>
    %and3A_641 = arith.constant 65535 : i32
    %and3A_642 = vector.broadcast %and3A_641 : i32 to vector<128x128xi32>
    %and3A_643 = arith.andi %get3A_640, %and3A_642 : vector<128x128xi32>
    %shift_right_arithmetic3A_644 = arith.constant 16 : i32
    %shift_right_arithmetic3A_645 = vector.broadcast %shift_right_arithmetic3A_644 : i32 to vector<128x128xi32>
    %shift_right_arithmetic3A_646 = arith.shrsi %get3A_640, %shift_right_arithmetic3A_645 : vector<128x128xi32>
    %and3A_647 = arith.constant 65535 : i32
    %and3A_648 = vector.broadcast %and3A_647 : i32 to vector<128x128xi32>
    %and3A_649 = arith.andi %shift_right_arithmetic3A_646, %and3A_648 : vector<128x128xi32>
    %ge3A_650 = arith.constant 32768 : i32
    %ge3A_651 = vector.broadcast %ge3A_650 : i32 to vector<128x128xi32>
    %ge3A_652 = arith.cmpi sge, %and3A_643, %ge3A_651 : vector<128x128xi32>
    %sub3A_653 = arith.constant 65535 : i32
    %sub3A_654 = vector.broadcast %sub3A_653 : i32 to vector<128x128xi32>
    %sub3A_655 = arith.subi %sub3A_654, %and3A_643 : vector<128x128xi32>
    %add3A_656 = arith.constant 32768 : i32
    %add3A_657 = vector.broadcast %add3A_656 : i32 to vector<128x128xi32>
    %add3A_658 = arith.addi %and3A_643, %add3A_657 : vector<128x128xi32>
    %select_n3A_659 = arith.select %ge3A_652, %sub3A_655, %add3A_658 : vector<128x128xi1>, vector<128x128xi32>
    %ge3A_660 = arith.constant 32768 : i32
    %ge3A_661 = vector.broadcast %ge3A_660 : i32 to vector<128x128xi32>
    %ge3A_662 = arith.cmpi sge, %and3A_649, %ge3A_661 : vector<128x128xi32>
    %sub3A_663 = arith.constant 65535 : i32
    %sub3A_664 = vector.broadcast %sub3A_663 : i32 to vector<128x128xi32>
    %sub3A_665 = arith.subi %sub3A_664, %and3A_649 : vector<128x128xi32>
    %add3A_666 = arith.constant 32768 : i32
    %add3A_667 = vector.broadcast %add3A_666 : i32 to vector<128x128xi32>
    %add3A_668 = arith.addi %and3A_649, %add3A_667 : vector<128x128xi32>
    %select_n3A_669 = arith.select %ge3A_662, %sub3A_665, %add3A_668 : vector<128x128xi1>, vector<128x128xi32>
    %max3A_670 = arith.maxsi %select_n3A_659, %select_n3A_669 : vector<128x128xi32>
    %reduce_max3A_671 = arith.constant dense<-2147483648> : vector<128xi32>
    %reduce_max3A_672 = vector.multi_reduction <maxsi>, %max3A_670, %reduce_max3A_671 [1] : vector<128x128xi32> to vector<128xi32>
    %broadcast_in_dim3A_673 = vector.shape_cast %reduce_max3A_672 : vector<128xi32> to vector<128x1xi32>
    %get3A_674 = arith.constant 0 : index
    %get3A_675 = arith.constant 2432 : index
    %get3A_676 = vector.load %arg1[%get3A_674, %get3A_675] : memref<128x4096xi32, #tpu.memory_space<vmem>>, vector<128x128xi32>
    %and3A_677 = arith.constant 65535 : i32
    %and3A_678 = vector.broadcast %and3A_677 : i32 to vector<128x128xi32>
    %and3A_679 = arith.andi %get3A_676, %and3A_678 : vector<128x128xi32>
    %shift_right_arithmetic3A_680 = arith.constant 16 : i32
    %shift_right_arithmetic3A_681 = vector.broadcast %shift_right_arithmetic3A_680 : i32 to vector<128x128xi32>
    %shift_right_arithmetic3A_682 = arith.shrsi %get3A_676, %shift_right_arithmetic3A_681 : vector<128x128xi32>
    %and3A_683 = arith.constant 65535 : i32
    %and3A_684 = vector.broadcast %and3A_683 : i32 to vector<128x128xi32>
    %and3A_685 = arith.andi %shift_right_arithmetic3A_682, %and3A_684 : vector<128x128xi32>
    %ge3A_686 = arith.constant 32768 : i32
    %ge3A_687 = vector.broadcast %ge3A_686 : i32 to vector<128x128xi32>
    %ge3A_688 = arith.cmpi sge, %and3A_679, %ge3A_687 : vector<128x128xi32>
    %sub3A_689 = arith.constant 65535 : i32
    %sub3A_690 = vector.broadcast %sub3A_689 : i32 to vector<128x128xi32>
    %sub3A_691 = arith.subi %sub3A_690, %and3A_679 : vector<128x128xi32>
    %add3A_692 = arith.constant 32768 : i32
    %add3A_693 = vector.broadcast %add3A_692 : i32 to vector<128x128xi32>
    %add3A_694 = arith.addi %and3A_679, %add3A_693 : vector<128x128xi32>
    %select_n3A_695 = arith.select %ge3A_688, %sub3A_691, %add3A_694 : vector<128x128xi1>, vector<128x128xi32>
    %ge3A_696 = arith.constant 32768 : i32
    %ge3A_697 = vector.broadcast %ge3A_696 : i32 to vector<128x128xi32>
    %ge3A_698 = arith.cmpi sge, %and3A_685, %ge3A_697 : vector<128x128xi32>
    %sub3A_699 = arith.constant 65535 : i32
    %sub3A_700 = vector.broadcast %sub3A_699 : i32 to vector<128x128xi32>
    %sub3A_701 = arith.subi %sub3A_700, %and3A_685 : vector<128x128xi32>
    %add3A_702 = arith.constant 32768 : i32
    %add3A_703 = vector.broadcast %add3A_702 : i32 to vector<128x128xi32>
    %add3A_704 = arith.addi %and3A_685, %add3A_703 : vector<128x128xi32>
    %select_n3A_705 = arith.select %ge3A_698, %sub3A_701, %add3A_704 : vector<128x128xi1>, vector<128x128xi32>
    %max3A_706 = arith.maxsi %select_n3A_695, %select_n3A_705 : vector<128x128xi32>
    %reduce_max3A_707 = arith.constant dense<-2147483648> : vector<128xi32>
    %reduce_max3A_708 = vector.multi_reduction <maxsi>, %max3A_706, %reduce_max3A_707 [1] : vector<128x128xi32> to vector<128xi32>
    %broadcast_in_dim3A_709 = vector.shape_cast %reduce_max3A_708 : vector<128xi32> to vector<128x1xi32>
    %get3A_710 = arith.constant 0 : index
    %get3A_711 = arith.constant 2560 : index
    %get3A_712 = vector.load %arg1[%get3A_710, %get3A_711] : memref<128x4096xi32, #tpu.memory_space<vmem>>, vector<128x128xi32>
    %and3A_713 = arith.constant 65535 : i32
    %and3A_714 = vector.broadcast %and3A_713 : i32 to vector<128x128xi32>
    %and3A_715 = arith.andi %get3A_712, %and3A_714 : vector<128x128xi32>
    %shift_right_arithmetic3A_716 = arith.constant 16 : i32
    %shift_right_arithmetic3A_717 = vector.broadcast %shift_right_arithmetic3A_716 : i32 to vector<128x128xi32>
    %shift_right_arithmetic3A_718 = arith.shrsi %get3A_712, %shift_right_arithmetic3A_717 : vector<128x128xi32>
    %and3A_719 = arith.constant 65535 : i32
    %and3A_720 = vector.broadcast %and3A_719 : i32 to vector<128x128xi32>
    %and3A_721 = arith.andi %shift_right_arithmetic3A_718, %and3A_720 : vector<128x128xi32>
    %ge3A_722 = arith.constant 32768 : i32
    %ge3A_723 = vector.broadcast %ge3A_722 : i32 to vector<128x128xi32>
    %ge3A_724 = arith.cmpi sge, %and3A_715, %ge3A_723 : vector<128x128xi32>
    %sub3A_725 = arith.constant 65535 : i32
    %sub3A_726 = vector.broadcast %sub3A_725 : i32 to vector<128x128xi32>
    %sub3A_727 = arith.subi %sub3A_726, %and3A_715 : vector<128x128xi32>
    %add3A_728 = arith.constant 32768 : i32
    %add3A_729 = vector.broadcast %add3A_728 : i32 to vector<128x128xi32>
    %add3A_730 = arith.addi %and3A_715, %add3A_729 : vector<128x128xi32>
    %select_n3A_731 = arith.select %ge3A_724, %sub3A_727, %add3A_730 : vector<128x128xi1>, vector<128x128xi32>
    %ge3A_732 = arith.constant 32768 : i32
    %ge3A_733 = vector.broadcast %ge3A_732 : i32 to vector<128x128xi32>
    %ge3A_734 = arith.cmpi sge, %and3A_721, %ge3A_733 : vector<128x128xi32>
    %sub3A_735 = arith.constant 65535 : i32
    %sub3A_736 = vector.broadcast %sub3A_735 : i32 to vector<128x128xi32>
    %sub3A_737 = arith.subi %sub3A_736, %and3A_721 : vector<128x128xi32>
    %add3A_738 = arith.constant 32768 : i32
    %add3A_739 = vector.broadcast %add3A_738 : i32 to vector<128x128xi32>
    %add3A_740 = arith.addi %and3A_721, %add3A_739 : vector<128x128xi32>
    %select_n3A_741 = arith.select %ge3A_734, %sub3A_737, %add3A_740 : vector<128x128xi1>, vector<128x128xi32>
    %max3A_742 = arith.maxsi %select_n3A_731, %select_n3A_741 : vector<128x128xi32>
    %reduce_max3A_743 = arith.constant dense<-2147483648> : vector<128xi32>
    %reduce_max3A_744 = vector.multi_reduction <maxsi>, %max3A_742, %reduce_max3A_743 [1] : vector<128x128xi32> to vector<128xi32>
    %broadcast_in_dim3A_745 = vector.shape_cast %reduce_max3A_744 : vector<128xi32> to vector<128x1xi32>
    %get3A_746 = arith.constant 0 : index
    %get3A_747 = arith.constant 2688 : index
    %get3A_748 = vector.load %arg1[%get3A_746, %get3A_747] : memref<128x4096xi32, #tpu.memory_space<vmem>>, vector<128x128xi32>
    %and3A_749 = arith.constant 65535 : i32
    %and3A_750 = vector.broadcast %and3A_749 : i32 to vector<128x128xi32>
    %and3A_751 = arith.andi %get3A_748, %and3A_750 : vector<128x128xi32>
    %shift_right_arithmetic3A_752 = arith.constant 16 : i32
    %shift_right_arithmetic3A_753 = vector.broadcast %shift_right_arithmetic3A_752 : i32 to vector<128x128xi32>
    %shift_right_arithmetic3A_754 = arith.shrsi %get3A_748, %shift_right_arithmetic3A_753 : vector<128x128xi32>
    %and3A_755 = arith.constant 65535 : i32
    %and3A_756 = vector.broadcast %and3A_755 : i32 to vector<128x128xi32>
    %and3A_757 = arith.andi %shift_right_arithmetic3A_754, %and3A_756 : vector<128x128xi32>
    %ge3A_758 = arith.constant 32768 : i32
    %ge3A_759 = vector.broadcast %ge3A_758 : i32 to vector<128x128xi32>
    %ge3A_760 = arith.cmpi sge, %and3A_751, %ge3A_759 : vector<128x128xi32>
    %sub3A_761 = arith.constant 65535 : i32
    %sub3A_762 = vector.broadcast %sub3A_761 : i32 to vector<128x128xi32>
    %sub3A_763 = arith.subi %sub3A_762, %and3A_751 : vector<128x128xi32>
    %add3A_764 = arith.constant 32768 : i32
    %add3A_765 = vector.broadcast %add3A_764 : i32 to vector<128x128xi32>
    %add3A_766 = arith.addi %and3A_751, %add3A_765 : vector<128x128xi32>
    %select_n3A_767 = arith.select %ge3A_760, %sub3A_763, %add3A_766 : vector<128x128xi1>, vector<128x128xi32>
    %ge3A_768 = arith.constant 32768 : i32
    %ge3A_769 = vector.broadcast %ge3A_768 : i32 to vector<128x128xi32>
    %ge3A_770 = arith.cmpi sge, %and3A_757, %ge3A_769 : vector<128x128xi32>
    %sub3A_771 = arith.constant 65535 : i32
    %sub3A_772 = vector.broadcast %sub3A_771 : i32 to vector<128x128xi32>
    %sub3A_773 = arith.subi %sub3A_772, %and3A_757 : vector<128x128xi32>
    %add3A_774 = arith.constant 32768 : i32
    %add3A_775 = vector.broadcast %add3A_774 : i32 to vector<128x128xi32>
    %add3A_776 = arith.addi %and3A_757, %add3A_775 : vector<128x128xi32>
    %select_n3A_777 = arith.select %ge3A_770, %sub3A_773, %add3A_776 : vector<128x128xi1>, vector<128x128xi32>
    %max3A_778 = arith.maxsi %select_n3A_767, %select_n3A_777 : vector<128x128xi32>
    %reduce_max3A_779 = arith.constant dense<-2147483648> : vector<128xi32>
    %reduce_max3A_780 = vector.multi_reduction <maxsi>, %max3A_778, %reduce_max3A_779 [1] : vector<128x128xi32> to vector<128xi32>
    %broadcast_in_dim3A_781 = vector.shape_cast %reduce_max3A_780 : vector<128xi32> to vector<128x1xi32>
    %get3A_782 = arith.constant 0 : index
    %get3A_783 = arith.constant 2816 : index
    %get3A_784 = vector.load %arg1[%get3A_782, %get3A_783] : memref<128x4096xi32, #tpu.memory_space<vmem>>, vector<128x128xi32>
    %and3A_785 = arith.constant 65535 : i32
    %and3A_786 = vector.broadcast %and3A_785 : i32 to vector<128x128xi32>
    %and3A_787 = arith.andi %get3A_784, %and3A_786 : vector<128x128xi32>
    %shift_right_arithmetic3A_788 = arith.constant 16 : i32
    %shift_right_arithmetic3A_789 = vector.broadcast %shift_right_arithmetic3A_788 : i32 to vector<128x128xi32>
    %shift_right_arithmetic3A_790 = arith.shrsi %get3A_784, %shift_right_arithmetic3A_789 : vector<128x128xi32>
    %and3A_791 = arith.constant 65535 : i32
    %and3A_792 = vector.broadcast %and3A_791 : i32 to vector<128x128xi32>
    %and3A_793 = arith.andi %shift_right_arithmetic3A_790, %and3A_792 : vector<128x128xi32>
    %ge3A_794 = arith.constant 32768 : i32
    %ge3A_795 = vector.broadcast %ge3A_794 : i32 to vector<128x128xi32>
    %ge3A_796 = arith.cmpi sge, %and3A_787, %ge3A_795 : vector<128x128xi32>
    %sub3A_797 = arith.constant 65535 : i32
    %sub3A_798 = vector.broadcast %sub3A_797 : i32 to vector<128x128xi32>
    %sub3A_799 = arith.subi %sub3A_798, %and3A_787 : vector<128x128xi32>
    %add3A_800 = arith.constant 32768 : i32
    %add3A_801 = vector.broadcast %add3A_800 : i32 to vector<128x128xi32>
    %add3A_802 = arith.addi %and3A_787, %add3A_801 : vector<128x128xi32>
    %select_n3A_803 = arith.select %ge3A_796, %sub3A_799, %add3A_802 : vector<128x128xi1>, vector<128x128xi32>
    %ge3A_804 = arith.constant 32768 : i32
    %ge3A_805 = vector.broadcast %ge3A_804 : i32 to vector<128x128xi32>
    %ge3A_806 = arith.cmpi sge, %and3A_793, %ge3A_805 : vector<128x128xi32>
    %sub3A_807 = arith.constant 65535 : i32
    %sub3A_808 = vector.broadcast %sub3A_807 : i32 to vector<128x128xi32>
    %sub3A_809 = arith.subi %sub3A_808, %and3A_793 : vector<128x128xi32>
    %add3A_810 = arith.constant 32768 : i32
    %add3A_811 = vector.broadcast %add3A_810 : i32 to vector<128x128xi32>
    %add3A_812 = arith.addi %and3A_793, %add3A_811 : vector<128x128xi32>
    %select_n3A_813 = arith.select %ge3A_806, %sub3A_809, %add3A_812 : vector<128x128xi1>, vector<128x128xi32>
    %max3A_814 = arith.maxsi %select_n3A_803, %select_n3A_813 : vector<128x128xi32>
    %reduce_max3A_815 = arith.constant dense<-2147483648> : vector<128xi32>
    %reduce_max3A_816 = vector.multi_reduction <maxsi>, %max3A_814, %reduce_max3A_815 [1] : vector<128x128xi32> to vector<128xi32>
    %broadcast_in_dim3A_817 = vector.shape_cast %reduce_max3A_816 : vector<128xi32> to vector<128x1xi32>
    %get3A_818 = arith.constant 0 : index
    %get3A_819 = arith.constant 2944 : index
    %get3A_820 = vector.load %arg1[%get3A_818, %get3A_819] : memref<128x4096xi32, #tpu.memory_space<vmem>>, vector<128x128xi32>
    %and3A_821 = arith.constant 65535 : i32
    %and3A_822 = vector.broadcast %and3A_821 : i32 to vector<128x128xi32>
    %and3A_823 = arith.andi %get3A_820, %and3A_822 : vector<128x128xi32>
    %shift_right_arithmetic3A_824 = arith.constant 16 : i32
    %shift_right_arithmetic3A_825 = vector.broadcast %shift_right_arithmetic3A_824 : i32 to vector<128x128xi32>
    %shift_right_arithmetic3A_826 = arith.shrsi %get3A_820, %shift_right_arithmetic3A_825 : vector<128x128xi32>
    %and3A_827 = arith.constant 65535 : i32
    %and3A_828 = vector.broadcast %and3A_827 : i32 to vector<128x128xi32>
    %and3A_829 = arith.andi %shift_right_arithmetic3A_826, %and3A_828 : vector<128x128xi32>
    %ge3A_830 = arith.constant 32768 : i32
    %ge3A_831 = vector.broadcast %ge3A_830 : i32 to vector<128x128xi32>
    %ge3A_832 = arith.cmpi sge, %and3A_823, %ge3A_831 : vector<128x128xi32>
    %sub3A_833 = arith.constant 65535 : i32
    %sub3A_834 = vector.broadcast %sub3A_833 : i32 to vector<128x128xi32>
    %sub3A_835 = arith.subi %sub3A_834, %and3A_823 : vector<128x128xi32>
    %add3A_836 = arith.constant 32768 : i32
    %add3A_837 = vector.broadcast %add3A_836 : i32 to vector<128x128xi32>
    %add3A_838 = arith.addi %and3A_823, %add3A_837 : vector<128x128xi32>
    %select_n3A_839 = arith.select %ge3A_832, %sub3A_835, %add3A_838 : vector<128x128xi1>, vector<128x128xi32>
    %ge3A_840 = arith.constant 32768 : i32
    %ge3A_841 = vector.broadcast %ge3A_840 : i32 to vector<128x128xi32>
    %ge3A_842 = arith.cmpi sge, %and3A_829, %ge3A_841 : vector<128x128xi32>
    %sub3A_843 = arith.constant 65535 : i32
    %sub3A_844 = vector.broadcast %sub3A_843 : i32 to vector<128x128xi32>
    %sub3A_845 = arith.subi %sub3A_844, %and3A_829 : vector<128x128xi32>
    %add3A_846 = arith.constant 32768 : i32
    %add3A_847 = vector.broadcast %add3A_846 : i32 to vector<128x128xi32>
    %add3A_848 = arith.addi %and3A_829, %add3A_847 : vector<128x128xi32>
    %select_n3A_849 = arith.select %ge3A_842, %sub3A_845, %add3A_848 : vector<128x128xi1>, vector<128x128xi32>
    %max3A_850 = arith.maxsi %select_n3A_839, %select_n3A_849 : vector<128x128xi32>
    %reduce_max3A_851 = arith.constant dense<-2147483648> : vector<128xi32>
    %reduce_max3A_852 = vector.multi_reduction <maxsi>, %max3A_850, %reduce_max3A_851 [1] : vector<128x128xi32> to vector<128xi32>
    %broadcast_in_dim3A_853 = vector.shape_cast %reduce_max3A_852 : vector<128xi32> to vector<128x1xi32>
    %get3A_854 = arith.constant 0 : index
    %get3A_855 = arith.constant 3072 : index
    %get3A_856 = vector.load %arg1[%get3A_854, %get3A_855] : memref<128x4096xi32, #tpu.memory_space<vmem>>, vector<128x128xi32>
    %and3A_857 = arith.constant 65535 : i32
    %and3A_858 = vector.broadcast %and3A_857 : i32 to vector<128x128xi32>
    %and3A_859 = arith.andi %get3A_856, %and3A_858 : vector<128x128xi32>
    %shift_right_arithmetic3A_860 = arith.constant 16 : i32
    %shift_right_arithmetic3A_861 = vector.broadcast %shift_right_arithmetic3A_860 : i32 to vector<128x128xi32>
    %shift_right_arithmetic3A_862 = arith.shrsi %get3A_856, %shift_right_arithmetic3A_861 : vector<128x128xi32>
    %and3A_863 = arith.constant 65535 : i32
    %and3A_864 = vector.broadcast %and3A_863 : i32 to vector<128x128xi32>
    %and3A_865 = arith.andi %shift_right_arithmetic3A_862, %and3A_864 : vector<128x128xi32>
    %ge3A_866 = arith.constant 32768 : i32
    %ge3A_867 = vector.broadcast %ge3A_866 : i32 to vector<128x128xi32>
    %ge3A_868 = arith.cmpi sge, %and3A_859, %ge3A_867 : vector<128x128xi32>
    %sub3A_869 = arith.constant 65535 : i32
    %sub3A_870 = vector.broadcast %sub3A_869 : i32 to vector<128x128xi32>
    %sub3A_871 = arith.subi %sub3A_870, %and3A_859 : vector<128x128xi32>
    %add3A_872 = arith.constant 32768 : i32
    %add3A_873 = vector.broadcast %add3A_872 : i32 to vector<128x128xi32>
    %add3A_874 = arith.addi %and3A_859, %add3A_873 : vector<128x128xi32>
    %select_n3A_875 = arith.select %ge3A_868, %sub3A_871, %add3A_874 : vector<128x128xi1>, vector<128x128xi32>
    %ge3A_876 = arith.constant 32768 : i32
    %ge3A_877 = vector.broadcast %ge3A_876 : i32 to vector<128x128xi32>
    %ge3A_878 = arith.cmpi sge, %and3A_865, %ge3A_877 : vector<128x128xi32>
    %sub3A_879 = arith.constant 65535 : i32
    %sub3A_880 = vector.broadcast %sub3A_879 : i32 to vector<128x128xi32>
    %sub3A_881 = arith.subi %sub3A_880, %and3A_865 : vector<128x128xi32>
    %add3A_882 = arith.constant 32768 : i32
    %add3A_883 = vector.broadcast %add3A_882 : i32 to vector<128x128xi32>
    %add3A_884 = arith.addi %and3A_865, %add3A_883 : vector<128x128xi32>
    %select_n3A_885 = arith.select %ge3A_878, %sub3A_881, %add3A_884 : vector<128x128xi1>, vector<128x128xi32>
    %max3A_886 = arith.maxsi %select_n3A_875, %select_n3A_885 : vector<128x128xi32>
    %reduce_max3A_887 = arith.constant dense<-2147483648> : vector<128xi32>
    %reduce_max3A_888 = vector.multi_reduction <maxsi>, %max3A_886, %reduce_max3A_887 [1] : vector<128x128xi32> to vector<128xi32>
    %broadcast_in_dim3A_889 = vector.shape_cast %reduce_max3A_888 : vector<128xi32> to vector<128x1xi32>
    %get3A_890 = arith.constant 0 : index
    %get3A_891 = arith.constant 3200 : index
    %get3A_892 = vector.load %arg1[%get3A_890, %get3A_891] : memref<128x4096xi32, #tpu.memory_space<vmem>>, vector<128x128xi32>
    %and3A_893 = arith.constant 65535 : i32
    %and3A_894 = vector.broadcast %and3A_893 : i32 to vector<128x128xi32>
    %and3A_895 = arith.andi %get3A_892, %and3A_894 : vector<128x128xi32>
    %shift_right_arithmetic3A_896 = arith.constant 16 : i32
    %shift_right_arithmetic3A_897 = vector.broadcast %shift_right_arithmetic3A_896 : i32 to vector<128x128xi32>
    %shift_right_arithmetic3A_898 = arith.shrsi %get3A_892, %shift_right_arithmetic3A_897 : vector<128x128xi32>
    %and3A_899 = arith.constant 65535 : i32
    %and3A_900 = vector.broadcast %and3A_899 : i32 to vector<128x128xi32>
    %and3A_901 = arith.andi %shift_right_arithmetic3A_898, %and3A_900 : vector<128x128xi32>
    %ge3A_902 = arith.constant 32768 : i32
    %ge3A_903 = vector.broadcast %ge3A_902 : i32 to vector<128x128xi32>
    %ge3A_904 = arith.cmpi sge, %and3A_895, %ge3A_903 : vector<128x128xi32>
    %sub3A_905 = arith.constant 65535 : i32
    %sub3A_906 = vector.broadcast %sub3A_905 : i32 to vector<128x128xi32>
    %sub3A_907 = arith.subi %sub3A_906, %and3A_895 : vector<128x128xi32>
    %add3A_908 = arith.constant 32768 : i32
    %add3A_909 = vector.broadcast %add3A_908 : i32 to vector<128x128xi32>
    %add3A_910 = arith.addi %and3A_895, %add3A_909 : vector<128x128xi32>
    %select_n3A_911 = arith.select %ge3A_904, %sub3A_907, %add3A_910 : vector<128x128xi1>, vector<128x128xi32>
    %ge3A_912 = arith.constant 32768 : i32
    %ge3A_913 = vector.broadcast %ge3A_912 : i32 to vector<128x128xi32>
    %ge3A_914 = arith.cmpi sge, %and3A_901, %ge3A_913 : vector<128x128xi32>
    %sub3A_915 = arith.constant 65535 : i32
    %sub3A_916 = vector.broadcast %sub3A_915 : i32 to vector<128x128xi32>
    %sub3A_917 = arith.subi %sub3A_916, %and3A_901 : vector<128x128xi32>
    %add3A_918 = arith.constant 32768 : i32
    %add3A_919 = vector.broadcast %add3A_918 : i32 to vector<128x128xi32>
    %add3A_920 = arith.addi %and3A_901, %add3A_919 : vector<128x128xi32>
    %select_n3A_921 = arith.select %ge3A_914, %sub3A_917, %add3A_920 : vector<128x128xi1>, vector<128x128xi32>
    %max3A_922 = arith.maxsi %select_n3A_911, %select_n3A_921 : vector<128x128xi32>
    %reduce_max3A_923 = arith.constant dense<-2147483648> : vector<128xi32>
    %reduce_max3A_924 = vector.multi_reduction <maxsi>, %max3A_922, %reduce_max3A_923 [1] : vector<128x128xi32> to vector<128xi32>
    %broadcast_in_dim3A_925 = vector.shape_cast %reduce_max3A_924 : vector<128xi32> to vector<128x1xi32>
    %get3A_926 = arith.constant 0 : index
    %get3A_927 = arith.constant 3328 : index
    %get3A_928 = vector.load %arg1[%get3A_926, %get3A_927] : memref<128x4096xi32, #tpu.memory_space<vmem>>, vector<128x128xi32>
    %and3A_929 = arith.constant 65535 : i32
    %and3A_930 = vector.broadcast %and3A_929 : i32 to vector<128x128xi32>
    %and3A_931 = arith.andi %get3A_928, %and3A_930 : vector<128x128xi32>
    %shift_right_arithmetic3A_932 = arith.constant 16 : i32
    %shift_right_arithmetic3A_933 = vector.broadcast %shift_right_arithmetic3A_932 : i32 to vector<128x128xi32>
    %shift_right_arithmetic3A_934 = arith.shrsi %get3A_928, %shift_right_arithmetic3A_933 : vector<128x128xi32>
    %and3A_935 = arith.constant 65535 : i32
    %and3A_936 = vector.broadcast %and3A_935 : i32 to vector<128x128xi32>
    %and3A_937 = arith.andi %shift_right_arithmetic3A_934, %and3A_936 : vector<128x128xi32>
    %ge3A_938 = arith.constant 32768 : i32
    %ge3A_939 = vector.broadcast %ge3A_938 : i32 to vector<128x128xi32>
    %ge3A_940 = arith.cmpi sge, %and3A_931, %ge3A_939 : vector<128x128xi32>
    %sub3A_941 = arith.constant 65535 : i32
    %sub3A_942 = vector.broadcast %sub3A_941 : i32 to vector<128x128xi32>
    %sub3A_943 = arith.subi %sub3A_942, %and3A_931 : vector<128x128xi32>
    %add3A_944 = arith.constant 32768 : i32
    %add3A_945 = vector.broadcast %add3A_944 : i32 to vector<128x128xi32>
    %add3A_946 = arith.addi %and3A_931, %add3A_945 : vector<128x128xi32>
    %select_n3A_947 = arith.select %ge3A_940, %sub3A_943, %add3A_946 : vector<128x128xi1>, vector<128x128xi32>
    %ge3A_948 = arith.constant 32768 : i32
    %ge3A_949 = vector.broadcast %ge3A_948 : i32 to vector<128x128xi32>
    %ge3A_950 = arith.cmpi sge, %and3A_937, %ge3A_949 : vector<128x128xi32>
    %sub3A_951 = arith.constant 65535 : i32
    %sub3A_952 = vector.broadcast %sub3A_951 : i32 to vector<128x128xi32>
    %sub3A_953 = arith.subi %sub3A_952, %and3A_937 : vector<128x128xi32>
    %add3A_954 = arith.constant 32768 : i32
    %add3A_955 = vector.broadcast %add3A_954 : i32 to vector<128x128xi32>
    %add3A_956 = arith.addi %and3A_937, %add3A_955 : vector<128x128xi32>
    %select_n3A_957 = arith.select %ge3A_950, %sub3A_953, %add3A_956 : vector<128x128xi1>, vector<128x128xi32>
    %max3A_958 = arith.maxsi %select_n3A_947, %select_n3A_957 : vector<128x128xi32>
    %reduce_max3A_959 = arith.constant dense<-2147483648> : vector<128xi32>
    %reduce_max3A_960 = vector.multi_reduction <maxsi>, %max3A_958, %reduce_max3A_959 [1] : vector<128x128xi32> to vector<128xi32>
    %broadcast_in_dim3A_961 = vector.shape_cast %reduce_max3A_960 : vector<128xi32> to vector<128x1xi32>
    %get3A_962 = arith.constant 0 : index
    %get3A_963 = arith.constant 3456 : index
    %get3A_964 = vector.load %arg1[%get3A_962, %get3A_963] : memref<128x4096xi32, #tpu.memory_space<vmem>>, vector<128x128xi32>
    %and3A_965 = arith.constant 65535 : i32
    %and3A_966 = vector.broadcast %and3A_965 : i32 to vector<128x128xi32>
    %and3A_967 = arith.andi %get3A_964, %and3A_966 : vector<128x128xi32>
    %shift_right_arithmetic3A_968 = arith.constant 16 : i32
    %shift_right_arithmetic3A_969 = vector.broadcast %shift_right_arithmetic3A_968 : i32 to vector<128x128xi32>
    %shift_right_arithmetic3A_970 = arith.shrsi %get3A_964, %shift_right_arithmetic3A_969 : vector<128x128xi32>
    %and3A_971 = arith.constant 65535 : i32
    %and3A_972 = vector.broadcast %and3A_971 : i32 to vector<128x128xi32>
    %and3A_973 = arith.andi %shift_right_arithmetic3A_970, %and3A_972 : vector<128x128xi32>
    %ge3A_974 = arith.constant 32768 : i32
    %ge3A_975 = vector.broadcast %ge3A_974 : i32 to vector<128x128xi32>
    %ge3A_976 = arith.cmpi sge, %and3A_967, %ge3A_975 : vector<128x128xi32>
    %sub3A_977 = arith.constant 65535 : i32
    %sub3A_978 = vector.broadcast %sub3A_977 : i32 to vector<128x128xi32>
    %sub3A_979 = arith.subi %sub3A_978, %and3A_967 : vector<128x128xi32>
    %add3A_980 = arith.constant 32768 : i32
    %add3A_981 = vector.broadcast %add3A_980 : i32 to vector<128x128xi32>
    %add3A_982 = arith.addi %and3A_967, %add3A_981 : vector<128x128xi32>
    %select_n3A_983 = arith.select %ge3A_976, %sub3A_979, %add3A_982 : vector<128x128xi1>, vector<128x128xi32>
    %ge3A_984 = arith.constant 32768 : i32
    %ge3A_985 = vector.broadcast %ge3A_984 : i32 to vector<128x128xi32>
    %ge3A_986 = arith.cmpi sge, %and3A_973, %ge3A_985 : vector<128x128xi32>
    %sub3A_987 = arith.constant 65535 : i32
    %sub3A_988 = vector.broadcast %sub3A_987 : i32 to vector<128x128xi32>
    %sub3A_989 = arith.subi %sub3A_988, %and3A_973 : vector<128x128xi32>
    %add3A_990 = arith.constant 32768 : i32
    %add3A_991 = vector.broadcast %add3A_990 : i32 to vector<128x128xi32>
    %add3A_992 = arith.addi %and3A_973, %add3A_991 : vector<128x128xi32>
    %select_n3A_993 = arith.select %ge3A_986, %sub3A_989, %add3A_992 : vector<128x128xi1>, vector<128x128xi32>
    %max3A_994 = arith.maxsi %select_n3A_983, %select_n3A_993 : vector<128x128xi32>
    %reduce_max3A_995 = arith.constant dense<-2147483648> : vector<128xi32>
    %reduce_max3A_996 = vector.multi_reduction <maxsi>, %max3A_994, %reduce_max3A_995 [1] : vector<128x128xi32> to vector<128xi32>
    %broadcast_in_dim3A_997 = vector.shape_cast %reduce_max3A_996 : vector<128xi32> to vector<128x1xi32>
    %get3A_998 = arith.constant 0 : index
    %get3A_999 = arith.constant 3584 : index
    %get3A_1000 = vector.load %arg1[%get3A_998, %get3A_999] : memref<128x4096xi32, #tpu.memory_space<vmem>>, vector<128x128xi32>
    %and3A_1001 = arith.constant 65535 : i32
    %and3A_1002 = vector.broadcast %and3A_1001 : i32 to vector<128x128xi32>
    %and3A_1003 = arith.andi %get3A_1000, %and3A_1002 : vector<128x128xi32>
    %shift_right_arithmetic3A_1004 = arith.constant 16 : i32
    %shift_right_arithmetic3A_1005 = vector.broadcast %shift_right_arithmetic3A_1004 : i32 to vector<128x128xi32>
    %shift_right_arithmetic3A_1006 = arith.shrsi %get3A_1000, %shift_right_arithmetic3A_1005 : vector<128x128xi32>
    %and3A_1007 = arith.constant 65535 : i32
    %and3A_1008 = vector.broadcast %and3A_1007 : i32 to vector<128x128xi32>
    %and3A_1009 = arith.andi %shift_right_arithmetic3A_1006, %and3A_1008 : vector<128x128xi32>
    %ge3A_1010 = arith.constant 32768 : i32
    %ge3A_1011 = vector.broadcast %ge3A_1010 : i32 to vector<128x128xi32>
    %ge3A_1012 = arith.cmpi sge, %and3A_1003, %ge3A_1011 : vector<128x128xi32>
    %sub3A_1013 = arith.constant 65535 : i32
    %sub3A_1014 = vector.broadcast %sub3A_1013 : i32 to vector<128x128xi32>
    %sub3A_1015 = arith.subi %sub3A_1014, %and3A_1003 : vector<128x128xi32>
    %add3A_1016 = arith.constant 32768 : i32
    %add3A_1017 = vector.broadcast %add3A_1016 : i32 to vector<128x128xi32>
    %add3A_1018 = arith.addi %and3A_1003, %add3A_1017 : vector<128x128xi32>
    %select_n3A_1019 = arith.select %ge3A_1012, %sub3A_1015, %add3A_1018 : vector<128x128xi1>, vector<128x128xi32>
    %ge3A_1020 = arith.constant 32768 : i32
    %ge3A_1021 = vector.broadcast %ge3A_1020 : i32 to vector<128x128xi32>
    %ge3A_1022 = arith.cmpi sge, %and3A_1009, %ge3A_1021 : vector<128x128xi32>
    %sub3A_1023 = arith.constant 65535 : i32
    %sub3A_1024 = vector.broadcast %sub3A_1023 : i32 to vector<128x128xi32>
    %sub3A_1025 = arith.subi %sub3A_1024, %and3A_1009 : vector<128x128xi32>
    %add3A_1026 = arith.constant 32768 : i32
    %add3A_1027 = vector.broadcast %add3A_1026 : i32 to vector<128x128xi32>
    %add3A_1028 = arith.addi %and3A_1009, %add3A_1027 : vector<128x128xi32>
    %select_n3A_1029 = arith.select %ge3A_1022, %sub3A_1025, %add3A_1028 : vector<128x128xi1>, vector<128x128xi32>
    %max3A_1030 = arith.maxsi %select_n3A_1019, %select_n3A_1029 : vector<128x128xi32>
    %reduce_max3A_1031 = arith.constant dense<-2147483648> : vector<128xi32>
    %reduce_max3A_1032 = vector.multi_reduction <maxsi>, %max3A_1030, %reduce_max3A_1031 [1] : vector<128x128xi32> to vector<128xi32>
    %broadcast_in_dim3A_1033 = vector.shape_cast %reduce_max3A_1032 : vector<128xi32> to vector<128x1xi32>
    %get3A_1034 = arith.constant 0 : index
    %get3A_1035 = arith.constant 3712 : index
    %get3A_1036 = vector.load %arg1[%get3A_1034, %get3A_1035] : memref<128x4096xi32, #tpu.memory_space<vmem>>, vector<128x128xi32>
    %and3A_1037 = arith.constant 65535 : i32
    %and3A_1038 = vector.broadcast %and3A_1037 : i32 to vector<128x128xi32>
    %and3A_1039 = arith.andi %get3A_1036, %and3A_1038 : vector<128x128xi32>
    %shift_right_arithmetic3A_1040 = arith.constant 16 : i32
    %shift_right_arithmetic3A_1041 = vector.broadcast %shift_right_arithmetic3A_1040 : i32 to vector<128x128xi32>
    %shift_right_arithmetic3A_1042 = arith.shrsi %get3A_1036, %shift_right_arithmetic3A_1041 : vector<128x128xi32>
    %and3A_1043 = arith.constant 65535 : i32
    %and3A_1044 = vector.broadcast %and3A_1043 : i32 to vector<128x128xi32>
    %and3A_1045 = arith.andi %shift_right_arithmetic3A_1042, %and3A_1044 : vector<128x128xi32>
    %ge3A_1046 = arith.constant 32768 : i32
    %ge3A_1047 = vector.broadcast %ge3A_1046 : i32 to vector<128x128xi32>
    %ge3A_1048 = arith.cmpi sge, %and3A_1039, %ge3A_1047 : vector<128x128xi32>
    %sub3A_1049 = arith.constant 65535 : i32
    %sub3A_1050 = vector.broadcast %sub3A_1049 : i32 to vector<128x128xi32>
    %sub3A_1051 = arith.subi %sub3A_1050, %and3A_1039 : vector<128x128xi32>
    %add3A_1052 = arith.constant 32768 : i32
    %add3A_1053 = vector.broadcast %add3A_1052 : i32 to vector<128x128xi32>
    %add3A_1054 = arith.addi %and3A_1039, %add3A_1053 : vector<128x128xi32>
    %select_n3A_1055 = arith.select %ge3A_1048, %sub3A_1051, %add3A_1054 : vector<128x128xi1>, vector<128x128xi32>
    %ge3A_1056 = arith.constant 32768 : i32
    %ge3A_1057 = vector.broadcast %ge3A_1056 : i32 to vector<128x128xi32>
    %ge3A_1058 = arith.cmpi sge, %and3A_1045, %ge3A_1057 : vector<128x128xi32>
    %sub3A_1059 = arith.constant 65535 : i32
    %sub3A_1060 = vector.broadcast %sub3A_1059 : i32 to vector<128x128xi32>
    %sub3A_1061 = arith.subi %sub3A_1060, %and3A_1045 : vector<128x128xi32>
    %add3A_1062 = arith.constant 32768 : i32
    %add3A_1063 = vector.broadcast %add3A_1062 : i32 to vector<128x128xi32>
    %add3A_1064 = arith.addi %and3A_1045, %add3A_1063 : vector<128x128xi32>
    %select_n3A_1065 = arith.select %ge3A_1058, %sub3A_1061, %add3A_1064 : vector<128x128xi1>, vector<128x128xi32>
    %max3A_1066 = arith.maxsi %select_n3A_1055, %select_n3A_1065 : vector<128x128xi32>
    %reduce_max3A_1067 = arith.constant dense<-2147483648> : vector<128xi32>
    %reduce_max3A_1068 = vector.multi_reduction <maxsi>, %max3A_1066, %reduce_max3A_1067 [1] : vector<128x128xi32> to vector<128xi32>
    %broadcast_in_dim3A_1069 = vector.shape_cast %reduce_max3A_1068 : vector<128xi32> to vector<128x1xi32>
    %get3A_1070 = arith.constant 0 : index
    %get3A_1071 = arith.constant 3840 : index
    %get3A_1072 = vector.load %arg1[%get3A_1070, %get3A_1071] : memref<128x4096xi32, #tpu.memory_space<vmem>>, vector<128x128xi32>
    %and3A_1073 = arith.constant 65535 : i32
    %and3A_1074 = vector.broadcast %and3A_1073 : i32 to vector<128x128xi32>
    %and3A_1075 = arith.andi %get3A_1072, %and3A_1074 : vector<128x128xi32>
    %shift_right_arithmetic3A_1076 = arith.constant 16 : i32
    %shift_right_arithmetic3A_1077 = vector.broadcast %shift_right_arithmetic3A_1076 : i32 to vector<128x128xi32>
    %shift_right_arithmetic3A_1078 = arith.shrsi %get3A_1072, %shift_right_arithmetic3A_1077 : vector<128x128xi32>
    %and3A_1079 = arith.constant 65535 : i32
    %and3A_1080 = vector.broadcast %and3A_1079 : i32 to vector<128x128xi32>
    %and3A_1081 = arith.andi %shift_right_arithmetic3A_1078, %and3A_1080 : vector<128x128xi32>
    %ge3A_1082 = arith.constant 32768 : i32
    %ge3A_1083 = vector.broadcast %ge3A_1082 : i32 to vector<128x128xi32>
    %ge3A_1084 = arith.cmpi sge, %and3A_1075, %ge3A_1083 : vector<128x128xi32>
    %sub3A_1085 = arith.constant 65535 : i32
    %sub3A_1086 = vector.broadcast %sub3A_1085 : i32 to vector<128x128xi32>
    %sub3A_1087 = arith.subi %sub3A_1086, %and3A_1075 : vector<128x128xi32>
    %add3A_1088 = arith.constant 32768 : i32
    %add3A_1089 = vector.broadcast %add3A_1088 : i32 to vector<128x128xi32>
    %add3A_1090 = arith.addi %and3A_1075, %add3A_1089 : vector<128x128xi32>
    %select_n3A_1091 = arith.select %ge3A_1084, %sub3A_1087, %add3A_1090 : vector<128x128xi1>, vector<128x128xi32>
    %ge3A_1092 = arith.constant 32768 : i32
    %ge3A_1093 = vector.broadcast %ge3A_1092 : i32 to vector<128x128xi32>
    %ge3A_1094 = arith.cmpi sge, %and3A_1081, %ge3A_1093 : vector<128x128xi32>
    %sub3A_1095 = arith.constant 65535 : i32
    %sub3A_1096 = vector.broadcast %sub3A_1095 : i32 to vector<128x128xi32>
    %sub3A_1097 = arith.subi %sub3A_1096, %and3A_1081 : vector<128x128xi32>
    %add3A_1098 = arith.constant 32768 : i32
    %add3A_1099 = vector.broadcast %add3A_1098 : i32 to vector<128x128xi32>
    %add3A_1100 = arith.addi %and3A_1081, %add3A_1099 : vector<128x128xi32>
    %select_n3A_1101 = arith.select %ge3A_1094, %sub3A_1097, %add3A_1100 : vector<128x128xi1>, vector<128x128xi32>
    %max3A_1102 = arith.maxsi %select_n3A_1091, %select_n3A_1101 : vector<128x128xi32>
    %reduce_max3A_1103 = arith.constant dense<-2147483648> : vector<128xi32>
    %reduce_max3A_1104 = vector.multi_reduction <maxsi>, %max3A_1102, %reduce_max3A_1103 [1] : vector<128x128xi32> to vector<128xi32>
    %broadcast_in_dim3A_1105 = vector.shape_cast %reduce_max3A_1104 : vector<128xi32> to vector<128x1xi32>
    %get3A_1106 = arith.constant 0 : index
    %get3A_1107 = arith.constant 3968 : index
    %get3A_1108 = vector.load %arg1[%get3A_1106, %get3A_1107] : memref<128x4096xi32, #tpu.memory_space<vmem>>, vector<128x128xi32>
    %and3A_1109 = arith.constant 65535 : i32
    %and3A_1110 = vector.broadcast %and3A_1109 : i32 to vector<128x128xi32>
    %and3A_1111 = arith.andi %get3A_1108, %and3A_1110 : vector<128x128xi32>
    %shift_right_arithmetic3A_1112 = arith.constant 16 : i32
    %shift_right_arithmetic3A_1113 = vector.broadcast %shift_right_arithmetic3A_1112 : i32 to vector<128x128xi32>
    %shift_right_arithmetic3A_1114 = arith.shrsi %get3A_1108, %shift_right_arithmetic3A_1113 : vector<128x128xi32>
    %and3A_1115 = arith.constant 65535 : i32
    %and3A_1116 = vector.broadcast %and3A_1115 : i32 to vector<128x128xi32>
    %and3A_1117 = arith.andi %shift_right_arithmetic3A_1114, %and3A_1116 : vector<128x128xi32>
    %ge3A_1118 = arith.constant 32768 : i32
    %ge3A_1119 = vector.broadcast %ge3A_1118 : i32 to vector<128x128xi32>
    %ge3A_1120 = arith.cmpi sge, %and3A_1111, %ge3A_1119 : vector<128x128xi32>
    %sub3A_1121 = arith.constant 65535 : i32
    %sub3A_1122 = vector.broadcast %sub3A_1121 : i32 to vector<128x128xi32>
    %sub3A_1123 = arith.subi %sub3A_1122, %and3A_1111 : vector<128x128xi32>
    %add3A_1124 = arith.constant 32768 : i32
    %add3A_1125 = vector.broadcast %add3A_1124 : i32 to vector<128x128xi32>
    %add3A_1126 = arith.addi %and3A_1111, %add3A_1125 : vector<128x128xi32>
    %select_n3A_1127 = arith.select %ge3A_1120, %sub3A_1123, %add3A_1126 : vector<128x128xi1>, vector<128x128xi32>
    %ge3A_1128 = arith.constant 32768 : i32
    %ge3A_1129 = vector.broadcast %ge3A_1128 : i32 to vector<128x128xi32>
    %ge3A_1130 = arith.cmpi sge, %and3A_1117, %ge3A_1129 : vector<128x128xi32>
    %sub3A_1131 = arith.constant 65535 : i32
    %sub3A_1132 = vector.broadcast %sub3A_1131 : i32 to vector<128x128xi32>
    %sub3A_1133 = arith.subi %sub3A_1132, %and3A_1117 : vector<128x128xi32>
    %add3A_1134 = arith.constant 32768 : i32
    %add3A_1135 = vector.broadcast %add3A_1134 : i32 to vector<128x128xi32>
    %add3A_1136 = arith.addi %and3A_1117, %add3A_1135 : vector<128x128xi32>
    %select_n3A_1137 = arith.select %ge3A_1130, %sub3A_1133, %add3A_1136 : vector<128x128xi1>, vector<128x128xi32>
    %max3A_1138 = arith.maxsi %select_n3A_1127, %select_n3A_1137 : vector<128x128xi32>
    %reduce_max3A_1139 = arith.constant dense<-2147483648> : vector<128xi32>
    %reduce_max3A_1140 = vector.multi_reduction <maxsi>, %max3A_1138, %reduce_max3A_1139 [1] : vector<128x128xi32> to vector<128xi32>
    %broadcast_in_dim3A_1141 = vector.shape_cast %reduce_max3A_1140 : vector<128xi32> to vector<128x1xi32>
    %concatenate3A = tpu.concatenate %broadcast_in_dim3A, %broadcast_in_dim3A_61, %broadcast_in_dim3A_97, %broadcast_in_dim3A_133, %broadcast_in_dim3A_169, %broadcast_in_dim3A_205, %broadcast_in_dim3A_241, %broadcast_in_dim3A_277, %broadcast_in_dim3A_313, %broadcast_in_dim3A_349, %broadcast_in_dim3A_385, %broadcast_in_dim3A_421, %broadcast_in_dim3A_457, %broadcast_in_dim3A_493, %broadcast_in_dim3A_529, %broadcast_in_dim3A_565, %broadcast_in_dim3A_601, %broadcast_in_dim3A_637, %broadcast_in_dim3A_673, %broadcast_in_dim3A_709, %broadcast_in_dim3A_745, %broadcast_in_dim3A_781, %broadcast_in_dim3A_817, %broadcast_in_dim3A_853, %broadcast_in_dim3A_889, %broadcast_in_dim3A_925, %broadcast_in_dim3A_961, %broadcast_in_dim3A_997, %broadcast_in_dim3A_1033, %broadcast_in_dim3A_1069, %broadcast_in_dim3A_1105, %broadcast_in_dim3A_1141 in 1 : vector<128x1xi32>, vector<128x1xi32>, vector<128x1xi32>, vector<128x1xi32>, vector<128x1xi32>, vector<128x1xi32>, vector<128x1xi32>, vector<128x1xi32>, vector<128x1xi32>, vector<128x1xi32>, vector<128x1xi32>, vector<128x1xi32>, vector<128x1xi32>, vector<128x1xi32>, vector<128x1xi32>, vector<128x1xi32>, vector<128x1xi32>, vector<128x1xi32>, vector<128x1xi32>, vector<128x1xi32>, vector<128x1xi32>, vector<128x1xi32>, vector<128x1xi32>, vector<128x1xi32>, vector<128x1xi32>, vector<128x1xi32>, vector<128x1xi32>, vector<128x1xi32>, vector<128x1xi32>, vector<128x1xi32>, vector<128x1xi32>, vector<128x1xi32> -> vector<128x32xi32>
    %swap3A = arith.index_cast %arg0 : i32 to index
    %swap3A_1142 = arith.constant 0 : index
    %swap3A_1143 = arith.constant 0 : index
    %swap3A_1144 = vector.load %arg5[%swap3A, %swap3A_1142, %swap3A_1143] : memref<4x128x32xi32, #tpu.memory_space<vmem>>, vector<1x128x32xi32>
    %swap3A_1145 = vector.shape_cast %swap3A_1144 : vector<1x128x32xi32> to vector<128x32xi32>
    %swap3A_1146 = vector.shape_cast %concatenate3A : vector<128x32xi32> to vector<1x128x32xi32>
    tpu.vector_store %arg5[%swap3A, %swap3A_1142, %swap3A_1143], %swap3A_1146 {strides = array<i32>} : memref<4x128x32xi32, #tpu.memory_space<vmem>>, vector<1x128x32xi32>,
    %get3A_1147 = arith.constant 0 : index
    %get3A_1148 = arith.constant 0 : index
    %get3A_1149 = vector.load %arg2[%get3A_1147, %get3A_1148] : memref<128x4096xi32, #tpu.memory_space<vmem>>, vector<128x128xi32>
    %and3A_1150 = arith.constant 65535 : i32
    %and3A_1151 = vector.broadcast %and3A_1150 : i32 to vector<128x128xi32>
    %and3A_1152 = arith.andi %get3A_1149, %and3A_1151 : vector<128x128xi32>
    %shift_right_arithmetic3A_1153 = arith.constant 16 : i32
    %shift_right_arithmetic3A_1154 = vector.broadcast %shift_right_arithmetic3A_1153 : i32 to vector<128x128xi32>
    %shift_right_arithmetic3A_1155 = arith.shrsi %get3A_1149, %shift_right_arithmetic3A_1154 : vector<128x128xi32>
    %and3A_1156 = arith.constant 65535 : i32
    %and3A_1157 = vector.broadcast %and3A_1156 : i32 to vector<128x128xi32>
    %and3A_1158 = arith.andi %shift_right_arithmetic3A_1155, %and3A_1157 : vector<128x128xi32>
    %ge3A_1159 = arith.constant 32768 : i32
    %ge3A_1160 = vector.broadcast %ge3A_1159 : i32 to vector<128x128xi32>
    %ge3A_1161 = arith.cmpi sge, %and3A_1152, %ge3A_1160 : vector<128x128xi32>
    %sub3A_1162 = arith.constant 65535 : i32
    %sub3A_1163 = vector.broadcast %sub3A_1162 : i32 to vector<128x128xi32>
    %sub3A_1164 = arith.subi %sub3A_1163, %and3A_1152 : vector<128x128xi32>
    %add3A_1165 = arith.constant 32768 : i32
    %add3A_1166 = vector.broadcast %add3A_1165 : i32 to vector<128x128xi32>
    %add3A_1167 = arith.addi %and3A_1152, %add3A_1166 : vector<128x128xi32>
    %select_n3A_1168 = arith.select %ge3A_1161, %sub3A_1164, %add3A_1167 : vector<128x128xi1>, vector<128x128xi32>
    %ge3A_1169 = arith.constant 32768 : i32
    %ge3A_1170 = vector.broadcast %ge3A_1169 : i32 to vector<128x128xi32>
    %ge3A_1171 = arith.cmpi sge, %and3A_1158, %ge3A_1170 : vector<128x128xi32>
    %sub3A_1172 = arith.constant 65535 : i32
    %sub3A_1173 = vector.broadcast %sub3A_1172 : i32 to vector<128x128xi32>
    %sub3A_1174 = arith.subi %sub3A_1173, %and3A_1158 : vector<128x128xi32>
    %add3A_1175 = arith.constant 32768 : i32
    %add3A_1176 = vector.broadcast %add3A_1175 : i32 to vector<128x128xi32>
    %add3A_1177 = arith.addi %and3A_1158, %add3A_1176 : vector<128x128xi32>
    %select_n3A_1178 = arith.select %ge3A_1171, %sub3A_1174, %add3A_1177 : vector<128x128xi1>, vector<128x128xi32>
    %max3A_1179 = arith.maxsi %select_n3A_1168, %select_n3A_1178 : vector<128x128xi32>
    %reduce_max3A_1180 = arith.constant dense<-2147483648> : vector<128xi32>
    %reduce_max3A_1181 = vector.multi_reduction <maxsi>, %max3A_1179, %reduce_max3A_1180 [1] : vector<128x128xi32> to vector<128xi32>
    %broadcast_in_dim3A_1182 = vector.shape_cast %reduce_max3A_1181 : vector<128xi32> to vector<128x1xi32>
    %get3A_1183 = arith.constant 0 : index
    %get3A_1184 = arith.constant 128 : index
    %get3A_1185 = vector.load %arg2[%get3A_1183, %get3A_1184] : memref<128x4096xi32, #tpu.memory_space<vmem>>, vector<128x128xi32>
    %and3A_1186 = arith.constant 65535 : i32
    %and3A_1187 = vector.broadcast %and3A_1186 : i32 to vector<128x128xi32>
    %and3A_1188 = arith.andi %get3A_1185, %and3A_1187 : vector<128x128xi32>
    %shift_right_arithmetic3A_1189 = arith.constant 16 : i32
    %shift_right_arithmetic3A_1190 = vector.broadcast %shift_right_arithmetic3A_1189 : i32 to vector<128x128xi32>
    %shift_right_arithmetic3A_1191 = arith.shrsi %get3A_1185, %shift_right_arithmetic3A_1190 : vector<128x128xi32>
    %and3A_1192 = arith.constant 65535 : i32
    %and3A_1193 = vector.broadcast %and3A_1192 : i32 to vector<128x128xi32>
    %and3A_1194 = arith.andi %shift_right_arithmetic3A_1191, %and3A_1193 : vector<128x128xi32>
    %ge3A_1195 = arith.constant 32768 : i32
    %ge3A_1196 = vector.broadcast %ge3A_1195 : i32 to vector<128x128xi32>
    %ge3A_1197 = arith.cmpi sge, %and3A_1188, %ge3A_1196 : vector<128x128xi32>
    %sub3A_1198 = arith.constant 65535 : i32
    %sub3A_1199 = vector.broadcast %sub3A_1198 : i32 to vector<128x128xi32>
    %sub3A_1200 = arith.subi %sub3A_1199, %and3A_1188 : vector<128x128xi32>
    %add3A_1201 = arith.constant 32768 : i32
    %add3A_1202 = vector.broadcast %add3A_1201 : i32 to vector<128x128xi32>
    %add3A_1203 = arith.addi %and3A_1188, %add3A_1202 : vector<128x128xi32>
    %select_n3A_1204 = arith.select %ge3A_1197, %sub3A_1200, %add3A_1203 : vector<128x128xi1>, vector<128x128xi32>
    %ge3A_1205 = arith.constant 32768 : i32
    %ge3A_1206 = vector.broadcast %ge3A_1205 : i32 to vector<128x128xi32>
    %ge3A_1207 = arith.cmpi sge, %and3A_1194, %ge3A_1206 : vector<128x128xi32>
    %sub3A_1208 = arith.constant 65535 : i32
    %sub3A_1209 = vector.broadcast %sub3A_1208 : i32 to vector<128x128xi32>
    %sub3A_1210 = arith.subi %sub3A_1209, %and3A_1194 : vector<128x128xi32>
    %add3A_1211 = arith.constant 32768 : i32
    %add3A_1212 = vector.broadcast %add3A_1211 : i32 to vector<128x128xi32>
    %add3A_1213 = arith.addi %and3A_1194, %add3A_1212 : vector<128x128xi32>
    %select_n3A_1214 = arith.select %ge3A_1207, %sub3A_1210, %add3A_1213 : vector<128x128xi1>, vector<128x128xi32>
    %max3A_1215 = arith.maxsi %select_n3A_1204, %select_n3A_1214 : vector<128x128xi32>
    %reduce_max3A_1216 = arith.constant dense<-2147483648> : vector<128xi32>
    %reduce_max3A_1217 = vector.multi_reduction <maxsi>, %max3A_1215, %reduce_max3A_1216 [1] : vector<128x128xi32> to vector<128xi32>
    %broadcast_in_dim3A_1218 = vector.shape_cast %reduce_max3A_1217 : vector<128xi32> to vector<128x1xi32>
    %get3A_1219 = arith.constant 0 : index
    %get3A_1220 = arith.constant 256 : index
    %get3A_1221 = vector.load %arg2[%get3A_1219, %get3A_1220] : memref<128x4096xi32, #tpu.memory_space<vmem>>, vector<128x128xi32>
    %and3A_1222 = arith.constant 65535 : i32
    %and3A_1223 = vector.broadcast %and3A_1222 : i32 to vector<128x128xi32>
    %and3A_1224 = arith.andi %get3A_1221, %and3A_1223 : vector<128x128xi32>
    %shift_right_arithmetic3A_1225 = arith.constant 16 : i32
    %shift_right_arithmetic3A_1226 = vector.broadcast %shift_right_arithmetic3A_1225 : i32 to vector<128x128xi32>
    %shift_right_arithmetic3A_1227 = arith.shrsi %get3A_1221, %shift_right_arithmetic3A_1226 : vector<128x128xi32>
    %and3A_1228 = arith.constant 65535 : i32
    %and3A_1229 = vector.broadcast %and3A_1228 : i32 to vector<128x128xi32>
    %and3A_1230 = arith.andi %shift_right_arithmetic3A_1227, %and3A_1229 : vector<128x128xi32>
    %ge3A_1231 = arith.constant 32768 : i32
    %ge3A_1232 = vector.broadcast %ge3A_1231 : i32 to vector<128x128xi32>
    %ge3A_1233 = arith.cmpi sge, %and3A_1224, %ge3A_1232 : vector<128x128xi32>
    %sub3A_1234 = arith.constant 65535 : i32
    %sub3A_1235 = vector.broadcast %sub3A_1234 : i32 to vector<128x128xi32>
    %sub3A_1236 = arith.subi %sub3A_1235, %and3A_1224 : vector<128x128xi32>
    %add3A_1237 = arith.constant 32768 : i32
    %add3A_1238 = vector.broadcast %add3A_1237 : i32 to vector<128x128xi32>
    %add3A_1239 = arith.addi %and3A_1224, %add3A_1238 : vector<128x128xi32>
    %select_n3A_1240 = arith.select %ge3A_1233, %sub3A_1236, %add3A_1239 : vector<128x128xi1>, vector<128x128xi32>
    %ge3A_1241 = arith.constant 32768 : i32
    %ge3A_1242 = vector.broadcast %ge3A_1241 : i32 to vector<128x128xi32>
    %ge3A_1243 = arith.cmpi sge, %and3A_1230, %ge3A_1242 : vector<128x128xi32>
    %sub3A_1244 = arith.constant 65535 : i32
    %sub3A_1245 = vector.broadcast %sub3A_1244 : i32 to vector<128x128xi32>
    %sub3A_1246 = arith.subi %sub3A_1245, %and3A_1230 : vector<128x128xi32>
    %add3A_1247 = arith.constant 32768 : i32
    %add3A_1248 = vector.broadcast %add3A_1247 : i32 to vector<128x128xi32>
    %add3A_1249 = arith.addi %and3A_1230, %add3A_1248 : vector<128x128xi32>
    %select_n3A_1250 = arith.select %ge3A_1243, %sub3A_1246, %add3A_1249 : vector<128x128xi1>, vector<128x128xi32>
    %max3A_1251 = arith.maxsi %select_n3A_1240, %select_n3A_1250 : vector<128x128xi32>
    %reduce_max3A_1252 = arith.constant dense<-2147483648> : vector<128xi32>
    %reduce_max3A_1253 = vector.multi_reduction <maxsi>, %max3A_1251, %reduce_max3A_1252 [1] : vector<128x128xi32> to vector<128xi32>
    %broadcast_in_dim3A_1254 = vector.shape_cast %reduce_max3A_1253 : vector<128xi32> to vector<128x1xi32>
    %get3A_1255 = arith.constant 0 : index
    %get3A_1256 = arith.constant 384 : index
    %get3A_1257 = vector.load %arg2[%get3A_1255, %get3A_1256] : memref<128x4096xi32, #tpu.memory_space<vmem>>, vector<128x128xi32>
    %and3A_1258 = arith.constant 65535 : i32
    %and3A_1259 = vector.broadcast %and3A_1258 : i32 to vector<128x128xi32>
    %and3A_1260 = arith.andi %get3A_1257, %and3A_1259 : vector<128x128xi32>
    %shift_right_arithmetic3A_1261 = arith.constant 16 : i32
    %shift_right_arithmetic3A_1262 = vector.broadcast %shift_right_arithmetic3A_1261 : i32 to vector<128x128xi32>
    %shift_right_arithmetic3A_1263 = arith.shrsi %get3A_1257, %shift_right_arithmetic3A_1262 : vector<128x128xi32>
    %and3A_1264 = arith.constant 65535 : i32
    %and3A_1265 = vector.broadcast %and3A_1264 : i32 to vector<128x128xi32>
    %and3A_1266 = arith.andi %shift_right_arithmetic3A_1263, %and3A_1265 : vector<128x128xi32>
    %ge3A_1267 = arith.constant 32768 : i32
    %ge3A_1268 = vector.broadcast %ge3A_1267 : i32 to vector<128x128xi32>
    %ge3A_1269 = arith.cmpi sge, %and3A_1260, %ge3A_1268 : vector<128x128xi32>
    %sub3A_1270 = arith.constant 65535 : i32
    %sub3A_1271 = vector.broadcast %sub3A_1270 : i32 to vector<128x128xi32>
    %sub3A_1272 = arith.subi %sub3A_1271, %and3A_1260 : vector<128x128xi32>
    %add3A_1273 = arith.constant 32768 : i32
    %add3A_1274 = vector.broadcast %add3A_1273 : i32 to vector<128x128xi32>
    %add3A_1275 = arith.addi %and3A_1260, %add3A_1274 : vector<128x128xi32>
    %select_n3A_1276 = arith.select %ge3A_1269, %sub3A_1272, %add3A_1275 : vector<128x128xi1>, vector<128x128xi32>
    %ge3A_1277 = arith.constant 32768 : i32
    %ge3A_1278 = vector.broadcast %ge3A_1277 : i32 to vector<128x128xi32>
    %ge3A_1279 = arith.cmpi sge, %and3A_1266, %ge3A_1278 : vector<128x128xi32>
    %sub3A_1280 = arith.constant 65535 : i32
    %sub3A_1281 = vector.broadcast %sub3A_1280 : i32 to vector<128x128xi32>
    %sub3A_1282 = arith.subi %sub3A_1281, %and3A_1266 : vector<128x128xi32>
    %add3A_1283 = arith.constant 32768 : i32
    %add3A_1284 = vector.broadcast %add3A_1283 : i32 to vector<128x128xi32>
    %add3A_1285 = arith.addi %and3A_1266, %add3A_1284 : vector<128x128xi32>
    %select_n3A_1286 = arith.select %ge3A_1279, %sub3A_1282, %add3A_1285 : vector<128x128xi1>, vector<128x128xi32>
    %max3A_1287 = arith.maxsi %select_n3A_1276, %select_n3A_1286 : vector<128x128xi32>
    %reduce_max3A_1288 = arith.constant dense<-2147483648> : vector<128xi32>
    %reduce_max3A_1289 = vector.multi_reduction <maxsi>, %max3A_1287, %reduce_max3A_1288 [1] : vector<128x128xi32> to vector<128xi32>
    %broadcast_in_dim3A_1290 = vector.shape_cast %reduce_max3A_1289 : vector<128xi32> to vector<128x1xi32>
    %get3A_1291 = arith.constant 0 : index
    %get3A_1292 = arith.constant 512 : index
    %get3A_1293 = vector.load %arg2[%get3A_1291, %get3A_1292] : memref<128x4096xi32, #tpu.memory_space<vmem>>, vector<128x128xi32>
    %and3A_1294 = arith.constant 65535 : i32
    %and3A_1295 = vector.broadcast %and3A_1294 : i32 to vector<128x128xi32>
    %and3A_1296 = arith.andi %get3A_1293, %and3A_1295 : vector<128x128xi32>
    %shift_right_arithmetic3A_1297 = arith.constant 16 : i32
    %shift_right_arithmetic3A_1298 = vector.broadcast %shift_right_arithmetic3A_1297 : i32 to vector<128x128xi32>
    %shift_right_arithmetic3A_1299 = arith.shrsi %get3A_1293, %shift_right_arithmetic3A_1298 : vector<128x128xi32>
    %and3A_1300 = arith.constant 65535 : i32
    %and3A_1301 = vector.broadcast %and3A_1300 : i32 to vector<128x128xi32>
    %and3A_1302 = arith.andi %shift_right_arithmetic3A_1299, %and3A_1301 : vector<128x128xi32>
    %ge3A_1303 = arith.constant 32768 : i32
    %ge3A_1304 = vector.broadcast %ge3A_1303 : i32 to vector<128x128xi32>
    %ge3A_1305 = arith.cmpi sge, %and3A_1296, %ge3A_1304 : vector<128x128xi32>
    %sub3A_1306 = arith.constant 65535 : i32
    %sub3A_1307 = vector.broadcast %sub3A_1306 : i32 to vector<128x128xi32>
    %sub3A_1308 = arith.subi %sub3A_1307, %and3A_1296 : vector<128x128xi32>
    %add3A_1309 = arith.constant 32768 : i32
    %add3A_1310 = vector.broadcast %add3A_1309 : i32 to vector<128x128xi32>
    %add3A_1311 = arith.addi %and3A_1296, %add3A_1310 : vector<128x128xi32>
    %select_n3A_1312 = arith.select %ge3A_1305, %sub3A_1308, %add3A_1311 : vector<128x128xi1>, vector<128x128xi32>
    %ge3A_1313 = arith.constant 32768 : i32
    %ge3A_1314 = vector.broadcast %ge3A_1313 : i32 to vector<128x128xi32>
    %ge3A_1315 = arith.cmpi sge, %and3A_1302, %ge3A_1314 : vector<128x128xi32>
    %sub3A_1316 = arith.constant 65535 : i32
    %sub3A_1317 = vector.broadcast %sub3A_1316 : i32 to vector<128x128xi32>
    %sub3A_1318 = arith.subi %sub3A_1317, %and3A_1302 : vector<128x128xi32>
    %add3A_1319 = arith.constant 32768 : i32
    %add3A_1320 = vector.broadcast %add3A_1319 : i32 to vector<128x128xi32>
    %add3A_1321 = arith.addi %and3A_1302, %add3A_1320 : vector<128x128xi32>
    %select_n3A_1322 = arith.select %ge3A_1315, %sub3A_1318, %add3A_1321 : vector<128x128xi1>, vector<128x128xi32>
    %max3A_1323 = arith.maxsi %select_n3A_1312, %select_n3A_1322 : vector<128x128xi32>
    %reduce_max3A_1324 = arith.constant dense<-2147483648> : vector<128xi32>
    %reduce_max3A_1325 = vector.multi_reduction <maxsi>, %max3A_1323, %reduce_max3A_1324 [1] : vector<128x128xi32> to vector<128xi32>
    %broadcast_in_dim3A_1326 = vector.shape_cast %reduce_max3A_1325 : vector<128xi32> to vector<128x1xi32>
    %get3A_1327 = arith.constant 0 : index
    %get3A_1328 = arith.constant 640 : index
    %get3A_1329 = vector.load %arg2[%get3A_1327, %get3A_1328] : memref<128x4096xi32, #tpu.memory_space<vmem>>, vector<128x128xi32>
    %and3A_1330 = arith.constant 65535 : i32
    %and3A_1331 = vector.broadcast %and3A_1330 : i32 to vector<128x128xi32>
    %and3A_1332 = arith.andi %get3A_1329, %and3A_1331 : vector<128x128xi32>
    %shift_right_arithmetic3A_1333 = arith.constant 16 : i32
    %shift_right_arithmetic3A_1334 = vector.broadcast %shift_right_arithmetic3A_1333 : i32 to vector<128x128xi32>
    %shift_right_arithmetic3A_1335 = arith.shrsi %get3A_1329, %shift_right_arithmetic3A_1334 : vector<128x128xi32>
    %and3A_1336 = arith.constant 65535 : i32
    %and3A_1337 = vector.broadcast %and3A_1336 : i32 to vector<128x128xi32>
    %and3A_1338 = arith.andi %shift_right_arithmetic3A_1335, %and3A_1337 : vector<128x128xi32>
    %ge3A_1339 = arith.constant 32768 : i32
    %ge3A_1340 = vector.broadcast %ge3A_1339 : i32 to vector<128x128xi32>
    %ge3A_1341 = arith.cmpi sge, %and3A_1332, %ge3A_1340 : vector<128x128xi32>
    %sub3A_1342 = arith.constant 65535 : i32
    %sub3A_1343 = vector.broadcast %sub3A_1342 : i32 to vector<128x128xi32>
    %sub3A_1344 = arith.subi %sub3A_1343, %and3A_1332 : vector<128x128xi32>
    %add3A_1345 = arith.constant 32768 : i32
    %add3A_1346 = vector.broadcast %add3A_1345 : i32 to vector<128x128xi32>
    %add3A_1347 = arith.addi %and3A_1332, %add3A_1346 : vector<128x128xi32>
    %select_n3A_1348 = arith.select %ge3A_1341, %sub3A_1344, %add3A_1347 : vector<128x128xi1>, vector<128x128xi32>
    %ge3A_1349 = arith.constant 32768 : i32
    %ge3A_1350 = vector.broadcast %ge3A_1349 : i32 to vector<128x128xi32>
    %ge3A_1351 = arith.cmpi sge, %and3A_1338, %ge3A_1350 : vector<128x128xi32>
    %sub3A_1352 = arith.constant 65535 : i32
    %sub3A_1353 = vector.broadcast %sub3A_1352 : i32 to vector<128x128xi32>
    %sub3A_1354 = arith.subi %sub3A_1353, %and3A_1338 : vector<128x128xi32>
    %add3A_1355 = arith.constant 32768 : i32
    %add3A_1356 = vector.broadcast %add3A_1355 : i32 to vector<128x128xi32>
    %add3A_1357 = arith.addi %and3A_1338, %add3A_1356 : vector<128x128xi32>
    %select_n3A_1358 = arith.select %ge3A_1351, %sub3A_1354, %add3A_1357 : vector<128x128xi1>, vector<128x128xi32>
    %max3A_1359 = arith.maxsi %select_n3A_1348, %select_n3A_1358 : vector<128x128xi32>
    %reduce_max3A_1360 = arith.constant dense<-2147483648> : vector<128xi32>
    %reduce_max3A_1361 = vector.multi_reduction <maxsi>, %max3A_1359, %reduce_max3A_1360 [1] : vector<128x128xi32> to vector<128xi32>
    %broadcast_in_dim3A_1362 = vector.shape_cast %reduce_max3A_1361 : vector<128xi32> to vector<128x1xi32>
    %get3A_1363 = arith.constant 0 : index
    %get3A_1364 = arith.constant 768 : index
    %get3A_1365 = vector.load %arg2[%get3A_1363, %get3A_1364] : memref<128x4096xi32, #tpu.memory_space<vmem>>, vector<128x128xi32>
    %and3A_1366 = arith.constant 65535 : i32
    %and3A_1367 = vector.broadcast %and3A_1366 : i32 to vector<128x128xi32>
    %and3A_1368 = arith.andi %get3A_1365, %and3A_1367 : vector<128x128xi32>
    %shift_right_arithmetic3A_1369 = arith.constant 16 : i32
    %shift_right_arithmetic3A_1370 = vector.broadcast %shift_right_arithmetic3A_1369 : i32 to vector<128x128xi32>
    %shift_right_arithmetic3A_1371 = arith.shrsi %get3A_1365, %shift_right_arithmetic3A_1370 : vector<128x128xi32>
    %and3A_1372 = arith.constant 65535 : i32
    %and3A_1373 = vector.broadcast %and3A_1372 : i32 to vector<128x128xi32>
    %and3A_1374 = arith.andi %shift_right_arithmetic3A_1371, %and3A_1373 : vector<128x128xi32>
    %ge3A_1375 = arith.constant 32768 : i32
    %ge3A_1376 = vector.broadcast %ge3A_1375 : i32 to vector<128x128xi32>
    %ge3A_1377 = arith.cmpi sge, %and3A_1368, %ge3A_1376 : vector<128x128xi32>
    %sub3A_1378 = arith.constant 65535 : i32
    %sub3A_1379 = vector.broadcast %sub3A_1378 : i32 to vector<128x128xi32>
    %sub3A_1380 = arith.subi %sub3A_1379, %and3A_1368 : vector<128x128xi32>
    %add3A_1381 = arith.constant 32768 : i32
    %add3A_1382 = vector.broadcast %add3A_1381 : i32 to vector<128x128xi32>
    %add3A_1383 = arith.addi %and3A_1368, %add3A_1382 : vector<128x128xi32>
    %select_n3A_1384 = arith.select %ge3A_1377, %sub3A_1380, %add3A_1383 : vector<128x128xi1>, vector<128x128xi32>
    %ge3A_1385 = arith.constant 32768 : i32
    %ge3A_1386 = vector.broadcast %ge3A_1385 : i32 to vector<128x128xi32>
    %ge3A_1387 = arith.cmpi sge, %and3A_1374, %ge3A_1386 : vector<128x128xi32>
    %sub3A_1388 = arith.constant 65535 : i32
    %sub3A_1389 = vector.broadcast %sub3A_1388 : i32 to vector<128x128xi32>
    %sub3A_1390 = arith.subi %sub3A_1389, %and3A_1374 : vector<128x128xi32>
    %add3A_1391 = arith.constant 32768 : i32
    %add3A_1392 = vector.broadcast %add3A_1391 : i32 to vector<128x128xi32>
    %add3A_1393 = arith.addi %and3A_1374, %add3A_1392 : vector<128x128xi32>
    %select_n3A_1394 = arith.select %ge3A_1387, %sub3A_1390, %add3A_1393 : vector<128x128xi1>, vector<128x128xi32>
    %max3A_1395 = arith.maxsi %select_n3A_1384, %select_n3A_1394 : vector<128x128xi32>
    %reduce_max3A_1396 = arith.constant dense<-2147483648> : vector<128xi32>
    %reduce_max3A_1397 = vector.multi_reduction <maxsi>, %max3A_1395, %reduce_max3A_1396 [1] : vector<128x128xi32> to vector<128xi32>
    %broadcast_in_dim3A_1398 = vector.shape_cast %reduce_max3A_1397 : vector<128xi32> to vector<128x1xi32>
    %get3A_1399 = arith.constant 0 : index
    %get3A_1400 = arith.constant 896 : index
    %get3A_1401 = vector.load %arg2[%get3A_1399, %get3A_1400] : memref<128x4096xi32, #tpu.memory_space<vmem>>, vector<128x128xi32>
    %and3A_1402 = arith.constant 65535 : i32
    %and3A_1403 = vector.broadcast %and3A_1402 : i32 to vector<128x128xi32>
    %and3A_1404 = arith.andi %get3A_1401, %and3A_1403 : vector<128x128xi32>
    %shift_right_arithmetic3A_1405 = arith.constant 16 : i32
    %shift_right_arithmetic3A_1406 = vector.broadcast %shift_right_arithmetic3A_1405 : i32 to vector<128x128xi32>
    %shift_right_arithmetic3A_1407 = arith.shrsi %get3A_1401, %shift_right_arithmetic3A_1406 : vector<128x128xi32>
    %and3A_1408 = arith.constant 65535 : i32
    %and3A_1409 = vector.broadcast %and3A_1408 : i32 to vector<128x128xi32>
    %and3A_1410 = arith.andi %shift_right_arithmetic3A_1407, %and3A_1409 : vector<128x128xi32>
    %ge3A_1411 = arith.constant 32768 : i32
    %ge3A_1412 = vector.broadcast %ge3A_1411 : i32 to vector<128x128xi32>
    %ge3A_1413 = arith.cmpi sge, %and3A_1404, %ge3A_1412 : vector<128x128xi32>
    %sub3A_1414 = arith.constant 65535 : i32
    %sub3A_1415 = vector.broadcast %sub3A_1414 : i32 to vector<128x128xi32>
    %sub3A_1416 = arith.subi %sub3A_1415, %and3A_1404 : vector<128x128xi32>
    %add3A_1417 = arith.constant 32768 : i32
    %add3A_1418 = vector.broadcast %add3A_1417 : i32 to vector<128x128xi32>
    %add3A_1419 = arith.addi %and3A_1404, %add3A_1418 : vector<128x128xi32>
    %select_n3A_1420 = arith.select %ge3A_1413, %sub3A_1416, %add3A_1419 : vector<128x128xi1>, vector<128x128xi32>
    %ge3A_1421 = arith.constant 32768 : i32
    %ge3A_1422 = vector.broadcast %ge3A_1421 : i32 to vector<128x128xi32>
    %ge3A_1423 = arith.cmpi sge, %and3A_1410, %ge3A_1422 : vector<128x128xi32>
    %sub3A_1424 = arith.constant 65535 : i32
    %sub3A_1425 = vector.broadcast %sub3A_1424 : i32 to vector<128x128xi32>
    %sub3A_1426 = arith.subi %sub3A_1425, %and3A_1410 : vector<128x128xi32>
    %add3A_1427 = arith.constant 32768 : i32
    %add3A_1428 = vector.broadcast %add3A_1427 : i32 to vector<128x128xi32>
    %add3A_1429 = arith.addi %and3A_1410, %add3A_1428 : vector<128x128xi32>
    %select_n3A_1430 = arith.select %ge3A_1423, %sub3A_1426, %add3A_1429 : vector<128x128xi1>, vector<128x128xi32>
    %max3A_1431 = arith.maxsi %select_n3A_1420, %select_n3A_1430 : vector<128x128xi32>
    %reduce_max3A_1432 = arith.constant dense<-2147483648> : vector<128xi32>
    %reduce_max3A_1433 = vector.multi_reduction <maxsi>, %max3A_1431, %reduce_max3A_1432 [1] : vector<128x128xi32> to vector<128xi32>
    %broadcast_in_dim3A_1434 = vector.shape_cast %reduce_max3A_1433 : vector<128xi32> to vector<128x1xi32>
    %get3A_1435 = arith.constant 0 : index
    %get3A_1436 = arith.constant 1024 : index
    %get3A_1437 = vector.load %arg2[%get3A_1435, %get3A_1436] : memref<128x4096xi32, #tpu.memory_space<vmem>>, vector<128x128xi32>
    %and3A_1438 = arith.constant 65535 : i32
    %and3A_1439 = vector.broadcast %and3A_1438 : i32 to vector<128x128xi32>
    %and3A_1440 = arith.andi %get3A_1437, %and3A_1439 : vector<128x128xi32>
    %shift_right_arithmetic3A_1441 = arith.constant 16 : i32
    %shift_right_arithmetic3A_1442 = vector.broadcast %shift_right_arithmetic3A_1441 : i32 to vector<128x128xi32>
    %shift_right_arithmetic3A_1443 = arith.shrsi %get3A_1437, %shift_right_arithmetic3A_1442 : vector<128x128xi32>
    %and3A_1444 = arith.constant 65535 : i32
    %and3A_1445 = vector.broadcast %and3A_1444 : i32 to vector<128x128xi32>
    %and3A_1446 = arith.andi %shift_right_arithmetic3A_1443, %and3A_1445 : vector<128x128xi32>
    %ge3A_1447 = arith.constant 32768 : i32
    %ge3A_1448 = vector.broadcast %ge3A_1447 : i32 to vector<128x128xi32>
    %ge3A_1449 = arith.cmpi sge, %and3A_1440, %ge3A_1448 : vector<128x128xi32>
    %sub3A_1450 = arith.constant 65535 : i32
    %sub3A_1451 = vector.broadcast %sub3A_1450 : i32 to vector<128x128xi32>
    %sub3A_1452 = arith.subi %sub3A_1451, %and3A_1440 : vector<128x128xi32>
    %add3A_1453 = arith.constant 32768 : i32
    %add3A_1454 = vector.broadcast %add3A_1453 : i32 to vector<128x128xi32>
    %add3A_1455 = arith.addi %and3A_1440, %add3A_1454 : vector<128x128xi32>
    %select_n3A_1456 = arith.select %ge3A_1449, %sub3A_1452, %add3A_1455 : vector<128x128xi1>, vector<128x128xi32>
    %ge3A_1457 = arith.constant 32768 : i32
    %ge3A_1458 = vector.broadcast %ge3A_1457 : i32 to vector<128x128xi32>
    %ge3A_1459 = arith.cmpi sge, %and3A_1446, %ge3A_1458 : vector<128x128xi32>
    %sub3A_1460 = arith.constant 65535 : i32
    %sub3A_1461 = vector.broadcast %sub3A_1460 : i32 to vector<128x128xi32>
    %sub3A_1462 = arith.subi %sub3A_1461, %and3A_1446 : vector<128x128xi32>
    %add3A_1463 = arith.constant 32768 : i32
    %add3A_1464 = vector.broadcast %add3A_1463 : i32 to vector<128x128xi32>
    %add3A_1465 = arith.addi %and3A_1446, %add3A_1464 : vector<128x128xi32>
    %select_n3A_1466 = arith.select %ge3A_1459, %sub3A_1462, %add3A_1465 : vector<128x128xi1>, vector<128x128xi32>
    %max3A_1467 = arith.maxsi %select_n3A_1456, %select_n3A_1466 : vector<128x128xi32>
    %reduce_max3A_1468 = arith.constant dense<-2147483648> : vector<128xi32>
    %reduce_max3A_1469 = vector.multi_reduction <maxsi>, %max3A_1467, %reduce_max3A_1468 [1] : vector<128x128xi32> to vector<128xi32>
    %broadcast_in_dim3A_1470 = vector.shape_cast %reduce_max3A_1469 : vector<128xi32> to vector<128x1xi32>
    %get3A_1471 = arith.constant 0 : index
    %get3A_1472 = arith.constant 1152 : index
    %get3A_1473 = vector.load %arg2[%get3A_1471, %get3A_1472] : memref<128x4096xi32, #tpu.memory_space<vmem>>, vector<128x128xi32>
    %and3A_1474 = arith.constant 65535 : i32
    %and3A_1475 = vector.broadcast %and3A_1474 : i32 to vector<128x128xi32>
    %and3A_1476 = arith.andi %get3A_1473, %and3A_1475 : vector<128x128xi32>
    %shift_right_arithmetic3A_1477 = arith.constant 16 : i32
    %shift_right_arithmetic3A_1478 = vector.broadcast %shift_right_arithmetic3A_1477 : i32 to vector<128x128xi32>
    %shift_right_arithmetic3A_1479 = arith.shrsi %get3A_1473, %shift_right_arithmetic3A_1478 : vector<128x128xi32>
    %and3A_1480 = arith.constant 65535 : i32
    %and3A_1481 = vector.broadcast %and3A_1480 : i32 to vector<128x128xi32>
    %and3A_1482 = arith.andi %shift_right_arithmetic3A_1479, %and3A_1481 : vector<128x128xi32>
    %ge3A_1483 = arith.constant 32768 : i32
    %ge3A_1484 = vector.broadcast %ge3A_1483 : i32 to vector<128x128xi32>
    %ge3A_1485 = arith.cmpi sge, %and3A_1476, %ge3A_1484 : vector<128x128xi32>
    %sub3A_1486 = arith.constant 65535 : i32
    %sub3A_1487 = vector.broadcast %sub3A_1486 : i32 to vector<128x128xi32>
    %sub3A_1488 = arith.subi %sub3A_1487, %and3A_1476 : vector<128x128xi32>
    %add3A_1489 = arith.constant 32768 : i32
    %add3A_1490 = vector.broadcast %add3A_1489 : i32 to vector<128x128xi32>
    %add3A_1491 = arith.addi %and3A_1476, %add3A_1490 : vector<128x128xi32>
    %select_n3A_1492 = arith.select %ge3A_1485, %sub3A_1488, %add3A_1491 : vector<128x128xi1>, vector<128x128xi32>
    %ge3A_1493 = arith.constant 32768 : i32
    %ge3A_1494 = vector.broadcast %ge3A_1493 : i32 to vector<128x128xi32>
    %ge3A_1495 = arith.cmpi sge, %and3A_1482, %ge3A_1494 : vector<128x128xi32>
    %sub3A_1496 = arith.constant 65535 : i32
    %sub3A_1497 = vector.broadcast %sub3A_1496 : i32 to vector<128x128xi32>
    %sub3A_1498 = arith.subi %sub3A_1497, %and3A_1482 : vector<128x128xi32>
    %add3A_1499 = arith.constant 32768 : i32
    %add3A_1500 = vector.broadcast %add3A_1499 : i32 to vector<128x128xi32>
    %add3A_1501 = arith.addi %and3A_1482, %add3A_1500 : vector<128x128xi32>
    %select_n3A_1502 = arith.select %ge3A_1495, %sub3A_1498, %add3A_1501 : vector<128x128xi1>, vector<128x128xi32>
    %max3A_1503 = arith.maxsi %select_n3A_1492, %select_n3A_1502 : vector<128x128xi32>
    %reduce_max3A_1504 = arith.constant dense<-2147483648> : vector<128xi32>
    %reduce_max3A_1505 = vector.multi_reduction <maxsi>, %max3A_1503, %reduce_max3A_1504 [1] : vector<128x128xi32> to vector<128xi32>
    %broadcast_in_dim3A_1506 = vector.shape_cast %reduce_max3A_1505 : vector<128xi32> to vector<128x1xi32>
    %get3A_1507 = arith.constant 0 : index
    %get3A_1508 = arith.constant 1280 : index
    %get3A_1509 = vector.load %arg2[%get3A_1507, %get3A_1508] : memref<128x4096xi32, #tpu.memory_space<vmem>>, vector<128x128xi32>
    %and3A_1510 = arith.constant 65535 : i32
    %and3A_1511 = vector.broadcast %and3A_1510 : i32 to vector<128x128xi32>
    %and3A_1512 = arith.andi %get3A_1509, %and3A_1511 : vector<128x128xi32>
    %shift_right_arithmetic3A_1513 = arith.constant 16 : i32
    %shift_right_arithmetic3A_1514 = vector.broadcast %shift_right_arithmetic3A_1513 : i32 to vector<128x128xi32>
    %shift_right_arithmetic3A_1515 = arith.shrsi %get3A_1509, %shift_right_arithmetic3A_1514 : vector<128x128xi32>
    %and3A_1516 = arith.constant 65535 : i32
    %and3A_1517 = vector.broadcast %and3A_1516 : i32 to vector<128x128xi32>
    %and3A_1518 = arith.andi %shift_right_arithmetic3A_1515, %and3A_1517 : vector<128x128xi32>
    %ge3A_1519 = arith.constant 32768 : i32
    %ge3A_1520 = vector.broadcast %ge3A_1519 : i32 to vector<128x128xi32>
    %ge3A_1521 = arith.cmpi sge, %and3A_1512, %ge3A_1520 : vector<128x128xi32>
    %sub3A_1522 = arith.constant 65535 : i32
    %sub3A_1523 = vector.broadcast %sub3A_1522 : i32 to vector<128x128xi32>
    %sub3A_1524 = arith.subi %sub3A_1523, %and3A_1512 : vector<128x128xi32>
    %add3A_1525 = arith.constant 32768 : i32
    %add3A_1526 = vector.broadcast %add3A_1525 : i32 to vector<128x128xi32>
    %add3A_1527 = arith.addi %and3A_1512, %add3A_1526 : vector<128x128xi32>
    %select_n3A_1528 = arith.select %ge3A_1521, %sub3A_1524, %add3A_1527 : vector<128x128xi1>, vector<128x128xi32>
    %ge3A_1529 = arith.constant 32768 : i32
    %ge3A_1530 = vector.broadcast %ge3A_1529 : i32 to vector<128x128xi32>
    %ge3A_1531 = arith.cmpi sge, %and3A_1518, %ge3A_1530 : vector<128x128xi32>
    %sub3A_1532 = arith.constant 65535 : i32
    %sub3A_1533 = vector.broadcast %sub3A_1532 : i32 to vector<128x128xi32>
    %sub3A_1534 = arith.subi %sub3A_1533, %and3A_1518 : vector<128x128xi32>
    %add3A_1535 = arith.constant 32768 : i32
    %add3A_1536 = vector.broadcast %add3A_1535 : i32 to vector<128x128xi32>
    %add3A_1537 = arith.addi %and3A_1518, %add3A_1536 : vector<128x128xi32>
    %select_n3A_1538 = arith.select %ge3A_1531, %sub3A_1534, %add3A_1537 : vector<128x128xi1>, vector<128x128xi32>
    %max3A_1539 = arith.maxsi %select_n3A_1528, %select_n3A_1538 : vector<128x128xi32>
    %reduce_max3A_1540 = arith.constant dense<-2147483648> : vector<128xi32>
    %reduce_max3A_1541 = vector.multi_reduction <maxsi>, %max3A_1539, %reduce_max3A_1540 [1] : vector<128x128xi32> to vector<128xi32>
    %broadcast_in_dim3A_1542 = vector.shape_cast %reduce_max3A_1541 : vector<128xi32> to vector<128x1xi32>
    %get3A_1543 = arith.constant 0 : index
    %get3A_1544 = arith.constant 1408 : index
    %get3A_1545 = vector.load %arg2[%get3A_1543, %get3A_1544] : memref<128x4096xi32, #tpu.memory_space<vmem>>, vector<128x128xi32>
    %and3A_1546 = arith.constant 65535 : i32
    %and3A_1547 = vector.broadcast %and3A_1546 : i32 to vector<128x128xi32>
    %and3A_1548 = arith.andi %get3A_1545, %and3A_1547 : vector<128x128xi32>
    %shift_right_arithmetic3A_1549 = arith.constant 16 : i32
    %shift_right_arithmetic3A_1550 = vector.broadcast %shift_right_arithmetic3A_1549 : i32 to vector<128x128xi32>
    %shift_right_arithmetic3A_1551 = arith.shrsi %get3A_1545, %shift_right_arithmetic3A_1550 : vector<128x128xi32>
    %and3A_1552 = arith.constant 65535 : i32
    %and3A_1553 = vector.broadcast %and3A_1552 : i32 to vector<128x128xi32>
    %and3A_1554 = arith.andi %shift_right_arithmetic3A_1551, %and3A_1553 : vector<128x128xi32>
    %ge3A_1555 = arith.constant 32768 : i32
    %ge3A_1556 = vector.broadcast %ge3A_1555 : i32 to vector<128x128xi32>
    %ge3A_1557 = arith.cmpi sge, %and3A_1548, %ge3A_1556 : vector<128x128xi32>
    %sub3A_1558 = arith.constant 65535 : i32
    %sub3A_1559 = vector.broadcast %sub3A_1558 : i32 to vector<128x128xi32>
    %sub3A_1560 = arith.subi %sub3A_1559, %and3A_1548 : vector<128x128xi32>
    %add3A_1561 = arith.constant 32768 : i32
    %add3A_1562 = vector.broadcast %add3A_1561 : i32 to vector<128x128xi32>
    %add3A_1563 = arith.addi %and3A_1548, %add3A_1562 : vector<128x128xi32>
    %select_n3A_1564 = arith.select %ge3A_1557, %sub3A_1560, %add3A_1563 : vector<128x128xi1>, vector<128x128xi32>
    %ge3A_1565 = arith.constant 32768 : i32
    %ge3A_1566 = vector.broadcast %ge3A_1565 : i32 to vector<128x128xi32>
    %ge3A_1567 = arith.cmpi sge, %and3A_1554, %ge3A_1566 : vector<128x128xi32>
    %sub3A_1568 = arith.constant 65535 : i32
    %sub3A_1569 = vector.broadcast %sub3A_1568 : i32 to vector<128x128xi32>
    %sub3A_1570 = arith.subi %sub3A_1569, %and3A_1554 : vector<128x128xi32>
    %add3A_1571 = arith.constant 32768 : i32
    %add3A_1572 = vector.broadcast %add3A_1571 : i32 to vector<128x128xi32>
    %add3A_1573 = arith.addi %and3A_1554, %add3A_1572 : vector<128x128xi32>
    %select_n3A_1574 = arith.select %ge3A_1567, %sub3A_1570, %add3A_1573 : vector<128x128xi1>, vector<128x128xi32>
    %max3A_1575 = arith.maxsi %select_n3A_1564, %select_n3A_1574 : vector<128x128xi32>
    %reduce_max3A_1576 = arith.constant dense<-2147483648> : vector<128xi32>
    %reduce_max3A_1577 = vector.multi_reduction <maxsi>, %max3A_1575, %reduce_max3A_1576 [1] : vector<128x128xi32> to vector<128xi32>
    %broadcast_in_dim3A_1578 = vector.shape_cast %reduce_max3A_1577 : vector<128xi32> to vector<128x1xi32>
    %get3A_1579 = arith.constant 0 : index
    %get3A_1580 = arith.constant 1536 : index
    %get3A_1581 = vector.load %arg2[%get3A_1579, %get3A_1580] : memref<128x4096xi32, #tpu.memory_space<vmem>>, vector<128x128xi32>
    %and3A_1582 = arith.constant 65535 : i32
    %and3A_1583 = vector.broadcast %and3A_1582 : i32 to vector<128x128xi32>
    %and3A_1584 = arith.andi %get3A_1581, %and3A_1583 : vector<128x128xi32>
    %shift_right_arithmetic3A_1585 = arith.constant 16 : i32
    %shift_right_arithmetic3A_1586 = vector.broadcast %shift_right_arithmetic3A_1585 : i32 to vector<128x128xi32>
    %shift_right_arithmetic3A_1587 = arith.shrsi %get3A_1581, %shift_right_arithmetic3A_1586 : vector<128x128xi32>
    %and3A_1588 = arith.constant 65535 : i32
    %and3A_1589 = vector.broadcast %and3A_1588 : i32 to vector<128x128xi32>
    %and3A_1590 = arith.andi %shift_right_arithmetic3A_1587, %and3A_1589 : vector<128x128xi32>
    %ge3A_1591 = arith.constant 32768 : i32
    %ge3A_1592 = vector.broadcast %ge3A_1591 : i32 to vector<128x128xi32>
    %ge3A_1593 = arith.cmpi sge, %and3A_1584, %ge3A_1592 : vector<128x128xi32>
    %sub3A_1594 = arith.constant 65535 : i32
    %sub3A_1595 = vector.broadcast %sub3A_1594 : i32 to vector<128x128xi32>
    %sub3A_1596 = arith.subi %sub3A_1595, %and3A_1584 : vector<128x128xi32>
    %add3A_1597 = arith.constant 32768 : i32
    %add3A_1598 = vector.broadcast %add3A_1597 : i32 to vector<128x128xi32>
    %add3A_1599 = arith.addi %and3A_1584, %add3A_1598 : vector<128x128xi32>
    %select_n3A_1600 = arith.select %ge3A_1593, %sub3A_1596, %add3A_1599 : vector<128x128xi1>, vector<128x128xi32>
    %ge3A_1601 = arith.constant 32768 : i32
    %ge3A_1602 = vector.broadcast %ge3A_1601 : i32 to vector<128x128xi32>
    %ge3A_1603 = arith.cmpi sge, %and3A_1590, %ge3A_1602 : vector<128x128xi32>
    %sub3A_1604 = arith.constant 65535 : i32
    %sub3A_1605 = vector.broadcast %sub3A_1604 : i32 to vector<128x128xi32>
    %sub3A_1606 = arith.subi %sub3A_1605, %and3A_1590 : vector<128x128xi32>
    %add3A_1607 = arith.constant 32768 : i32
    %add3A_1608 = vector.broadcast %add3A_1607 : i32 to vector<128x128xi32>
    %add3A_1609 = arith.addi %and3A_1590, %add3A_1608 : vector<128x128xi32>
    %select_n3A_1610 = arith.select %ge3A_1603, %sub3A_1606, %add3A_1609 : vector<128x128xi1>, vector<128x128xi32>
    %max3A_1611 = arith.maxsi %select_n3A_1600, %select_n3A_1610 : vector<128x128xi32>
    %reduce_max3A_1612 = arith.constant dense<-2147483648> : vector<128xi32>
    %reduce_max3A_1613 = vector.multi_reduction <maxsi>, %max3A_1611, %reduce_max3A_1612 [1] : vector<128x128xi32> to vector<128xi32>
    %broadcast_in_dim3A_1614 = vector.shape_cast %reduce_max3A_1613 : vector<128xi32> to vector<128x1xi32>
    %get3A_1615 = arith.constant 0 : index
    %get3A_1616 = arith.constant 1664 : index
    %get3A_1617 = vector.load %arg2[%get3A_1615, %get3A_1616] : memref<128x4096xi32, #tpu.memory_space<vmem>>, vector<128x128xi32>
    %and3A_1618 = arith.constant 65535 : i32
    %and3A_1619 = vector.broadcast %and3A_1618 : i32 to vector<128x128xi32>
    %and3A_1620 = arith.andi %get3A_1617, %and3A_1619 : vector<128x128xi32>
    %shift_right_arithmetic3A_1621 = arith.constant 16 : i32
    %shift_right_arithmetic3A_1622 = vector.broadcast %shift_right_arithmetic3A_1621 : i32 to vector<128x128xi32>
    %shift_right_arithmetic3A_1623 = arith.shrsi %get3A_1617, %shift_right_arithmetic3A_1622 : vector<128x128xi32>
    %and3A_1624 = arith.constant 65535 : i32
    %and3A_1625 = vector.broadcast %and3A_1624 : i32 to vector<128x128xi32>
    %and3A_1626 = arith.andi %shift_right_arithmetic3A_1623, %and3A_1625 : vector<128x128xi32>
    %ge3A_1627 = arith.constant 32768 : i32
    %ge3A_1628 = vector.broadcast %ge3A_1627 : i32 to vector<128x128xi32>
    %ge3A_1629 = arith.cmpi sge, %and3A_1620, %ge3A_1628 : vector<128x128xi32>
    %sub3A_1630 = arith.constant 65535 : i32
    %sub3A_1631 = vector.broadcast %sub3A_1630 : i32 to vector<128x128xi32>
    %sub3A_1632 = arith.subi %sub3A_1631, %and3A_1620 : vector<128x128xi32>
    %add3A_1633 = arith.constant 32768 : i32
    %add3A_1634 = vector.broadcast %add3A_1633 : i32 to vector<128x128xi32>
    %add3A_1635 = arith.addi %and3A_1620, %add3A_1634 : vector<128x128xi32>
    %select_n3A_1636 = arith.select %ge3A_1629, %sub3A_1632, %add3A_1635 : vector<128x128xi1>, vector<128x128xi32>
    %ge3A_1637 = arith.constant 32768 : i32
    %ge3A_1638 = vector.broadcast %ge3A_1637 : i32 to vector<128x128xi32>
    %ge3A_1639 = arith.cmpi sge, %and3A_1626, %ge3A_1638 : vector<128x128xi32>
    %sub3A_1640 = arith.constant 65535 : i32
    %sub3A_1641 = vector.broadcast %sub3A_1640 : i32 to vector<128x128xi32>
    %sub3A_1642 = arith.subi %sub3A_1641, %and3A_1626 : vector<128x128xi32>
    %add3A_1643 = arith.constant 32768 : i32
    %add3A_1644 = vector.broadcast %add3A_1643 : i32 to vector<128x128xi32>
    %add3A_1645 = arith.addi %and3A_1626, %add3A_1644 : vector<128x128xi32>
    %select_n3A_1646 = arith.select %ge3A_1639, %sub3A_1642, %add3A_1645 : vector<128x128xi1>, vector<128x128xi32>
    %max3A_1647 = arith.maxsi %select_n3A_1636, %select_n3A_1646 : vector<128x128xi32>
    %reduce_max3A_1648 = arith.constant dense<-2147483648> : vector<128xi32>
    %reduce_max3A_1649 = vector.multi_reduction <maxsi>, %max3A_1647, %reduce_max3A_1648 [1] : vector<128x128xi32> to vector<128xi32>
    %broadcast_in_dim3A_1650 = vector.shape_cast %reduce_max3A_1649 : vector<128xi32> to vector<128x1xi32>
    %get3A_1651 = arith.constant 0 : index
    %get3A_1652 = arith.constant 1792 : index
    %get3A_1653 = vector.load %arg2[%get3A_1651, %get3A_1652] : memref<128x4096xi32, #tpu.memory_space<vmem>>, vector<128x128xi32>
    %and3A_1654 = arith.constant 65535 : i32
    %and3A_1655 = vector.broadcast %and3A_1654 : i32 to vector<128x128xi32>
    %and3A_1656 = arith.andi %get3A_1653, %and3A_1655 : vector<128x128xi32>
    %shift_right_arithmetic3A_1657 = arith.constant 16 : i32
    %shift_right_arithmetic3A_1658 = vector.broadcast %shift_right_arithmetic3A_1657 : i32 to vector<128x128xi32>
    %shift_right_arithmetic3A_1659 = arith.shrsi %get3A_1653, %shift_right_arithmetic3A_1658 : vector<128x128xi32>
    %and3A_1660 = arith.constant 65535 : i32
    %and3A_1661 = vector.broadcast %and3A_1660 : i32 to vector<128x128xi32>
    %and3A_1662 = arith.andi %shift_right_arithmetic3A_1659, %and3A_1661 : vector<128x128xi32>
    %ge3A_1663 = arith.constant 32768 : i32
    %ge3A_1664 = vector.broadcast %ge3A_1663 : i32 to vector<128x128xi32>
    %ge3A_1665 = arith.cmpi sge, %and3A_1656, %ge3A_1664 : vector<128x128xi32>
    %sub3A_1666 = arith.constant 65535 : i32
    %sub3A_1667 = vector.broadcast %sub3A_1666 : i32 to vector<128x128xi32>
    %sub3A_1668 = arith.subi %sub3A_1667, %and3A_1656 : vector<128x128xi32>
    %add3A_1669 = arith.constant 32768 : i32
    %add3A_1670 = vector.broadcast %add3A_1669 : i32 to vector<128x128xi32>
    %add3A_1671 = arith.addi %and3A_1656, %add3A_1670 : vector<128x128xi32>
    %select_n3A_1672 = arith.select %ge3A_1665, %sub3A_1668, %add3A_1671 : vector<128x128xi1>, vector<128x128xi32>
    %ge3A_1673 = arith.constant 32768 : i32
    %ge3A_1674 = vector.broadcast %ge3A_1673 : i32 to vector<128x128xi32>
    %ge3A_1675 = arith.cmpi sge, %and3A_1662, %ge3A_1674 : vector<128x128xi32>
    %sub3A_1676 = arith.constant 65535 : i32
    %sub3A_1677 = vector.broadcast %sub3A_1676 : i32 to vector<128x128xi32>
    %sub3A_1678 = arith.subi %sub3A_1677, %and3A_1662 : vector<128x128xi32>
    %add3A_1679 = arith.constant 32768 : i32
    %add3A_1680 = vector.broadcast %add3A_1679 : i32 to vector<128x128xi32>
    %add3A_1681 = arith.addi %and3A_1662, %add3A_1680 : vector<128x128xi32>
    %select_n3A_1682 = arith.select %ge3A_1675, %sub3A_1678, %add3A_1681 : vector<128x128xi1>, vector<128x128xi32>
    %max3A_1683 = arith.maxsi %select_n3A_1672, %select_n3A_1682 : vector<128x128xi32>
    %reduce_max3A_1684 = arith.constant dense<-2147483648> : vector<128xi32>
    %reduce_max3A_1685 = vector.multi_reduction <maxsi>, %max3A_1683, %reduce_max3A_1684 [1] : vector<128x128xi32> to vector<128xi32>
    %broadcast_in_dim3A_1686 = vector.shape_cast %reduce_max3A_1685 : vector<128xi32> to vector<128x1xi32>
    %get3A_1687 = arith.constant 0 : index
    %get3A_1688 = arith.constant 1920 : index
    %get3A_1689 = vector.load %arg2[%get3A_1687, %get3A_1688] : memref<128x4096xi32, #tpu.memory_space<vmem>>, vector<128x128xi32>
    %and3A_1690 = arith.constant 65535 : i32
    %and3A_1691 = vector.broadcast %and3A_1690 : i32 to vector<128x128xi32>
    %and3A_1692 = arith.andi %get3A_1689, %and3A_1691 : vector<128x128xi32>
    %shift_right_arithmetic3A_1693 = arith.constant 16 : i32
    %shift_right_arithmetic3A_1694 = vector.broadcast %shift_right_arithmetic3A_1693 : i32 to vector<128x128xi32>
    %shift_right_arithmetic3A_1695 = arith.shrsi %get3A_1689, %shift_right_arithmetic3A_1694 : vector<128x128xi32>
    %and3A_1696 = arith.constant 65535 : i32
    %and3A_1697 = vector.broadcast %and3A_1696 : i32 to vector<128x128xi32>
    %and3A_1698 = arith.andi %shift_right_arithmetic3A_1695, %and3A_1697 : vector<128x128xi32>
    %ge3A_1699 = arith.constant 32768 : i32
    %ge3A_1700 = vector.broadcast %ge3A_1699 : i32 to vector<128x128xi32>
    %ge3A_1701 = arith.cmpi sge, %and3A_1692, %ge3A_1700 : vector<128x128xi32>
    %sub3A_1702 = arith.constant 65535 : i32
    %sub3A_1703 = vector.broadcast %sub3A_1702 : i32 to vector<128x128xi32>
    %sub3A_1704 = arith.subi %sub3A_1703, %and3A_1692 : vector<128x128xi32>
    %add3A_1705 = arith.constant 32768 : i32
    %add3A_1706 = vector.broadcast %add3A_1705 : i32 to vector<128x128xi32>
    %add3A_1707 = arith.addi %and3A_1692, %add3A_1706 : vector<128x128xi32>
    %select_n3A_1708 = arith.select %ge3A_1701, %sub3A_1704, %add3A_1707 : vector<128x128xi1>, vector<128x128xi32>
    %ge3A_1709 = arith.constant 32768 : i32
    %ge3A_1710 = vector.broadcast %ge3A_1709 : i32 to vector<128x128xi32>
    %ge3A_1711 = arith.cmpi sge, %and3A_1698, %ge3A_1710 : vector<128x128xi32>
    %sub3A_1712 = arith.constant 65535 : i32
    %sub3A_1713 = vector.broadcast %sub3A_1712 : i32 to vector<128x128xi32>
    %sub3A_1714 = arith.subi %sub3A_1713, %and3A_1698 : vector<128x128xi32>
    %add3A_1715 = arith.constant 32768 : i32
    %add3A_1716 = vector.broadcast %add3A_1715 : i32 to vector<128x128xi32>
    %add3A_1717 = arith.addi %and3A_1698, %add3A_1716 : vector<128x128xi32>
    %select_n3A_1718 = arith.select %ge3A_1711, %sub3A_1714, %add3A_1717 : vector<128x128xi1>, vector<128x128xi32>
    %max3A_1719 = arith.maxsi %select_n3A_1708, %select_n3A_1718 : vector<128x128xi32>
    %reduce_max3A_1720 = arith.constant dense<-2147483648> : vector<128xi32>
    %reduce_max3A_1721 = vector.multi_reduction <maxsi>, %max3A_1719, %reduce_max3A_1720 [1] : vector<128x128xi32> to vector<128xi32>
    %broadcast_in_dim3A_1722 = vector.shape_cast %reduce_max3A_1721 : vector<128xi32> to vector<128x1xi32>
    %get3A_1723 = arith.constant 0 : index
    %get3A_1724 = arith.constant 2048 : index
    %get3A_1725 = vector.load %arg2[%get3A_1723, %get3A_1724] : memref<128x4096xi32, #tpu.memory_space<vmem>>, vector<128x128xi32>
    %and3A_1726 = arith.constant 65535 : i32
    %and3A_1727 = vector.broadcast %and3A_1726 : i32 to vector<128x128xi32>
    %and3A_1728 = arith.andi %get3A_1725, %and3A_1727 : vector<128x128xi32>
    %shift_right_arithmetic3A_1729 = arith.constant 16 : i32
    %shift_right_arithmetic3A_1730 = vector.broadcast %shift_right_arithmetic3A_1729 : i32 to vector<128x128xi32>
    %shift_right_arithmetic3A_1731 = arith.shrsi %get3A_1725, %shift_right_arithmetic3A_1730 : vector<128x128xi32>
    %and3A_1732 = arith.constant 65535 : i32
    %and3A_1733 = vector.broadcast %and3A_1732 : i32 to vector<128x128xi32>
    %and3A_1734 = arith.andi %shift_right_arithmetic3A_1731, %and3A_1733 : vector<128x128xi32>
    %ge3A_1735 = arith.constant 32768 : i32
    %ge3A_1736 = vector.broadcast %ge3A_1735 : i32 to vector<128x128xi32>
    %ge3A_1737 = arith.cmpi sge, %and3A_1728, %ge3A_1736 : vector<128x128xi32>
    %sub3A_1738 = arith.constant 65535 : i32
    %sub3A_1739 = vector.broadcast %sub3A_1738 : i32 to vector<128x128xi32>
    %sub3A_1740 = arith.subi %sub3A_1739, %and3A_1728 : vector<128x128xi32>
    %add3A_1741 = arith.constant 32768 : i32
    %add3A_1742 = vector.broadcast %add3A_1741 : i32 to vector<128x128xi32>
    %add3A_1743 = arith.addi %and3A_1728, %add3A_1742 : vector<128x128xi32>
    %select_n3A_1744 = arith.select %ge3A_1737, %sub3A_1740, %add3A_1743 : vector<128x128xi1>, vector<128x128xi32>
    %ge3A_1745 = arith.constant 32768 : i32
    %ge3A_1746 = vector.broadcast %ge3A_1745 : i32 to vector<128x128xi32>
    %ge3A_1747 = arith.cmpi sge, %and3A_1734, %ge3A_1746 : vector<128x128xi32>
    %sub3A_1748 = arith.constant 65535 : i32
    %sub3A_1749 = vector.broadcast %sub3A_1748 : i32 to vector<128x128xi32>
    %sub3A_1750 = arith.subi %sub3A_1749, %and3A_1734 : vector<128x128xi32>
    %add3A_1751 = arith.constant 32768 : i32
    %add3A_1752 = vector.broadcast %add3A_1751 : i32 to vector<128x128xi32>
    %add3A_1753 = arith.addi %and3A_1734, %add3A_1752 : vector<128x128xi32>
    %select_n3A_1754 = arith.select %ge3A_1747, %sub3A_1750, %add3A_1753 : vector<128x128xi1>, vector<128x128xi32>
    %max3A_1755 = arith.maxsi %select_n3A_1744, %select_n3A_1754 : vector<128x128xi32>
    %reduce_max3A_1756 = arith.constant dense<-2147483648> : vector<128xi32>
    %reduce_max3A_1757 = vector.multi_reduction <maxsi>, %max3A_1755, %reduce_max3A_1756 [1] : vector<128x128xi32> to vector<128xi32>
    %broadcast_in_dim3A_1758 = vector.shape_cast %reduce_max3A_1757 : vector<128xi32> to vector<128x1xi32>
    %get3A_1759 = arith.constant 0 : index
    %get3A_1760 = arith.constant 2176 : index
    %get3A_1761 = vector.load %arg2[%get3A_1759, %get3A_1760] : memref<128x4096xi32, #tpu.memory_space<vmem>>, vector<128x128xi32>
    %and3A_1762 = arith.constant 65535 : i32
    %and3A_1763 = vector.broadcast %and3A_1762 : i32 to vector<128x128xi32>
    %and3A_1764 = arith.andi %get3A_1761, %and3A_1763 : vector<128x128xi32>
    %shift_right_arithmetic3A_1765 = arith.constant 16 : i32
    %shift_right_arithmetic3A_1766 = vector.broadcast %shift_right_arithmetic3A_1765 : i32 to vector<128x128xi32>
    %shift_right_arithmetic3A_1767 = arith.shrsi %get3A_1761, %shift_right_arithmetic3A_1766 : vector<128x128xi32>
    %and3A_1768 = arith.constant 65535 : i32
    %and3A_1769 = vector.broadcast %and3A_1768 : i32 to vector<128x128xi32>
    %and3A_1770 = arith.andi %shift_right_arithmetic3A_1767, %and3A_1769 : vector<128x128xi32>
    %ge3A_1771 = arith.constant 32768 : i32
    %ge3A_1772 = vector.broadcast %ge3A_1771 : i32 to vector<128x128xi32>
    %ge3A_1773 = arith.cmpi sge, %and3A_1764, %ge3A_1772 : vector<128x128xi32>
    %sub3A_1774 = arith.constant 65535 : i32
    %sub3A_1775 = vector.broadcast %sub3A_1774 : i32 to vector<128x128xi32>
    %sub3A_1776 = arith.subi %sub3A_1775, %and3A_1764 : vector<128x128xi32>
    %add3A_1777 = arith.constant 32768 : i32
    %add3A_1778 = vector.broadcast %add3A_1777 : i32 to vector<128x128xi32>
    %add3A_1779 = arith.addi %and3A_1764, %add3A_1778 : vector<128x128xi32>
    %select_n3A_1780 = arith.select %ge3A_1773, %sub3A_1776, %add3A_1779 : vector<128x128xi1>, vector<128x128xi32>
    %ge3A_1781 = arith.constant 32768 : i32
    %ge3A_1782 = vector.broadcast %ge3A_1781 : i32 to vector<128x128xi32>
    %ge3A_1783 = arith.cmpi sge, %and3A_1770, %ge3A_1782 : vector<128x128xi32>
    %sub3A_1784 = arith.constant 65535 : i32
    %sub3A_1785 = vector.broadcast %sub3A_1784 : i32 to vector<128x128xi32>
    %sub3A_1786 = arith.subi %sub3A_1785, %and3A_1770 : vector<128x128xi32>
    %add3A_1787 = arith.constant 32768 : i32
    %add3A_1788 = vector.broadcast %add3A_1787 : i32 to vector<128x128xi32>
    %add3A_1789 = arith.addi %and3A_1770, %add3A_1788 : vector<128x128xi32>
    %select_n3A_1790 = arith.select %ge3A_1783, %sub3A_1786, %add3A_1789 : vector<128x128xi1>, vector<128x128xi32>
    %max3A_1791 = arith.maxsi %select_n3A_1780, %select_n3A_1790 : vector<128x128xi32>
    %reduce_max3A_1792 = arith.constant dense<-2147483648> : vector<128xi32>
    %reduce_max3A_1793 = vector.multi_reduction <maxsi>, %max3A_1791, %reduce_max3A_1792 [1] : vector<128x128xi32> to vector<128xi32>
    %broadcast_in_dim3A_1794 = vector.shape_cast %reduce_max3A_1793 : vector<128xi32> to vector<128x1xi32>
    %get3A_1795 = arith.constant 0 : index
    %get3A_1796 = arith.constant 2304 : index
    %get3A_1797 = vector.load %arg2[%get3A_1795, %get3A_1796] : memref<128x4096xi32, #tpu.memory_space<vmem>>, vector<128x128xi32>
    %and3A_1798 = arith.constant 65535 : i32
    %and3A_1799 = vector.broadcast %and3A_1798 : i32 to vector<128x128xi32>
    %and3A_1800 = arith.andi %get3A_1797, %and3A_1799 : vector<128x128xi32>
    %shift_right_arithmetic3A_1801 = arith.constant 16 : i32
    %shift_right_arithmetic3A_1802 = vector.broadcast %shift_right_arithmetic3A_1801 : i32 to vector<128x128xi32>
    %shift_right_arithmetic3A_1803 = arith.shrsi %get3A_1797, %shift_right_arithmetic3A_1802 : vector<128x128xi32>
    %and3A_1804 = arith.constant 65535 : i32
    %and3A_1805 = vector.broadcast %and3A_1804 : i32 to vector<128x128xi32>
    %and3A_1806 = arith.andi %shift_right_arithmetic3A_1803, %and3A_1805 : vector<128x128xi32>
    %ge3A_1807 = arith.constant 32768 : i32
    %ge3A_1808 = vector.broadcast %ge3A_1807 : i32 to vector<128x128xi32>
    %ge3A_1809 = arith.cmpi sge, %and3A_1800, %ge3A_1808 : vector<128x128xi32>
    %sub3A_1810 = arith.constant 65535 : i32
    %sub3A_1811 = vector.broadcast %sub3A_1810 : i32 to vector<128x128xi32>
    %sub3A_1812 = arith.subi %sub3A_1811, %and3A_1800 : vector<128x128xi32>
    %add3A_1813 = arith.constant 32768 : i32
    %add3A_1814 = vector.broadcast %add3A_1813 : i32 to vector<128x128xi32>
    %add3A_1815 = arith.addi %and3A_1800, %add3A_1814 : vector<128x128xi32>
    %select_n3A_1816 = arith.select %ge3A_1809, %sub3A_1812, %add3A_1815 : vector<128x128xi1>, vector<128x128xi32>
    %ge3A_1817 = arith.constant 32768 : i32
    %ge3A_1818 = vector.broadcast %ge3A_1817 : i32 to vector<128x128xi32>
    %ge3A_1819 = arith.cmpi sge, %and3A_1806, %ge3A_1818 : vector<128x128xi32>
    %sub3A_1820 = arith.constant 65535 : i32
    %sub3A_1821 = vector.broadcast %sub3A_1820 : i32 to vector<128x128xi32>
    %sub3A_1822 = arith.subi %sub3A_1821, %and3A_1806 : vector<128x128xi32>
    %add3A_1823 = arith.constant 32768 : i32
    %add3A_1824 = vector.broadcast %add3A_1823 : i32 to vector<128x128xi32>
    %add3A_1825 = arith.addi %and3A_1806, %add3A_1824 : vector<128x128xi32>
    %select_n3A_1826 = arith.select %ge3A_1819, %sub3A_1822, %add3A_1825 : vector<128x128xi1>, vector<128x128xi32>
    %max3A_1827 = arith.maxsi %select_n3A_1816, %select_n3A_1826 : vector<128x128xi32>
    %reduce_max3A_1828 = arith.constant dense<-2147483648> : vector<128xi32>
    %reduce_max3A_1829 = vector.multi_reduction <maxsi>, %max3A_1827, %reduce_max3A_1828 [1] : vector<128x128xi32> to vector<128xi32>
    %broadcast_in_dim3A_1830 = vector.shape_cast %reduce_max3A_1829 : vector<128xi32> to vector<128x1xi32>
    %get3A_1831 = arith.constant 0 : index
    %get3A_1832 = arith.constant 2432 : index
    %get3A_1833 = vector.load %arg2[%get3A_1831, %get3A_1832] : memref<128x4096xi32, #tpu.memory_space<vmem>>, vector<128x128xi32>
    %and3A_1834 = arith.constant 65535 : i32
    %and3A_1835 = vector.broadcast %and3A_1834 : i32 to vector<128x128xi32>
    %and3A_1836 = arith.andi %get3A_1833, %and3A_1835 : vector<128x128xi32>
    %shift_right_arithmetic3A_1837 = arith.constant 16 : i32
    %shift_right_arithmetic3A_1838 = vector.broadcast %shift_right_arithmetic3A_1837 : i32 to vector<128x128xi32>
    %shift_right_arithmetic3A_1839 = arith.shrsi %get3A_1833, %shift_right_arithmetic3A_1838 : vector<128x128xi32>
    %and3A_1840 = arith.constant 65535 : i32
    %and3A_1841 = vector.broadcast %and3A_1840 : i32 to vector<128x128xi32>
    %and3A_1842 = arith.andi %shift_right_arithmetic3A_1839, %and3A_1841 : vector<128x128xi32>
    %ge3A_1843 = arith.constant 32768 : i32
    %ge3A_1844 = vector.broadcast %ge3A_1843 : i32 to vector<128x128xi32>
    %ge3A_1845 = arith.cmpi sge, %and3A_1836, %ge3A_1844 : vector<128x128xi32>
    %sub3A_1846 = arith.constant 65535 : i32
    %sub3A_1847 = vector.broadcast %sub3A_1846 : i32 to vector<128x128xi32>
    %sub3A_1848 = arith.subi %sub3A_1847, %and3A_1836 : vector<128x128xi32>
    %add3A_1849 = arith.constant 32768 : i32
    %add3A_1850 = vector.broadcast %add3A_1849 : i32 to vector<128x128xi32>
    %add3A_1851 = arith.addi %and3A_1836, %add3A_1850 : vector<128x128xi32>
    %select_n3A_1852 = arith.select %ge3A_1845, %sub3A_1848, %add3A_1851 : vector<128x128xi1>, vector<128x128xi32>
    %ge3A_1853 = arith.constant 32768 : i32
    %ge3A_1854 = vector.broadcast %ge3A_1853 : i32 to vector<128x128xi32>
    %ge3A_1855 = arith.cmpi sge, %and3A_1842, %ge3A_1854 : vector<128x128xi32>
    %sub3A_1856 = arith.constant 65535 : i32
    %sub3A_1857 = vector.broadcast %sub3A_1856 : i32 to vector<128x128xi32>
    %sub3A_1858 = arith.subi %sub3A_1857, %and3A_1842 : vector<128x128xi32>
    %add3A_1859 = arith.constant 32768 : i32
    %add3A_1860 = vector.broadcast %add3A_1859 : i32 to vector<128x128xi32>
    %add3A_1861 = arith.addi %and3A_1842, %add3A_1860 : vector<128x128xi32>
    %select_n3A_1862 = arith.select %ge3A_1855, %sub3A_1858, %add3A_1861 : vector<128x128xi1>, vector<128x128xi32>
    %max3A_1863 = arith.maxsi %select_n3A_1852, %select_n3A_1862 : vector<128x128xi32>
    %reduce_max3A_1864 = arith.constant dense<-2147483648> : vector<128xi32>
    %reduce_max3A_1865 = vector.multi_reduction <maxsi>, %max3A_1863, %reduce_max3A_1864 [1] : vector<128x128xi32> to vector<128xi32>
    %broadcast_in_dim3A_1866 = vector.shape_cast %reduce_max3A_1865 : vector<128xi32> to vector<128x1xi32>
    %get3A_1867 = arith.constant 0 : index
    %get3A_1868 = arith.constant 2560 : index
    %get3A_1869 = vector.load %arg2[%get3A_1867, %get3A_1868] : memref<128x4096xi32, #tpu.memory_space<vmem>>, vector<128x128xi32>
    %and3A_1870 = arith.constant 65535 : i32
    %and3A_1871 = vector.broadcast %and3A_1870 : i32 to vector<128x128xi32>
    %and3A_1872 = arith.andi %get3A_1869, %and3A_1871 : vector<128x128xi32>
    %shift_right_arithmetic3A_1873 = arith.constant 16 : i32
    %shift_right_arithmetic3A_1874 = vector.broadcast %shift_right_arithmetic3A_1873 : i32 to vector<128x128xi32>
    %shift_right_arithmetic3A_1875 = arith.shrsi %get3A_1869, %shift_right_arithmetic3A_1874 : vector<128x128xi32>
    %and3A_1876 = arith.constant 65535 : i32
    %and3A_1877 = vector.broadcast %and3A_1876 : i32 to vector<128x128xi32>
    %and3A_1878 = arith.andi %shift_right_arithmetic3A_1875, %and3A_1877 : vector<128x128xi32>
    %ge3A_1879 = arith.constant 32768 : i32
    %ge3A_1880 = vector.broadcast %ge3A_1879 : i32 to vector<128x128xi32>
    %ge3A_1881 = arith.cmpi sge, %and3A_1872, %ge3A_1880 : vector<128x128xi32>
    %sub3A_1882 = arith.constant 65535 : i32
    %sub3A_1883 = vector.broadcast %sub3A_1882 : i32 to vector<128x128xi32>
    %sub3A_1884 = arith.subi %sub3A_1883, %and3A_1872 : vector<128x128xi32>
    %add3A_1885 = arith.constant 32768 : i32
    %add3A_1886 = vector.broadcast %add3A_1885 : i32 to vector<128x128xi32>
    %add3A_1887 = arith.addi %and3A_1872, %add3A_1886 : vector<128x128xi32>
    %select_n3A_1888 = arith.select %ge3A_1881, %sub3A_1884, %add3A_1887 : vector<128x128xi1>, vector<128x128xi32>
    %ge3A_1889 = arith.constant 32768 : i32
    %ge3A_1890 = vector.broadcast %ge3A_1889 : i32 to vector<128x128xi32>
    %ge3A_1891 = arith.cmpi sge, %and3A_1878, %ge3A_1890 : vector<128x128xi32>
    %sub3A_1892 = arith.constant 65535 : i32
    %sub3A_1893 = vector.broadcast %sub3A_1892 : i32 to vector<128x128xi32>
    %sub3A_1894 = arith.subi %sub3A_1893, %and3A_1878 : vector<128x128xi32>
    %add3A_1895 = arith.constant 32768 : i32
    %add3A_1896 = vector.broadcast %add3A_1895 : i32 to vector<128x128xi32>
    %add3A_1897 = arith.addi %and3A_1878, %add3A_1896 : vector<128x128xi32>
    %select_n3A_1898 = arith.select %ge3A_1891, %sub3A_1894, %add3A_1897 : vector<128x128xi1>, vector<128x128xi32>
    %max3A_1899 = arith.maxsi %select_n3A_1888, %select_n3A_1898 : vector<128x128xi32>
    %reduce_max3A_1900 = arith.constant dense<-2147483648> : vector<128xi32>
    %reduce_max3A_1901 = vector.multi_reduction <maxsi>, %max3A_1899, %reduce_max3A_1900 [1] : vector<128x128xi32> to vector<128xi32>
    %broadcast_in_dim3A_1902 = vector.shape_cast %reduce_max3A_1901 : vector<128xi32> to vector<128x1xi32>
    %get3A_1903 = arith.constant 0 : index
    %get3A_1904 = arith.constant 2688 : index
    %get3A_1905 = vector.load %arg2[%get3A_1903, %get3A_1904] : memref<128x4096xi32, #tpu.memory_space<vmem>>, vector<128x128xi32>
    %and3A_1906 = arith.constant 65535 : i32
    %and3A_1907 = vector.broadcast %and3A_1906 : i32 to vector<128x128xi32>
    %and3A_1908 = arith.andi %get3A_1905, %and3A_1907 : vector<128x128xi32>
    %shift_right_arithmetic3A_1909 = arith.constant 16 : i32
    %shift_right_arithmetic3A_1910 = vector.broadcast %shift_right_arithmetic3A_1909 : i32 to vector<128x128xi32>
    %shift_right_arithmetic3A_1911 = arith.shrsi %get3A_1905, %shift_right_arithmetic3A_1910 : vector<128x128xi32>
    %and3A_1912 = arith.constant 65535 : i32
    %and3A_1913 = vector.broadcast %and3A_1912 : i32 to vector<128x128xi32>
    %and3A_1914 = arith.andi %shift_right_arithmetic3A_1911, %and3A_1913 : vector<128x128xi32>
    %ge3A_1915 = arith.constant 32768 : i32
    %ge3A_1916 = vector.broadcast %ge3A_1915 : i32 to vector<128x128xi32>
    %ge3A_1917 = arith.cmpi sge, %and3A_1908, %ge3A_1916 : vector<128x128xi32>
    %sub3A_1918 = arith.constant 65535 : i32
    %sub3A_1919 = vector.broadcast %sub3A_1918 : i32 to vector<128x128xi32>
    %sub3A_1920 = arith.subi %sub3A_1919, %and3A_1908 : vector<128x128xi32>
    %add3A_1921 = arith.constant 32768 : i32
    %add3A_1922 = vector.broadcast %add3A_1921 : i32 to vector<128x128xi32>
    %add3A_1923 = arith.addi %and3A_1908, %add3A_1922 : vector<128x128xi32>
    %select_n3A_1924 = arith.select %ge3A_1917, %sub3A_1920, %add3A_1923 : vector<128x128xi1>, vector<128x128xi32>
    %ge3A_1925 = arith.constant 32768 : i32
    %ge3A_1926 = vector.broadcast %ge3A_1925 : i32 to vector<128x128xi32>
    %ge3A_1927 = arith.cmpi sge, %and3A_1914, %ge3A_1926 : vector<128x128xi32>
    %sub3A_1928 = arith.constant 65535 : i32
    %sub3A_1929 = vector.broadcast %sub3A_1928 : i32 to vector<128x128xi32>
    %sub3A_1930 = arith.subi %sub3A_1929, %and3A_1914 : vector<128x128xi32>
    %add3A_1931 = arith.constant 32768 : i32
    %add3A_1932 = vector.broadcast %add3A_1931 : i32 to vector<128x128xi32>
    %add3A_1933 = arith.addi %and3A_1914, %add3A_1932 : vector<128x128xi32>
    %select_n3A_1934 = arith.select %ge3A_1927, %sub3A_1930, %add3A_1933 : vector<128x128xi1>, vector<128x128xi32>
    %max3A_1935 = arith.maxsi %select_n3A_1924, %select_n3A_1934 : vector<128x128xi32>
    %reduce_max3A_1936 = arith.constant dense<-2147483648> : vector<128xi32>
    %reduce_max3A_1937 = vector.multi_reduction <maxsi>, %max3A_1935, %reduce_max3A_1936 [1] : vector<128x128xi32> to vector<128xi32>
    %broadcast_in_dim3A_1938 = vector.shape_cast %reduce_max3A_1937 : vector<128xi32> to vector<128x1xi32>
    %get3A_1939 = arith.constant 0 : index
    %get3A_1940 = arith.constant 2816 : index
    %get3A_1941 = vector.load %arg2[%get3A_1939, %get3A_1940] : memref<128x4096xi32, #tpu.memory_space<vmem>>, vector<128x128xi32>
    %and3A_1942 = arith.constant 65535 : i32
    %and3A_1943 = vector.broadcast %and3A_1942 : i32 to vector<128x128xi32>
    %and3A_1944 = arith.andi %get3A_1941, %and3A_1943 : vector<128x128xi32>
    %shift_right_arithmetic3A_1945 = arith.constant 16 : i32
    %shift_right_arithmetic3A_1946 = vector.broadcast %shift_right_arithmetic3A_1945 : i32 to vector<128x128xi32>
    %shift_right_arithmetic3A_1947 = arith.shrsi %get3A_1941, %shift_right_arithmetic3A_1946 : vector<128x128xi32>
    %and3A_1948 = arith.constant 65535 : i32
    %and3A_1949 = vector.broadcast %and3A_1948 : i32 to vector<128x128xi32>
    %and3A_1950 = arith.andi %shift_right_arithmetic3A_1947, %and3A_1949 : vector<128x128xi32>
    %ge3A_1951 = arith.constant 32768 : i32
    %ge3A_1952 = vector.broadcast %ge3A_1951 : i32 to vector<128x128xi32>
    %ge3A_1953 = arith.cmpi sge, %and3A_1944, %ge3A_1952 : vector<128x128xi32>
    %sub3A_1954 = arith.constant 65535 : i32
    %sub3A_1955 = vector.broadcast %sub3A_1954 : i32 to vector<128x128xi32>
    %sub3A_1956 = arith.subi %sub3A_1955, %and3A_1944 : vector<128x128xi32>
    %add3A_1957 = arith.constant 32768 : i32
    %add3A_1958 = vector.broadcast %add3A_1957 : i32 to vector<128x128xi32>
    %add3A_1959 = arith.addi %and3A_1944, %add3A_1958 : vector<128x128xi32>
    %select_n3A_1960 = arith.select %ge3A_1953, %sub3A_1956, %add3A_1959 : vector<128x128xi1>, vector<128x128xi32>
    %ge3A_1961 = arith.constant 32768 : i32
    %ge3A_1962 = vector.broadcast %ge3A_1961 : i32 to vector<128x128xi32>
    %ge3A_1963 = arith.cmpi sge, %and3A_1950, %ge3A_1962 : vector<128x128xi32>
    %sub3A_1964 = arith.constant 65535 : i32
    %sub3A_1965 = vector.broadcast %sub3A_1964 : i32 to vector<128x128xi32>
    %sub3A_1966 = arith.subi %sub3A_1965, %and3A_1950 : vector<128x128xi32>
    %add3A_1967 = arith.constant 32768 : i32
    %add3A_1968 = vector.broadcast %add3A_1967 : i32 to vector<128x128xi32>
    %add3A_1969 = arith.addi %and3A_1950, %add3A_1968 : vector<128x128xi32>
    %select_n3A_1970 = arith.select %ge3A_1963, %sub3A_1966, %add3A_1969 : vector<128x128xi1>, vector<128x128xi32>
    %max3A_1971 = arith.maxsi %select_n3A_1960, %select_n3A_1970 : vector<128x128xi32>
    %reduce_max3A_1972 = arith.constant dense<-2147483648> : vector<128xi32>
    %reduce_max3A_1973 = vector.multi_reduction <maxsi>, %max3A_1971, %reduce_max3A_1972 [1] : vector<128x128xi32> to vector<128xi32>
    %broadcast_in_dim3A_1974 = vector.shape_cast %reduce_max3A_1973 : vector<128xi32> to vector<128x1xi32>
    %get3A_1975 = arith.constant 0 : index
    %get3A_1976 = arith.constant 2944 : index
    %get3A_1977 = vector.load %arg2[%get3A_1975, %get3A_1976] : memref<128x4096xi32, #tpu.memory_space<vmem>>, vector<128x128xi32>
    %and3A_1978 = arith.constant 65535 : i32
    %and3A_1979 = vector.broadcast %and3A_1978 : i32 to vector<128x128xi32>
    %and3A_1980 = arith.andi %get3A_1977, %and3A_1979 : vector<128x128xi32>
    %shift_right_arithmetic3A_1981 = arith.constant 16 : i32
    %shift_right_arithmetic3A_1982 = vector.broadcast %shift_right_arithmetic3A_1981 : i32 to vector<128x128xi32>
    %shift_right_arithmetic3A_1983 = arith.shrsi %get3A_1977, %shift_right_arithmetic3A_1982 : vector<128x128xi32>
    %and3A_1984 = arith.constant 65535 : i32
    %and3A_1985 = vector.broadcast %and3A_1984 : i32 to vector<128x128xi32>
    %and3A_1986 = arith.andi %shift_right_arithmetic3A_1983, %and3A_1985 : vector<128x128xi32>
    %ge3A_1987 = arith.constant 32768 : i32
    %ge3A_1988 = vector.broadcast %ge3A_1987 : i32 to vector<128x128xi32>
    %ge3A_1989 = arith.cmpi sge, %and3A_1980, %ge3A_1988 : vector<128x128xi32>
    %sub3A_1990 = arith.constant 65535 : i32
    %sub3A_1991 = vector.broadcast %sub3A_1990 : i32 to vector<128x128xi32>
    %sub3A_1992 = arith.subi %sub3A_1991, %and3A_1980 : vector<128x128xi32>
    %add3A_1993 = arith.constant 32768 : i32
    %add3A_1994 = vector.broadcast %add3A_1993 : i32 to vector<128x128xi32>
    %add3A_1995 = arith.addi %and3A_1980, %add3A_1994 : vector<128x128xi32>
    %select_n3A_1996 = arith.select %ge3A_1989, %sub3A_1992, %add3A_1995 : vector<128x128xi1>, vector<128x128xi32>
    %ge3A_1997 = arith.constant 32768 : i32
    %ge3A_1998 = vector.broadcast %ge3A_1997 : i32 to vector<128x128xi32>
    %ge3A_1999 = arith.cmpi sge, %and3A_1986, %ge3A_1998 : vector<128x128xi32>
    %sub3A_2000 = arith.constant 65535 : i32
    %sub3A_2001 = vector.broadcast %sub3A_2000 : i32 to vector<128x128xi32>
    %sub3A_2002 = arith.subi %sub3A_2001, %and3A_1986 : vector<128x128xi32>
    %add3A_2003 = arith.constant 32768 : i32
    %add3A_2004 = vector.broadcast %add3A_2003 : i32 to vector<128x128xi32>
    %add3A_2005 = arith.addi %and3A_1986, %add3A_2004 : vector<128x128xi32>
    %select_n3A_2006 = arith.select %ge3A_1999, %sub3A_2002, %add3A_2005 : vector<128x128xi1>, vector<128x128xi32>
    %max3A_2007 = arith.maxsi %select_n3A_1996, %select_n3A_2006 : vector<128x128xi32>
    %reduce_max3A_2008 = arith.constant dense<-2147483648> : vector<128xi32>
    %reduce_max3A_2009 = vector.multi_reduction <maxsi>, %max3A_2007, %reduce_max3A_2008 [1] : vector<128x128xi32> to vector<128xi32>
    %broadcast_in_dim3A_2010 = vector.shape_cast %reduce_max3A_2009 : vector<128xi32> to vector<128x1xi32>
    %get3A_2011 = arith.constant 0 : index
    %get3A_2012 = arith.constant 3072 : index
    %get3A_2013 = vector.load %arg2[%get3A_2011, %get3A_2012] : memref<128x4096xi32, #tpu.memory_space<vmem>>, vector<128x128xi32>
    %and3A_2014 = arith.constant 65535 : i32
    %and3A_2015 = vector.broadcast %and3A_2014 : i32 to vector<128x128xi32>
    %and3A_2016 = arith.andi %get3A_2013, %and3A_2015 : vector<128x128xi32>
    %shift_right_arithmetic3A_2017 = arith.constant 16 : i32
    %shift_right_arithmetic3A_2018 = vector.broadcast %shift_right_arithmetic3A_2017 : i32 to vector<128x128xi32>
    %shift_right_arithmetic3A_2019 = arith.shrsi %get3A_2013, %shift_right_arithmetic3A_2018 : vector<128x128xi32>
    %and3A_2020 = arith.constant 65535 : i32
    %and3A_2021 = vector.broadcast %and3A_2020 : i32 to vector<128x128xi32>
    %and3A_2022 = arith.andi %shift_right_arithmetic3A_2019, %and3A_2021 : vector<128x128xi32>
    %ge3A_2023 = arith.constant 32768 : i32
    %ge3A_2024 = vector.broadcast %ge3A_2023 : i32 to vector<128x128xi32>
    %ge3A_2025 = arith.cmpi sge, %and3A_2016, %ge3A_2024 : vector<128x128xi32>
    %sub3A_2026 = arith.constant 65535 : i32
    %sub3A_2027 = vector.broadcast %sub3A_2026 : i32 to vector<128x128xi32>
    %sub3A_2028 = arith.subi %sub3A_2027, %and3A_2016 : vector<128x128xi32>
    %add3A_2029 = arith.constant 32768 : i32
    %add3A_2030 = vector.broadcast %add3A_2029 : i32 to vector<128x128xi32>
    %add3A_2031 = arith.addi %and3A_2016, %add3A_2030 : vector<128x128xi32>
    %select_n3A_2032 = arith.select %ge3A_2025, %sub3A_2028, %add3A_2031 : vector<128x128xi1>, vector<128x128xi32>
    %ge3A_2033 = arith.constant 32768 : i32
    %ge3A_2034 = vector.broadcast %ge3A_2033 : i32 to vector<128x128xi32>
    %ge3A_2035 = arith.cmpi sge, %and3A_2022, %ge3A_2034 : vector<128x128xi32>
    %sub3A_2036 = arith.constant 65535 : i32
    %sub3A_2037 = vector.broadcast %sub3A_2036 : i32 to vector<128x128xi32>
    %sub3A_2038 = arith.subi %sub3A_2037, %and3A_2022 : vector<128x128xi32>
    %add3A_2039 = arith.constant 32768 : i32
    %add3A_2040 = vector.broadcast %add3A_2039 : i32 to vector<128x128xi32>
    %add3A_2041 = arith.addi %and3A_2022, %add3A_2040 : vector<128x128xi32>
    %select_n3A_2042 = arith.select %ge3A_2035, %sub3A_2038, %add3A_2041 : vector<128x128xi1>, vector<128x128xi32>
    %max3A_2043 = arith.maxsi %select_n3A_2032, %select_n3A_2042 : vector<128x128xi32>
    %reduce_max3A_2044 = arith.constant dense<-2147483648> : vector<128xi32>
    %reduce_max3A_2045 = vector.multi_reduction <maxsi>, %max3A_2043, %reduce_max3A_2044 [1] : vector<128x128xi32> to vector<128xi32>
    %broadcast_in_dim3A_2046 = vector.shape_cast %reduce_max3A_2045 : vector<128xi32> to vector<128x1xi32>
    %get3A_2047 = arith.constant 0 : index
    %get3A_2048 = arith.constant 3200 : index
    %get3A_2049 = vector.load %arg2[%get3A_2047, %get3A_2048] : memref<128x4096xi32, #tpu.memory_space<vmem>>, vector<128x128xi32>
    %and3A_2050 = arith.constant 65535 : i32
    %and3A_2051 = vector.broadcast %and3A_2050 : i32 to vector<128x128xi32>
    %and3A_2052 = arith.andi %get3A_2049, %and3A_2051 : vector<128x128xi32>
    %shift_right_arithmetic3A_2053 = arith.constant 16 : i32
    %shift_right_arithmetic3A_2054 = vector.broadcast %shift_right_arithmetic3A_2053 : i32 to vector<128x128xi32>
    %shift_right_arithmetic3A_2055 = arith.shrsi %get3A_2049, %shift_right_arithmetic3A_2054 : vector<128x128xi32>
    %and3A_2056 = arith.constant 65535 : i32
    %and3A_2057 = vector.broadcast %and3A_2056 : i32 to vector<128x128xi32>
    %and3A_2058 = arith.andi %shift_right_arithmetic3A_2055, %and3A_2057 : vector<128x128xi32>
    %ge3A_2059 = arith.constant 32768 : i32
    %ge3A_2060 = vector.broadcast %ge3A_2059 : i32 to vector<128x128xi32>
    %ge3A_2061 = arith.cmpi sge, %and3A_2052, %ge3A_2060 : vector<128x128xi32>
    %sub3A_2062 = arith.constant 65535 : i32
    %sub3A_2063 = vector.broadcast %sub3A_2062 : i32 to vector<128x128xi32>
    %sub3A_2064 = arith.subi %sub3A_2063, %and3A_2052 : vector<128x128xi32>
    %add3A_2065 = arith.constant 32768 : i32
    %add3A_2066 = vector.broadcast %add3A_2065 : i32 to vector<128x128xi32>
    %add3A_2067 = arith.addi %and3A_2052, %add3A_2066 : vector<128x128xi32>
    %select_n3A_2068 = arith.select %ge3A_2061, %sub3A_2064, %add3A_2067 : vector<128x128xi1>, vector<128x128xi32>
    %ge3A_2069 = arith.constant 32768 : i32
    %ge3A_2070 = vector.broadcast %ge3A_2069 : i32 to vector<128x128xi32>
    %ge3A_2071 = arith.cmpi sge, %and3A_2058, %ge3A_2070 : vector<128x128xi32>
    %sub3A_2072 = arith.constant 65535 : i32
    %sub3A_2073 = vector.broadcast %sub3A_2072 : i32 to vector<128x128xi32>
    %sub3A_2074 = arith.subi %sub3A_2073, %and3A_2058 : vector<128x128xi32>
    %add3A_2075 = arith.constant 32768 : i32
    %add3A_2076 = vector.broadcast %add3A_2075 : i32 to vector<128x128xi32>
    %add3A_2077 = arith.addi %and3A_2058, %add3A_2076 : vector<128x128xi32>
    %select_n3A_2078 = arith.select %ge3A_2071, %sub3A_2074, %add3A_2077 : vector<128x128xi1>, vector<128x128xi32>
    %max3A_2079 = arith.maxsi %select_n3A_2068, %select_n3A_2078 : vector<128x128xi32>
    %reduce_max3A_2080 = arith.constant dense<-2147483648> : vector<128xi32>
    %reduce_max3A_2081 = vector.multi_reduction <maxsi>, %max3A_2079, %reduce_max3A_2080 [1] : vector<128x128xi32> to vector<128xi32>
    %broadcast_in_dim3A_2082 = vector.shape_cast %reduce_max3A_2081 : vector<128xi32> to vector<128x1xi32>
    %get3A_2083 = arith.constant 0 : index
    %get3A_2084 = arith.constant 3328 : index
    %get3A_2085 = vector.load %arg2[%get3A_2083, %get3A_2084] : memref<128x4096xi32, #tpu.memory_space<vmem>>, vector<128x128xi32>
    %and3A_2086 = arith.constant 65535 : i32
    %and3A_2087 = vector.broadcast %and3A_2086 : i32 to vector<128x128xi32>
    %and3A_2088 = arith.andi %get3A_2085, %and3A_2087 : vector<128x128xi32>
    %shift_right_arithmetic3A_2089 = arith.constant 16 : i32
    %shift_right_arithmetic3A_2090 = vector.broadcast %shift_right_arithmetic3A_2089 : i32 to vector<128x128xi32>
    %shift_right_arithmetic3A_2091 = arith.shrsi %get3A_2085, %shift_right_arithmetic3A_2090 : vector<128x128xi32>
    %and3A_2092 = arith.constant 65535 : i32
    %and3A_2093 = vector.broadcast %and3A_2092 : i32 to vector<128x128xi32>
    %and3A_2094 = arith.andi %shift_right_arithmetic3A_2091, %and3A_2093 : vector<128x128xi32>
    %ge3A_2095 = arith.constant 32768 : i32
    %ge3A_2096 = vector.broadcast %ge3A_2095 : i32 to vector<128x128xi32>
    %ge3A_2097 = arith.cmpi sge, %and3A_2088, %ge3A_2096 : vector<128x128xi32>
    %sub3A_2098 = arith.constant 65535 : i32
    %sub3A_2099 = vector.broadcast %sub3A_2098 : i32 to vector<128x128xi32>
    %sub3A_2100 = arith.subi %sub3A_2099, %and3A_2088 : vector<128x128xi32>
    %add3A_2101 = arith.constant 32768 : i32
    %add3A_2102 = vector.broadcast %add3A_2101 : i32 to vector<128x128xi32>
    %add3A_2103 = arith.addi %and3A_2088, %add3A_2102 : vector<128x128xi32>
    %select_n3A_2104 = arith.select %ge3A_2097, %sub3A_2100, %add3A_2103 : vector<128x128xi1>, vector<128x128xi32>
    %ge3A_2105 = arith.constant 32768 : i32
    %ge3A_2106 = vector.broadcast %ge3A_2105 : i32 to vector<128x128xi32>
    %ge3A_2107 = arith.cmpi sge, %and3A_2094, %ge3A_2106 : vector<128x128xi32>
    %sub3A_2108 = arith.constant 65535 : i32
    %sub3A_2109 = vector.broadcast %sub3A_2108 : i32 to vector<128x128xi32>
    %sub3A_2110 = arith.subi %sub3A_2109, %and3A_2094 : vector<128x128xi32>
    %add3A_2111 = arith.constant 32768 : i32
    %add3A_2112 = vector.broadcast %add3A_2111 : i32 to vector<128x128xi32>
    %add3A_2113 = arith.addi %and3A_2094, %add3A_2112 : vector<128x128xi32>
    %select_n3A_2114 = arith.select %ge3A_2107, %sub3A_2110, %add3A_2113 : vector<128x128xi1>, vector<128x128xi32>
    %max3A_2115 = arith.maxsi %select_n3A_2104, %select_n3A_2114 : vector<128x128xi32>
    %reduce_max3A_2116 = arith.constant dense<-2147483648> : vector<128xi32>
    %reduce_max3A_2117 = vector.multi_reduction <maxsi>, %max3A_2115, %reduce_max3A_2116 [1] : vector<128x128xi32> to vector<128xi32>
    %broadcast_in_dim3A_2118 = vector.shape_cast %reduce_max3A_2117 : vector<128xi32> to vector<128x1xi32>
    %get3A_2119 = arith.constant 0 : index
    %get3A_2120 = arith.constant 3456 : index
    %get3A_2121 = vector.load %arg2[%get3A_2119, %get3A_2120] : memref<128x4096xi32, #tpu.memory_space<vmem>>, vector<128x128xi32>
    %and3A_2122 = arith.constant 65535 : i32
    %and3A_2123 = vector.broadcast %and3A_2122 : i32 to vector<128x128xi32>
    %and3A_2124 = arith.andi %get3A_2121, %and3A_2123 : vector<128x128xi32>
    %shift_right_arithmetic3A_2125 = arith.constant 16 : i32
    %shift_right_arithmetic3A_2126 = vector.broadcast %shift_right_arithmetic3A_2125 : i32 to vector<128x128xi32>
    %shift_right_arithmetic3A_2127 = arith.shrsi %get3A_2121, %shift_right_arithmetic3A_2126 : vector<128x128xi32>
    %and3A_2128 = arith.constant 65535 : i32
    %and3A_2129 = vector.broadcast %and3A_2128 : i32 to vector<128x128xi32>
    %and3A_2130 = arith.andi %shift_right_arithmetic3A_2127, %and3A_2129 : vector<128x128xi32>
    %ge3A_2131 = arith.constant 32768 : i32
    %ge3A_2132 = vector.broadcast %ge3A_2131 : i32 to vector<128x128xi32>
    %ge3A_2133 = arith.cmpi sge, %and3A_2124, %ge3A_2132 : vector<128x128xi32>
    %sub3A_2134 = arith.constant 65535 : i32
    %sub3A_2135 = vector.broadcast %sub3A_2134 : i32 to vector<128x128xi32>
    %sub3A_2136 = arith.subi %sub3A_2135, %and3A_2124 : vector<128x128xi32>
    %add3A_2137 = arith.constant 32768 : i32
    %add3A_2138 = vector.broadcast %add3A_2137 : i32 to vector<128x128xi32>
    %add3A_2139 = arith.addi %and3A_2124, %add3A_2138 : vector<128x128xi32>
    %select_n3A_2140 = arith.select %ge3A_2133, %sub3A_2136, %add3A_2139 : vector<128x128xi1>, vector<128x128xi32>
    %ge3A_2141 = arith.constant 32768 : i32
    %ge3A_2142 = vector.broadcast %ge3A_2141 : i32 to vector<128x128xi32>
    %ge3A_2143 = arith.cmpi sge, %and3A_2130, %ge3A_2142 : vector<128x128xi32>
    %sub3A_2144 = arith.constant 65535 : i32
    %sub3A_2145 = vector.broadcast %sub3A_2144 : i32 to vector<128x128xi32>
    %sub3A_2146 = arith.subi %sub3A_2145, %and3A_2130 : vector<128x128xi32>
    %add3A_2147 = arith.constant 32768 : i32
    %add3A_2148 = vector.broadcast %add3A_2147 : i32 to vector<128x128xi32>
    %add3A_2149 = arith.addi %and3A_2130, %add3A_2148 : vector<128x128xi32>
    %select_n3A_2150 = arith.select %ge3A_2143, %sub3A_2146, %add3A_2149 : vector<128x128xi1>, vector<128x128xi32>
    %max3A_2151 = arith.maxsi %select_n3A_2140, %select_n3A_2150 : vector<128x128xi32>
    %reduce_max3A_2152 = arith.constant dense<-2147483648> : vector<128xi32>
    %reduce_max3A_2153 = vector.multi_reduction <maxsi>, %max3A_2151, %reduce_max3A_2152 [1] : vector<128x128xi32> to vector<128xi32>
    %broadcast_in_dim3A_2154 = vector.shape_cast %reduce_max3A_2153 : vector<128xi32> to vector<128x1xi32>
    %get3A_2155 = arith.constant 0 : index
    %get3A_2156 = arith.constant 3584 : index
    %get3A_2157 = vector.load %arg2[%get3A_2155, %get3A_2156] : memref<128x4096xi32, #tpu.memory_space<vmem>>, vector<128x128xi32>
    %and3A_2158 = arith.constant 65535 : i32
    %and3A_2159 = vector.broadcast %and3A_2158 : i32 to vector<128x128xi32>
    %and3A_2160 = arith.andi %get3A_2157, %and3A_2159 : vector<128x128xi32>
    %shift_right_arithmetic3A_2161 = arith.constant 16 : i32
    %shift_right_arithmetic3A_2162 = vector.broadcast %shift_right_arithmetic3A_2161 : i32 to vector<128x128xi32>
    %shift_right_arithmetic3A_2163 = arith.shrsi %get3A_2157, %shift_right_arithmetic3A_2162 : vector<128x128xi32>
    %and3A_2164 = arith.constant 65535 : i32
    %and3A_2165 = vector.broadcast %and3A_2164 : i32 to vector<128x128xi32>
    %and3A_2166 = arith.andi %shift_right_arithmetic3A_2163, %and3A_2165 : vector<128x128xi32>
    %ge3A_2167 = arith.constant 32768 : i32
    %ge3A_2168 = vector.broadcast %ge3A_2167 : i32 to vector<128x128xi32>
    %ge3A_2169 = arith.cmpi sge, %and3A_2160, %ge3A_2168 : vector<128x128xi32>
    %sub3A_2170 = arith.constant 65535 : i32
    %sub3A_2171 = vector.broadcast %sub3A_2170 : i32 to vector<128x128xi32>
    %sub3A_2172 = arith.subi %sub3A_2171, %and3A_2160 : vector<128x128xi32>
    %add3A_2173 = arith.constant 32768 : i32
    %add3A_2174 = vector.broadcast %add3A_2173 : i32 to vector<128x128xi32>
    %add3A_2175 = arith.addi %and3A_2160, %add3A_2174 : vector<128x128xi32>
    %select_n3A_2176 = arith.select %ge3A_2169, %sub3A_2172, %add3A_2175 : vector<128x128xi1>, vector<128x128xi32>
    %ge3A_2177 = arith.constant 32768 : i32
    %ge3A_2178 = vector.broadcast %ge3A_2177 : i32 to vector<128x128xi32>
    %ge3A_2179 = arith.cmpi sge, %and3A_2166, %ge3A_2178 : vector<128x128xi32>
    %sub3A_2180 = arith.constant 65535 : i32
    %sub3A_2181 = vector.broadcast %sub3A_2180 : i32 to vector<128x128xi32>
    %sub3A_2182 = arith.subi %sub3A_2181, %and3A_2166 : vector<128x128xi32>
    %add3A_2183 = arith.constant 32768 : i32
    %add3A_2184 = vector.broadcast %add3A_2183 : i32 to vector<128x128xi32>
    %add3A_2185 = arith.addi %and3A_2166, %add3A_2184 : vector<128x128xi32>
    %select_n3A_2186 = arith.select %ge3A_2179, %sub3A_2182, %add3A_2185 : vector<128x128xi1>, vector<128x128xi32>
    %max3A_2187 = arith.maxsi %select_n3A_2176, %select_n3A_2186 : vector<128x128xi32>
    %reduce_max3A_2188 = arith.constant dense<-2147483648> : vector<128xi32>
    %reduce_max3A_2189 = vector.multi_reduction <maxsi>, %max3A_2187, %reduce_max3A_2188 [1] : vector<128x128xi32> to vector<128xi32>
    %broadcast_in_dim3A_2190 = vector.shape_cast %reduce_max3A_2189 : vector<128xi32> to vector<128x1xi32>
    %get3A_2191 = arith.constant 0 : index
    %get3A_2192 = arith.constant 3712 : index
    %get3A_2193 = vector.load %arg2[%get3A_2191, %get3A_2192] : memref<128x4096xi32, #tpu.memory_space<vmem>>, vector<128x128xi32>
    %and3A_2194 = arith.constant 65535 : i32
    %and3A_2195 = vector.broadcast %and3A_2194 : i32 to vector<128x128xi32>
    %and3A_2196 = arith.andi %get3A_2193, %and3A_2195 : vector<128x128xi32>
    %shift_right_arithmetic3A_2197 = arith.constant 16 : i32
    %shift_right_arithmetic3A_2198 = vector.broadcast %shift_right_arithmetic3A_2197 : i32 to vector<128x128xi32>
    %shift_right_arithmetic3A_2199 = arith.shrsi %get3A_2193, %shift_right_arithmetic3A_2198 : vector<128x128xi32>
    %and3A_2200 = arith.constant 65535 : i32
    %and3A_2201 = vector.broadcast %and3A_2200 : i32 to vector<128x128xi32>
    %and3A_2202 = arith.andi %shift_right_arithmetic3A_2199, %and3A_2201 : vector<128x128xi32>
    %ge3A_2203 = arith.constant 32768 : i32
    %ge3A_2204 = vector.broadcast %ge3A_2203 : i32 to vector<128x128xi32>
    %ge3A_2205 = arith.cmpi sge, %and3A_2196, %ge3A_2204 : vector<128x128xi32>
    %sub3A_2206 = arith.constant 65535 : i32
    %sub3A_2207 = vector.broadcast %sub3A_2206 : i32 to vector<128x128xi32>
    %sub3A_2208 = arith.subi %sub3A_2207, %and3A_2196 : vector<128x128xi32>
    %add3A_2209 = arith.constant 32768 : i32
    %add3A_2210 = vector.broadcast %add3A_2209 : i32 to vector<128x128xi32>
    %add3A_2211 = arith.addi %and3A_2196, %add3A_2210 : vector<128x128xi32>
    %select_n3A_2212 = arith.select %ge3A_2205, %sub3A_2208, %add3A_2211 : vector<128x128xi1>, vector<128x128xi32>
    %ge3A_2213 = arith.constant 32768 : i32
    %ge3A_2214 = vector.broadcast %ge3A_2213 : i32 to vector<128x128xi32>
    %ge3A_2215 = arith.cmpi sge, %and3A_2202, %ge3A_2214 : vector<128x128xi32>
    %sub3A_2216 = arith.constant 65535 : i32
    %sub3A_2217 = vector.broadcast %sub3A_2216 : i32 to vector<128x128xi32>
    %sub3A_2218 = arith.subi %sub3A_2217, %and3A_2202 : vector<128x128xi32>
    %add3A_2219 = arith.constant 32768 : i32
    %add3A_2220 = vector.broadcast %add3A_2219 : i32 to vector<128x128xi32>
    %add3A_2221 = arith.addi %and3A_2202, %add3A_2220 : vector<128x128xi32>
    %select_n3A_2222 = arith.select %ge3A_2215, %sub3A_2218, %add3A_2221 : vector<128x128xi1>, vector<128x128xi32>
    %max3A_2223 = arith.maxsi %select_n3A_2212, %select_n3A_2222 : vector<128x128xi32>
    %reduce_max3A_2224 = arith.constant dense<-2147483648> : vector<128xi32>
    %reduce_max3A_2225 = vector.multi_reduction <maxsi>, %max3A_2223, %reduce_max3A_2224 [1] : vector<128x128xi32> to vector<128xi32>
    %broadcast_in_dim3A_2226 = vector.shape_cast %reduce_max3A_2225 : vector<128xi32> to vector<128x1xi32>
    %get3A_2227 = arith.constant 0 : index
    %get3A_2228 = arith.constant 3840 : index
    %get3A_2229 = vector.load %arg2[%get3A_2227, %get3A_2228] : memref<128x4096xi32, #tpu.memory_space<vmem>>, vector<128x128xi32>
    %and3A_2230 = arith.constant 65535 : i32
    %and3A_2231 = vector.broadcast %and3A_2230 : i32 to vector<128x128xi32>
    %and3A_2232 = arith.andi %get3A_2229, %and3A_2231 : vector<128x128xi32>
    %shift_right_arithmetic3A_2233 = arith.constant 16 : i32
    %shift_right_arithmetic3A_2234 = vector.broadcast %shift_right_arithmetic3A_2233 : i32 to vector<128x128xi32>
    %shift_right_arithmetic3A_2235 = arith.shrsi %get3A_2229, %shift_right_arithmetic3A_2234 : vector<128x128xi32>
    %and3A_2236 = arith.constant 65535 : i32
    %and3A_2237 = vector.broadcast %and3A_2236 : i32 to vector<128x128xi32>
    %and3A_2238 = arith.andi %shift_right_arithmetic3A_2235, %and3A_2237 : vector<128x128xi32>
    %ge3A_2239 = arith.constant 32768 : i32
    %ge3A_2240 = vector.broadcast %ge3A_2239 : i32 to vector<128x128xi32>
    %ge3A_2241 = arith.cmpi sge, %and3A_2232, %ge3A_2240 : vector<128x128xi32>
    %sub3A_2242 = arith.constant 65535 : i32
    %sub3A_2243 = vector.broadcast %sub3A_2242 : i32 to vector<128x128xi32>
    %sub3A_2244 = arith.subi %sub3A_2243, %and3A_2232 : vector<128x128xi32>
    %add3A_2245 = arith.constant 32768 : i32
    %add3A_2246 = vector.broadcast %add3A_2245 : i32 to vector<128x128xi32>
    %add3A_2247 = arith.addi %and3A_2232, %add3A_2246 : vector<128x128xi32>
    %select_n3A_2248 = arith.select %ge3A_2241, %sub3A_2244, %add3A_2247 : vector<128x128xi1>, vector<128x128xi32>
    %ge3A_2249 = arith.constant 32768 : i32
    %ge3A_2250 = vector.broadcast %ge3A_2249 : i32 to vector<128x128xi32>
    %ge3A_2251 = arith.cmpi sge, %and3A_2238, %ge3A_2250 : vector<128x128xi32>
    %sub3A_2252 = arith.constant 65535 : i32
    %sub3A_2253 = vector.broadcast %sub3A_2252 : i32 to vector<128x128xi32>
    %sub3A_2254 = arith.subi %sub3A_2253, %and3A_2238 : vector<128x128xi32>
    %add3A_2255 = arith.constant 32768 : i32
    %add3A_2256 = vector.broadcast %add3A_2255 : i32 to vector<128x128xi32>
    %add3A_2257 = arith.addi %and3A_2238, %add3A_2256 : vector<128x128xi32>
    %select_n3A_2258 = arith.select %ge3A_2251, %sub3A_2254, %add3A_2257 : vector<128x128xi1>, vector<128x128xi32>
    %max3A_2259 = arith.maxsi %select_n3A_2248, %select_n3A_2258 : vector<128x128xi32>
    %reduce_max3A_2260 = arith.constant dense<-2147483648> : vector<128xi32>
    %reduce_max3A_2261 = vector.multi_reduction <maxsi>, %max3A_2259, %reduce_max3A_2260 [1] : vector<128x128xi32> to vector<128xi32>
    %broadcast_in_dim3A_2262 = vector.shape_cast %reduce_max3A_2261 : vector<128xi32> to vector<128x1xi32>
    %get3A_2263 = arith.constant 0 : index
    %get3A_2264 = arith.constant 3968 : index
    %get3A_2265 = vector.load %arg2[%get3A_2263, %get3A_2264] : memref<128x4096xi32, #tpu.memory_space<vmem>>, vector<128x128xi32>
    %and3A_2266 = arith.constant 65535 : i32
    %and3A_2267 = vector.broadcast %and3A_2266 : i32 to vector<128x128xi32>
    %and3A_2268 = arith.andi %get3A_2265, %and3A_2267 : vector<128x128xi32>
    %shift_right_arithmetic3A_2269 = arith.constant 16 : i32
    %shift_right_arithmetic3A_2270 = vector.broadcast %shift_right_arithmetic3A_2269 : i32 to vector<128x128xi32>
    %shift_right_arithmetic3A_2271 = arith.shrsi %get3A_2265, %shift_right_arithmetic3A_2270 : vector<128x128xi32>
    %and3A_2272 = arith.constant 65535 : i32
    %and3A_2273 = vector.broadcast %and3A_2272 : i32 to vector<128x128xi32>
    %and3A_2274 = arith.andi %shift_right_arithmetic3A_2271, %and3A_2273 : vector<128x128xi32>
    %ge3A_2275 = arith.constant 32768 : i32
    %ge3A_2276 = vector.broadcast %ge3A_2275 : i32 to vector<128x128xi32>
    %ge3A_2277 = arith.cmpi sge, %and3A_2268, %ge3A_2276 : vector<128x128xi32>
    %sub3A_2278 = arith.constant 65535 : i32
    %sub3A_2279 = vector.broadcast %sub3A_2278 : i32 to vector<128x128xi32>
    %sub3A_2280 = arith.subi %sub3A_2279, %and3A_2268 : vector<128x128xi32>
    %add3A_2281 = arith.constant 32768 : i32
    %add3A_2282 = vector.broadcast %add3A_2281 : i32 to vector<128x128xi32>
    %add3A_2283 = arith.addi %and3A_2268, %add3A_2282 : vector<128x128xi32>
    %select_n3A_2284 = arith.select %ge3A_2277, %sub3A_2280, %add3A_2283 : vector<128x128xi1>, vector<128x128xi32>
    %ge3A_2285 = arith.constant 32768 : i32
    %ge3A_2286 = vector.broadcast %ge3A_2285 : i32 to vector<128x128xi32>
    %ge3A_2287 = arith.cmpi sge, %and3A_2274, %ge3A_2286 : vector<128x128xi32>
    %sub3A_2288 = arith.constant 65535 : i32
    %sub3A_2289 = vector.broadcast %sub3A_2288 : i32 to vector<128x128xi32>
    %sub3A_2290 = arith.subi %sub3A_2289, %and3A_2274 : vector<128x128xi32>
    %add3A_2291 = arith.constant 32768 : i32
    %add3A_2292 = vector.broadcast %add3A_2291 : i32 to vector<128x128xi32>
    %add3A_2293 = arith.addi %and3A_2274, %add3A_2292 : vector<128x128xi32>
    %select_n3A_2294 = arith.select %ge3A_2287, %sub3A_2290, %add3A_2293 : vector<128x128xi1>, vector<128x128xi32>
    %max3A_2295 = arith.maxsi %select_n3A_2284, %select_n3A_2294 : vector<128x128xi32>
    %reduce_max3A_2296 = arith.constant dense<-2147483648> : vector<128xi32>
    %reduce_max3A_2297 = vector.multi_reduction <maxsi>, %max3A_2295, %reduce_max3A_2296 [1] : vector<128x128xi32> to vector<128xi32>
    %broadcast_in_dim3A_2298 = vector.shape_cast %reduce_max3A_2297 : vector<128xi32> to vector<128x1xi32>
    %concatenate3A_2299 = tpu.concatenate %broadcast_in_dim3A_1182, %broadcast_in_dim3A_1218, %broadcast_in_dim3A_1254, %broadcast_in_dim3A_1290, %broadcast_in_dim3A_1326, %broadcast_in_dim3A_1362, %broadcast_in_dim3A_1398, %broadcast_in_dim3A_1434, %broadcast_in_dim3A_1470, %broadcast_in_dim3A_1506, %broadcast_in_dim3A_1542, %broadcast_in_dim3A_1578, %broadcast_in_dim3A_1614, %broadcast_in_dim3A_1650, %broadcast_in_dim3A_1686, %broadcast_in_dim3A_1722, %broadcast_in_dim3A_1758, %broadcast_in_dim3A_1794, %broadcast_in_dim3A_1830, %broadcast_in_dim3A_1866, %broadcast_in_dim3A_1902, %broadcast_in_dim3A_1938, %broadcast_in_dim3A_1974, %broadcast_in_dim3A_2010, %broadcast_in_dim3A_2046, %broadcast_in_dim3A_2082, %broadcast_in_dim3A_2118, %broadcast_in_dim3A_2154, %broadcast_in_dim3A_2190, %broadcast_in_dim3A_2226, %broadcast_in_dim3A_2262, %broadcast_in_dim3A_2298 in 1 : vector<128x1xi32>, vector<128x1xi32>, vector<128x1xi32>, vector<128x1xi32>, vector<128x1xi32>, vector<128x1xi32>, vector<128x1xi32>, vector<128x1xi32>, vector<128x1xi32>, vector<128x1xi32>, vector<128x1xi32>, vector<128x1xi32>, vector<128x1xi32>, vector<128x1xi32>, vector<128x1xi32>, vector<128x1xi32>, vector<128x1xi32>, vector<128x1xi32>, vector<128x1xi32>, vector<128x1xi32>, vector<128x1xi32>, vector<128x1xi32>, vector<128x1xi32>, vector<128x1xi32>, vector<128x1xi32>, vector<128x1xi32>, vector<128x1xi32>, vector<128x1xi32>, vector<128x1xi32>, vector<128x1xi32>, vector<128x1xi32>, vector<128x1xi32> -> vector<128x32xi32>
    %swap3A_2300 = arith.index_cast %arg0 : i32 to index
    %swap3A_2301 = arith.constant 0 : index
    %swap3A_2302 = arith.constant 0 : index
    %swap3A_2303 = vector.load %arg6[%swap3A_2300, %swap3A_2301, %swap3A_2302] : memref<4x128x32xi32, #tpu.memory_space<vmem>>, vector<1x128x32xi32>
    %swap3A_2304 = vector.shape_cast %swap3A_2303 : vector<1x128x32xi32> to vector<128x32xi32>
    %swap3A_2305 = vector.shape_cast %concatenate3A_2299 : vector<128x32xi32> to vector<1x128x32xi32>
    tpu.vector_store %arg6[%swap3A_2300, %swap3A_2301, %swap3A_2302], %swap3A_2305 {strides = array<i32>} : memref<4x128x32xi32, #tpu.memory_space<vmem>>, vector<1x128x32xi32>,
    %eq3A = arith.constant 3 : i32
    %eq3A_2306 = arith.cmpi eq, %arg0, %eq3A : i32
    %convert_element_type3A = arith.extui %eq3A_2306 : i1 to i32
    %cond3A = arith.constant 0 : i32
    %cond3A_2307 = arith.cmpi ne, %convert_element_type3A, %cond3A : i32
    scf.if %cond3A_2307 {
      %get3A_2308 = arith.constant 0 : index
      %get3A_2309 = arith.constant 0 : index
      %get3A_2310 = arith.constant 0 : index
      %get3A_2311 = vector.load %arg5[%get3A_2308, %get3A_2309, %get3A_2310] : memref<4x128x32xi32, #tpu.memory_space<vmem>>, vector<1x128x32xi32>
      %get3A_2312 = vector.shape_cast %get3A_2311 : vector<1x128x32xi32> to vector<128x32xi32>
      %get3A_2313 = arith.constant 1 : index
      %get3A_2314 = arith.constant 0 : index
      %get3A_2315 = arith.constant 0 : index
      %get3A_2316 = vector.load %arg5[%get3A_2313, %get3A_2314, %get3A_2315] : memref<4x128x32xi32, #tpu.memory_space<vmem>>, vector<1x128x32xi32>
      %get3A_2317 = vector.shape_cast %get3A_2316 : vector<1x128x32xi32> to vector<128x32xi32>
      %get3A_2318 = arith.constant 2 : index
      %get3A_2319 = arith.constant 0 : index
      %get3A_2320 = arith.constant 0 : index
      %get3A_2321 = vector.load %arg5[%get3A_2318, %get3A_2319, %get3A_2320] : memref<4x128x32xi32, #tpu.memory_space<vmem>>, vector<1x128x32xi32>
      %get3A_2322 = vector.shape_cast %get3A_2321 : vector<1x128x32xi32> to vector<128x32xi32>
      %get3A_2323 = arith.constant 3 : index
      %get3A_2324 = arith.constant 0 : index
      %get3A_2325 = arith.constant 0 : index
      %get3A_2326 = vector.load %arg5[%get3A_2323, %get3A_2324, %get3A_2325] : memref<4x128x32xi32, #tpu.memory_space<vmem>>, vector<1x128x32xi32>
      %get3A_2327 = vector.shape_cast %get3A_2326 : vector<1x128x32xi32> to vector<128x32xi32>
      %concatenate3A_2328 = tpu.concatenate %get3A_2312, %get3A_2317, %get3A_2322, %get3A_2327 in 1 : vector<128x32xi32>, vector<128x32xi32>, vector<128x32xi32>, vector<128x32xi32> -> vector<128x128xi32>
      %iota3A = tpu.iota {dimensions = array<i32: 1>} : vector<128x128xi32>
      %reduce_max3A_2329 = arith.constant dense<-2147483648> : vector<128xi32>
      %reduce_max3A_2330 = vector.multi_reduction <maxsi>, %concatenate3A_2328, %reduce_max3A_2329 [1] : vector<128x128xi32> to vector<128xi32>
      %broadcast_in_dim3A_2331 = vector.shape_cast %reduce_max3A_2330 : vector<128xi32> to vector<128x1xi32>
      %eq3A_2332 = vector.broadcast %broadcast_in_dim3A_2331 : vector<128x1xi32> to vector<128x128xi32>
      %eq3A_2333 = arith.cmpi eq, %concatenate3A_2328, %eq3A_2332 : vector<128x128xi32>
      %jit3A = arith.constant 128 : i32
      %broadcast_in_dim3A_2334 = vector.broadcast %jit3A : i32 to vector<128x128xi32>
      %select_n3A_2335 = arith.select %eq3A_2333, %iota3A, %broadcast_in_dim3A_2334 : vector<128x128xi1>, vector<128x128xi32>
      %reduce_min3A = arith.constant dense<2147483647> : vector<128xi32>
      %reduce_min3A_2336 = vector.multi_reduction <minsi>, %select_n3A_2335, %reduce_min3A [1] : vector<128x128xi32> to vector<128xi32>
      %broadcast_in_dim3A_2337 = vector.shape_cast %reduce_min3A_2336 : vector<128xi32> to vector<128x1xi32>
      %eq3A_2338 = vector.broadcast %broadcast_in_dim3A_2337 : vector<128x1xi32> to vector<128x128xi32>
      %eq3A_2339 = arith.cmpi eq, %iota3A, %eq3A_2338 : vector<128x128xi32>
      %jit3A_2340 = arith.constant -1 : i32
      %broadcast_in_dim3A_2341 = vector.broadcast %jit3A_2340 : i32 to vector<128x128xi32>
      %select_n3A_2342 = arith.select %eq3A_2339, %broadcast_in_dim3A_2341, %concatenate3A_2328 : vector<128x128xi1>, vector<128x128xi32>
      %reduce_max3A_2343 = arith.constant dense<-2147483648> : vector<128xi32>
      %reduce_max3A_2344 = vector.multi_reduction <maxsi>, %select_n3A_2342, %reduce_max3A_2343 [1] : vector<128x128xi32> to vector<128xi32>
      %broadcast_in_dim3A_2345 = vector.shape_cast %reduce_max3A_2344 : vector<128xi32> to vector<128x1xi32>
      %eq3A_2346 = vector.broadcast %broadcast_in_dim3A_2345 : vector<128x1xi32> to vector<128x128xi32>
      %eq3A_2347 = arith.cmpi eq, %select_n3A_2342, %eq3A_2346 : vector<128x128xi32>
      %jit3A_2348 = arith.constant 128 : i32
      %broadcast_in_dim3A_2349 = vector.broadcast %jit3A_2348 : i32 to vector<128x128xi32>
      %select_n3A_2350 = arith.select %eq3A_2347, %iota3A, %broadcast_in_dim3A_2349 : vector<128x128xi1>, vector<128x128xi32>
      %reduce_min3A_2351 = arith.constant dense<2147483647> : vector<128xi32>
      %reduce_min3A_2352 = vector.multi_reduction <minsi>, %select_n3A_2350, %reduce_min3A_2351 [1] : vector<128x128xi32> to vector<128xi32>
      %broadcast_in_dim3A_2353 = vector.shape_cast %reduce_min3A_2352 : vector<128xi32> to vector<128x1xi32>
      %eq3A_2354 = vector.broadcast %broadcast_in_dim3A_2353 : vector<128x1xi32> to vector<128x128xi32>
      %eq3A_2355 = arith.cmpi eq, %iota3A, %eq3A_2354 : vector<128x128xi32>
      %jit3A_2356 = arith.constant -1 : i32
      %broadcast_in_dim3A_2357 = vector.broadcast %jit3A_2356 : i32 to vector<128x128xi32>
      %select_n3A_2358 = arith.select %eq3A_2355, %broadcast_in_dim3A_2357, %select_n3A_2342 : vector<128x128xi1>, vector<128x128xi32>
      %reduce_max3A_2359 = arith.constant dense<-2147483648> : vector<128xi32>
      %reduce_max3A_2360 = vector.multi_reduction <maxsi>, %select_n3A_2358, %reduce_max3A_2359 [1] : vector<128x128xi32> to vector<128xi32>
      %broadcast_in_dim3A_2361 = vector.shape_cast %reduce_max3A_2360 : vector<128xi32> to vector<128x1xi32>
      %eq3A_2362 = vector.broadcast %broadcast_in_dim3A_2361 : vector<128x1xi32> to vector<128x128xi32>
      %eq3A_2363 = arith.cmpi eq, %select_n3A_2358, %eq3A_2362 : vector<128x128xi32>
      %jit3A_2364 = arith.constant 128 : i32
      %broadcast_in_dim3A_2365 = vector.broadcast %jit3A_2364 : i32 to vector<128x128xi32>
      %select_n3A_2366 = arith.select %eq3A_2363, %iota3A, %broadcast_in_dim3A_2365 : vector<128x128xi1>, vector<128x128xi32>
      %reduce_min3A_2367 = arith.constant dense<2147483647> : vector<128xi32>
      %reduce_min3A_2368 = vector.multi_reduction <minsi>, %select_n3A_2366, %reduce_min3A_2367 [1] : vector<128x128xi32> to vector<128xi32>
      %broadcast_in_dim3A_2369 = vector.shape_cast %reduce_min3A_2368 : vector<128xi32> to vector<128x1xi32>
      %eq3A_2370 = vector.broadcast %broadcast_in_dim3A_2369 : vector<128x1xi32> to vector<128x128xi32>
      %eq3A_2371 = arith.cmpi eq, %iota3A, %eq3A_2370 : vector<128x128xi32>
      %jit3A_2372 = arith.constant -1 : i32
      %broadcast_in_dim3A_2373 = vector.broadcast %jit3A_2372 : i32 to vector<128x128xi32>
      %select_n3A_2374 = arith.select %eq3A_2371, %broadcast_in_dim3A_2373, %select_n3A_2358 : vector<128x128xi1>, vector<128x128xi32>
      %reduce_max3A_2375 = arith.constant dense<-2147483648> : vector<128xi32>
      %reduce_max3A_2376 = vector.multi_reduction <maxsi>, %select_n3A_2374, %reduce_max3A_2375 [1] : vector<128x128xi32> to vector<128xi32>
      %broadcast_in_dim3A_2377 = vector.shape_cast %reduce_max3A_2376 : vector<128xi32> to vector<128x1xi32>
      %eq3A_2378 = vector.broadcast %broadcast_in_dim3A_2377 : vector<128x1xi32> to vector<128x128xi32>
      %eq3A_2379 = arith.cmpi eq, %select_n3A_2374, %eq3A_2378 : vector<128x128xi32>
      %jit3A_2380 = arith.constant 128 : i32
      %broadcast_in_dim3A_2381 = vector.broadcast %jit3A_2380 : i32 to vector<128x128xi32>
      %select_n3A_2382 = arith.select %eq3A_2379, %iota3A, %broadcast_in_dim3A_2381 : vector<128x128xi1>, vector<128x128xi32>
      %reduce_min3A_2383 = arith.constant dense<2147483647> : vector<128xi32>
      %reduce_min3A_2384 = vector.multi_reduction <minsi>, %select_n3A_2382, %reduce_min3A_2383 [1] : vector<128x128xi32> to vector<128xi32>
      %broadcast_in_dim3A_2385 = vector.shape_cast %reduce_min3A_2384 : vector<128xi32> to vector<128x1xi32>
      %eq3A_2386 = vector.broadcast %broadcast_in_dim3A_2385 : vector<128x1xi32> to vector<128x128xi32>
      %eq3A_2387 = arith.cmpi eq, %iota3A, %eq3A_2386 : vector<128x128xi32>
      %jit3A_2388 = arith.constant -1 : i32
      %broadcast_in_dim3A_2389 = vector.broadcast %jit3A_2388 : i32 to vector<128x128xi32>
      %select_n3A_2390 = arith.select %eq3A_2387, %broadcast_in_dim3A_2389, %select_n3A_2374 : vector<128x128xi1>, vector<128x128xi32>
      %reduce_max3A_2391 = arith.constant dense<-2147483648> : vector<128xi32>
      %reduce_max3A_2392 = vector.multi_reduction <maxsi>, %select_n3A_2390, %reduce_max3A_2391 [1] : vector<128x128xi32> to vector<128xi32>
      %broadcast_in_dim3A_2393 = vector.shape_cast %reduce_max3A_2392 : vector<128xi32> to vector<128x1xi32>
      %eq3A_2394 = vector.broadcast %broadcast_in_dim3A_2393 : vector<128x1xi32> to vector<128x128xi32>
      %eq3A_2395 = arith.cmpi eq, %select_n3A_2390, %eq3A_2394 : vector<128x128xi32>
      %jit3A_2396 = arith.constant 128 : i32
      %broadcast_in_dim3A_2397 = vector.broadcast %jit3A_2396 : i32 to vector<128x128xi32>
      %select_n3A_2398 = arith.select %eq3A_2395, %iota3A, %broadcast_in_dim3A_2397 : vector<128x128xi1>, vector<128x128xi32>
      %reduce_min3A_2399 = arith.constant dense<2147483647> : vector<128xi32>
      %reduce_min3A_2400 = vector.multi_reduction <minsi>, %select_n3A_2398, %reduce_min3A_2399 [1] : vector<128x128xi32> to vector<128xi32>
      %broadcast_in_dim3A_2401 = vector.shape_cast %reduce_min3A_2400 : vector<128xi32> to vector<128x1xi32>
      %eq3A_2402 = vector.broadcast %broadcast_in_dim3A_2401 : vector<128x1xi32> to vector<128x128xi32>
      %eq3A_2403 = arith.cmpi eq, %iota3A, %eq3A_2402 : vector<128x128xi32>
      %jit3A_2404 = arith.constant -1 : i32
      %broadcast_in_dim3A_2405 = vector.broadcast %jit3A_2404 : i32 to vector<128x128xi32>
      %select_n3A_2406 = arith.select %eq3A_2403, %broadcast_in_dim3A_2405, %select_n3A_2390 : vector<128x128xi1>, vector<128x128xi32>
      %reduce_max3A_2407 = arith.constant dense<-2147483648> : vector<128xi32>
      %reduce_max3A_2408 = vector.multi_reduction <maxsi>, %select_n3A_2406, %reduce_max3A_2407 [1] : vector<128x128xi32> to vector<128xi32>
      %broadcast_in_dim3A_2409 = vector.shape_cast %reduce_max3A_2408 : vector<128xi32> to vector<128x1xi32>
      %eq3A_2410 = vector.broadcast %broadcast_in_dim3A_2409 : vector<128x1xi32> to vector<128x128xi32>
      %eq3A_2411 = arith.cmpi eq, %select_n3A_2406, %eq3A_2410 : vector<128x128xi32>
      %jit3A_2412 = arith.constant 128 : i32
      %broadcast_in_dim3A_2413 = vector.broadcast %jit3A_2412 : i32 to vector<128x128xi32>
      %select_n3A_2414 = arith.select %eq3A_2411, %iota3A, %broadcast_in_dim3A_2413 : vector<128x128xi1>, vector<128x128xi32>
      %reduce_min3A_2415 = arith.constant dense<2147483647> : vector<128xi32>
      %reduce_min3A_2416 = vector.multi_reduction <minsi>, %select_n3A_2414, %reduce_min3A_2415 [1] : vector<128x128xi32> to vector<128xi32>
      %broadcast_in_dim3A_2417 = vector.shape_cast %reduce_min3A_2416 : vector<128xi32> to vector<128x1xi32>
      %eq3A_2418 = vector.broadcast %broadcast_in_dim3A_2417 : vector<128x1xi32> to vector<128x128xi32>
      %eq3A_2419 = arith.cmpi eq, %iota3A, %eq3A_2418 : vector<128x128xi32>
      %jit3A_2420 = arith.constant -1 : i32
      %broadcast_in_dim3A_2421 = vector.broadcast %jit3A_2420 : i32 to vector<128x128xi32>
      %select_n3A_2422 = arith.select %eq3A_2419, %broadcast_in_dim3A_2421, %select_n3A_2406 : vector<128x128xi1>, vector<128x128xi32>
      %reduce_max3A_2423 = arith.constant dense<-2147483648> : vector<128xi32>
      %reduce_max3A_2424 = vector.multi_reduction <maxsi>, %select_n3A_2422, %reduce_max3A_2423 [1] : vector<128x128xi32> to vector<128xi32>
      %broadcast_in_dim3A_2425 = vector.shape_cast %reduce_max3A_2424 : vector<128xi32> to vector<128x1xi32>
      %eq3A_2426 = vector.broadcast %broadcast_in_dim3A_2425 : vector<128x1xi32> to vector<128x128xi32>
      %eq3A_2427 = arith.cmpi eq, %select_n3A_2422, %eq3A_2426 : vector<128x128xi32>
      %jit3A_2428 = arith.constant 128 : i32
      %broadcast_in_dim3A_2429 = vector.broadcast %jit3A_2428 : i32 to vector<128x128xi32>
      %select_n3A_2430 = arith.select %eq3A_2427, %iota3A, %broadcast_in_dim3A_2429 : vector<128x128xi1>, vector<128x128xi32>
      %reduce_min3A_2431 = arith.constant dense<2147483647> : vector<128xi32>
      %reduce_min3A_2432 = vector.multi_reduction <minsi>, %select_n3A_2430, %reduce_min3A_2431 [1] : vector<128x128xi32> to vector<128xi32>
      %broadcast_in_dim3A_2433 = vector.shape_cast %reduce_min3A_2432 : vector<128xi32> to vector<128x1xi32>
      %eq3A_2434 = vector.broadcast %broadcast_in_dim3A_2433 : vector<128x1xi32> to vector<128x128xi32>
      %eq3A_2435 = arith.cmpi eq, %iota3A, %eq3A_2434 : vector<128x128xi32>
      %jit3A_2436 = arith.constant -1 : i32
      %broadcast_in_dim3A_2437 = vector.broadcast %jit3A_2436 : i32 to vector<128x128xi32>
      %select_n3A_2438 = arith.select %eq3A_2435, %broadcast_in_dim3A_2437, %select_n3A_2422 : vector<128x128xi1>, vector<128x128xi32>
      %reduce_max3A_2439 = arith.constant dense<-2147483648> : vector<128xi32>
      %reduce_max3A_2440 = vector.multi_reduction <maxsi>, %select_n3A_2438, %reduce_max3A_2439 [1] : vector<128x128xi32> to vector<128xi32>
      %broadcast_in_dim3A_2441 = vector.shape_cast %reduce_max3A_2440 : vector<128xi32> to vector<128x1xi32>
      %eq3A_2442 = vector.broadcast %broadcast_in_dim3A_2441 : vector<128x1xi32> to vector<128x128xi32>
      %eq3A_2443 = arith.cmpi eq, %select_n3A_2438, %eq3A_2442 : vector<128x128xi32>
      %jit3A_2444 = arith.constant 128 : i32
      %broadcast_in_dim3A_2445 = vector.broadcast %jit3A_2444 : i32 to vector<128x128xi32>
      %select_n3A_2446 = arith.select %eq3A_2443, %iota3A, %broadcast_in_dim3A_2445 : vector<128x128xi1>, vector<128x128xi32>
      %reduce_min3A_2447 = arith.constant dense<2147483647> : vector<128xi32>
      %reduce_min3A_2448 = vector.multi_reduction <minsi>, %select_n3A_2446, %reduce_min3A_2447 [1] : vector<128x128xi32> to vector<128xi32>
      %broadcast_in_dim3A_2449 = vector.shape_cast %reduce_min3A_2448 : vector<128xi32> to vector<128x1xi32>
      %eq3A_2450 = vector.broadcast %broadcast_in_dim3A_2449 : vector<128x1xi32> to vector<128x128xi32>
      %eq3A_2451 = arith.cmpi eq, %iota3A, %eq3A_2450 : vector<128x128xi32>
      %jit3A_2452 = arith.constant -1 : i32
      %broadcast_in_dim3A_2453 = vector.broadcast %jit3A_2452 : i32 to vector<128x128xi32>
      %select_n3A_2454 = arith.select %eq3A_2451, %broadcast_in_dim3A_2453, %select_n3A_2438 : vector<128x128xi1>, vector<128x128xi32>
      %reduce_max3A_2455 = arith.constant dense<-2147483648> : vector<128xi32>
      %reduce_max3A_2456 = vector.multi_reduction <maxsi>, %select_n3A_2454, %reduce_max3A_2455 [1] : vector<128x128xi32> to vector<128xi32>
      %broadcast_in_dim3A_2457 = vector.shape_cast %reduce_max3A_2456 : vector<128xi32> to vector<128x1xi32>
      %eq3A_2458 = vector.broadcast %broadcast_in_dim3A_2457 : vector<128x1xi32> to vector<128x128xi32>
      %eq3A_2459 = arith.cmpi eq, %select_n3A_2454, %eq3A_2458 : vector<128x128xi32>
      %jit3A_2460 = arith.constant 128 : i32
      %broadcast_in_dim3A_2461 = vector.broadcast %jit3A_2460 : i32 to vector<128x128xi32>
      %select_n3A_2462 = arith.select %eq3A_2459, %iota3A, %broadcast_in_dim3A_2461 : vector<128x128xi1>, vector<128x128xi32>
      %reduce_min3A_2463 = arith.constant dense<2147483647> : vector<128xi32>
      %reduce_min3A_2464 = vector.multi_reduction <minsi>, %select_n3A_2462, %reduce_min3A_2463 [1] : vector<128x128xi32> to vector<128xi32>
      %broadcast_in_dim3A_2465 = vector.shape_cast %reduce_min3A_2464 : vector<128xi32> to vector<128x1xi32>
      %eq3A_2466 = vector.broadcast %broadcast_in_dim3A_2465 : vector<128x1xi32> to vector<128x128xi32>
      %eq3A_2467 = arith.cmpi eq, %iota3A, %eq3A_2466 : vector<128x128xi32>
      %jit3A_2468 = arith.constant -1 : i32
      %broadcast_in_dim3A_2469 = vector.broadcast %jit3A_2468 : i32 to vector<128x128xi32>
      %select_n3A_2470 = arith.select %eq3A_2467, %broadcast_in_dim3A_2469, %select_n3A_2454 : vector<128x128xi1>, vector<128x128xi32>
      %reduce_max3A_2471 = arith.constant dense<-2147483648> : vector<128xi32>
      %reduce_max3A_2472 = vector.multi_reduction <maxsi>, %select_n3A_2470, %reduce_max3A_2471 [1] : vector<128x128xi32> to vector<128xi32>
      %broadcast_in_dim3A_2473 = vector.shape_cast %reduce_max3A_2472 : vector<128xi32> to vector<128x1xi32>
      %eq3A_2474 = vector.broadcast %broadcast_in_dim3A_2473 : vector<128x1xi32> to vector<128x128xi32>
      %eq3A_2475 = arith.cmpi eq, %select_n3A_2470, %eq3A_2474 : vector<128x128xi32>
      %jit3A_2476 = arith.constant 128 : i32
      %broadcast_in_dim3A_2477 = vector.broadcast %jit3A_2476 : i32 to vector<128x128xi32>
      %select_n3A_2478 = arith.select %eq3A_2475, %iota3A, %broadcast_in_dim3A_2477 : vector<128x128xi1>, vector<128x128xi32>
      %reduce_min3A_2479 = arith.constant dense<2147483647> : vector<128xi32>
      %reduce_min3A_2480 = vector.multi_reduction <minsi>, %select_n3A_2478, %reduce_min3A_2479 [1] : vector<128x128xi32> to vector<128xi32>
      %broadcast_in_dim3A_2481 = vector.shape_cast %reduce_min3A_2480 : vector<128xi32> to vector<128x1xi32>
      %iota3A_2482 = tpu.iota {dimensions = array<i32: 0>} : vector<128x10xi32>
      %concatenate3A_2483 = tpu.concatenate %broadcast_in_dim3A_2337, %broadcast_in_dim3A_2353, %broadcast_in_dim3A_2369, %broadcast_in_dim3A_2385, %broadcast_in_dim3A_2401, %broadcast_in_dim3A_2417, %broadcast_in_dim3A_2433, %broadcast_in_dim3A_2449, %broadcast_in_dim3A_2465, %broadcast_in_dim3A_2481 in 1 : vector<128x1xi32>, vector<128x1xi32>, vector<128x1xi32>, vector<128x1xi32>, vector<128x1xi32>, vector<128x1xi32>, vector<128x1xi32>, vector<128x1xi32>, vector<128x1xi32>, vector<128x1xi32> -> vector<128x10xi32>
      %mul3A = arith.constant 128 : i32
      %mul3A_2484 = vector.broadcast %mul3A : i32 to vector<128x10xi32>
      %mul3A_2485 = arith.muli %iota3A_2482, %mul3A_2484 : vector<128x10xi32>
      %add3A_2486 = arith.addi %concatenate3A_2483, %mul3A_2485 : vector<128x10xi32>
      %swap3A_2487 = arith.constant 0 : index
      %swap3A_2488 = arith.constant 0 : index
      %swap3A_2489 = vector.load %arg3[%swap3A_2487, %swap3A_2488] : memref<128x10xi32, #tpu.memory_space<vmem>>, vector<128x10xi32>
      tpu.vector_store %arg3[%swap3A_2487, %swap3A_2488], %add3A_2486 {strides = array<i32>} : memref<128x10xi32, #tpu.memory_space<vmem>>, vector<128x10xi32>,
      %get3A_2490 = arith.constant 0 : index
      %get3A_2491 = arith.constant 0 : index
      %get3A_2492 = arith.constant 0 : index
      %get3A_2493 = vector.load %arg6[%get3A_2490, %get3A_2491, %get3A_2492] : memref<4x128x32xi32, #tpu.memory_space<vmem>>, vector<1x128x32xi32>
      %get3A_2494 = vector.shape_cast %get3A_2493 : vector<1x128x32xi32> to vector<128x32xi32>
      %get3A_2495 = arith.constant 1 : index
      %get3A_2496 = arith.constant 0 : index
      %get3A_2497 = arith.constant 0 : index
      %get3A_2498 = vector.load %arg6[%get3A_2495, %get3A_2496, %get3A_2497] : memref<4x128x32xi32, #tpu.memory_space<vmem>>, vector<1x128x32xi32>
      %get3A_2499 = vector.shape_cast %get3A_2498 : vector<1x128x32xi32> to vector<128x32xi32>
      %get3A_2500 = arith.constant 2 : index
      %get3A_2501 = arith.constant 0 : index
      %get3A_2502 = arith.constant 0 : index
      %get3A_2503 = vector.load %arg6[%get3A_2500, %get3A_2501, %get3A_2502] : memref<4x128x32xi32, #tpu.memory_space<vmem>>, vector<1x128x32xi32>
      %get3A_2504 = vector.shape_cast %get3A_2503 : vector<1x128x32xi32> to vector<128x32xi32>
      %get3A_2505 = arith.constant 3 : index
      %get3A_2506 = arith.constant 0 : index
      %get3A_2507 = arith.constant 0 : index
      %get3A_2508 = vector.load %arg6[%get3A_2505, %get3A_2506, %get3A_2507] : memref<4x128x32xi32, #tpu.memory_space<vmem>>, vector<1x128x32xi32>
      %get3A_2509 = vector.shape_cast %get3A_2508 : vector<1x128x32xi32> to vector<128x32xi32>
      %concatenate3A_2510 = tpu.concatenate %get3A_2494, %get3A_2499, %get3A_2504, %get3A_2509 in 1 : vector<128x32xi32>, vector<128x32xi32>, vector<128x32xi32>, vector<128x32xi32> -> vector<128x128xi32>
      %iota3A_2511 = tpu.iota {dimensions = array<i32: 1>} : vector<128x128xi32>
      %reduce_max3A_2512 = arith.constant dense<-2147483648> : vector<128xi32>
      %reduce_max3A_2513 = vector.multi_reduction <maxsi>, %concatenate3A_2510, %reduce_max3A_2512 [1] : vector<128x128xi32> to vector<128xi32>
      %broadcast_in_dim3A_2514 = vector.shape_cast %reduce_max3A_2513 : vector<128xi32> to vector<128x1xi32>
      %eq3A_2515 = vector.broadcast %broadcast_in_dim3A_2514 : vector<128x1xi32> to vector<128x128xi32>
      %eq3A_2516 = arith.cmpi eq, %concatenate3A_2510, %eq3A_2515 : vector<128x128xi32>
      %jit3A_2517 = arith.constant 128 : i32
      %broadcast_in_dim3A_2518 = vector.broadcast %jit3A_2517 : i32 to vector<128x128xi32>
      %select_n3A_2519 = arith.select %eq3A_2516, %iota3A_2511, %broadcast_in_dim3A_2518 : vector<128x128xi1>, vector<128x128xi32>
      %reduce_min3A_2520 = arith.constant dense<2147483647> : vector<128xi32>
      %reduce_min3A_2521 = vector.multi_reduction <minsi>, %select_n3A_2519, %reduce_min3A_2520 [1] : vector<128x128xi32> to vector<128xi32>
      %broadcast_in_dim3A_2522 = vector.shape_cast %reduce_min3A_2521 : vector<128xi32> to vector<128x1xi32>
      %eq3A_2523 = vector.broadcast %broadcast_in_dim3A_2522 : vector<128x1xi32> to vector<128x128xi32>
      %eq3A_2524 = arith.cmpi eq, %iota3A_2511, %eq3A_2523 : vector<128x128xi32>
      %jit3A_2525 = arith.constant -1 : i32
      %broadcast_in_dim3A_2526 = vector.broadcast %jit3A_2525 : i32 to vector<128x128xi32>
      %select_n3A_2527 = arith.select %eq3A_2524, %broadcast_in_dim3A_2526, %concatenate3A_2510 : vector<128x128xi1>, vector<128x128xi32>
      %reduce_max3A_2528 = arith.constant dense<-2147483648> : vector<128xi32>
      %reduce_max3A_2529 = vector.multi_reduction <maxsi>, %select_n3A_2527, %reduce_max3A_2528 [1] : vector<128x128xi32> to vector<128xi32>
      %broadcast_in_dim3A_2530 = vector.shape_cast %reduce_max3A_2529 : vector<128xi32> to vector<128x1xi32>
      %eq3A_2531 = vector.broadcast %broadcast_in_dim3A_2530 : vector<128x1xi32> to vector<128x128xi32>
      %eq3A_2532 = arith.cmpi eq, %select_n3A_2527, %eq3A_2531 : vector<128x128xi32>
      %jit3A_2533 = arith.constant 128 : i32
      %broadcast_in_dim3A_2534 = vector.broadcast %jit3A_2533 : i32 to vector<128x128xi32>
      %select_n3A_2535 = arith.select %eq3A_2532, %iota3A_2511, %broadcast_in_dim3A_2534 : vector<128x128xi1>, vector<128x128xi32>
      %reduce_min3A_2536 = arith.constant dense<2147483647> : vector<128xi32>
      %reduce_min3A_2537 = vector.multi_reduction <minsi>, %select_n3A_2535, %reduce_min3A_2536 [1] : vector<128x128xi32> to vector<128xi32>
      %broadcast_in_dim3A_2538 = vector.shape_cast %reduce_min3A_2537 : vector<128xi32> to vector<128x1xi32>
      %eq3A_2539 = vector.broadcast %broadcast_in_dim3A_2538 : vector<128x1xi32> to vector<128x128xi32>
      %eq3A_2540 = arith.cmpi eq, %iota3A_2511, %eq3A_2539 : vector<128x128xi32>
      %jit3A_2541 = arith.constant -1 : i32
      %broadcast_in_dim3A_2542 = vector.broadcast %jit3A_2541 : i32 to vector<128x128xi32>
      %select_n3A_2543 = arith.select %eq3A_2540, %broadcast_in_dim3A_2542, %select_n3A_2527 : vector<128x128xi1>, vector<128x128xi32>
      %reduce_max3A_2544 = arith.constant dense<-2147483648> : vector<128xi32>
      %reduce_max3A_2545 = vector.multi_reduction <maxsi>, %select_n3A_2543, %reduce_max3A_2544 [1] : vector<128x128xi32> to vector<128xi32>
      %broadcast_in_dim3A_2546 = vector.shape_cast %reduce_max3A_2545 : vector<128xi32> to vector<128x1xi32>
      %eq3A_2547 = vector.broadcast %broadcast_in_dim3A_2546 : vector<128x1xi32> to vector<128x128xi32>
      %eq3A_2548 = arith.cmpi eq, %select_n3A_2543, %eq3A_2547 : vector<128x128xi32>
      %jit3A_2549 = arith.constant 128 : i32
      %broadcast_in_dim3A_2550 = vector.broadcast %jit3A_2549 : i32 to vector<128x128xi32>
      %select_n3A_2551 = arith.select %eq3A_2548, %iota3A_2511, %broadcast_in_dim3A_2550 : vector<128x128xi1>, vector<128x128xi32>
      %reduce_min3A_2552 = arith.constant dense<2147483647> : vector<128xi32>
      %reduce_min3A_2553 = vector.multi_reduction <minsi>, %select_n3A_2551, %reduce_min3A_2552 [1] : vector<128x128xi32> to vector<128xi32>
      %broadcast_in_dim3A_2554 = vector.shape_cast %reduce_min3A_2553 : vector<128xi32> to vector<128x1xi32>
      %eq3A_2555 = vector.broadcast %broadcast_in_dim3A_2554 : vector<128x1xi32> to vector<128x128xi32>
      %eq3A_2556 = arith.cmpi eq, %iota3A_2511, %eq3A_2555 : vector<128x128xi32>
      %jit3A_2557 = arith.constant -1 : i32
      %broadcast_in_dim3A_2558 = vector.broadcast %jit3A_2557 : i32 to vector<128x128xi32>
      %select_n3A_2559 = arith.select %eq3A_2556, %broadcast_in_dim3A_2558, %select_n3A_2543 : vector<128x128xi1>, vector<128x128xi32>
      %reduce_max3A_2560 = arith.constant dense<-2147483648> : vector<128xi32>
      %reduce_max3A_2561 = vector.multi_reduction <maxsi>, %select_n3A_2559, %reduce_max3A_2560 [1] : vector<128x128xi32> to vector<128xi32>
      %broadcast_in_dim3A_2562 = vector.shape_cast %reduce_max3A_2561 : vector<128xi32> to vector<128x1xi32>
      %eq3A_2563 = vector.broadcast %broadcast_in_dim3A_2562 : vector<128x1xi32> to vector<128x128xi32>
      %eq3A_2564 = arith.cmpi eq, %select_n3A_2559, %eq3A_2563 : vector<128x128xi32>
      %jit3A_2565 = arith.constant 128 : i32
      %broadcast_in_dim3A_2566 = vector.broadcast %jit3A_2565 : i32 to vector<128x128xi32>
      %select_n3A_2567 = arith.select %eq3A_2564, %iota3A_2511, %broadcast_in_dim3A_2566 : vector<128x128xi1>, vector<128x128xi32>
      %reduce_min3A_2568 = arith.constant dense<2147483647> : vector<128xi32>
      %reduce_min3A_2569 = vector.multi_reduction <minsi>, %select_n3A_2567, %reduce_min3A_2568 [1] : vector<128x128xi32> to vector<128xi32>
      %broadcast_in_dim3A_2570 = vector.shape_cast %reduce_min3A_2569 : vector<128xi32> to vector<128x1xi32>
      %eq3A_2571 = vector.broadcast %broadcast_in_dim3A_2570 : vector<128x1xi32> to vector<128x128xi32>
      %eq3A_2572 = arith.cmpi eq, %iota3A_2511, %eq3A_2571 : vector<128x128xi32>
      %jit3A_2573 = arith.constant -1 : i32
      %broadcast_in_dim3A_2574 = vector.broadcast %jit3A_2573 : i32 to vector<128x128xi32>
      %select_n3A_2575 = arith.select %eq3A_2572, %broadcast_in_dim3A_2574, %select_n3A_2559 : vector<128x128xi1>, vector<128x128xi32>
      %reduce_max3A_2576 = arith.constant dense<-2147483648> : vector<128xi32>
      %reduce_max3A_2577 = vector.multi_reduction <maxsi>, %select_n3A_2575, %reduce_max3A_2576 [1] : vector<128x128xi32> to vector<128xi32>
      %broadcast_in_dim3A_2578 = vector.shape_cast %reduce_max3A_2577 : vector<128xi32> to vector<128x1xi32>
      %eq3A_2579 = vector.broadcast %broadcast_in_dim3A_2578 : vector<128x1xi32> to vector<128x128xi32>
      %eq3A_2580 = arith.cmpi eq, %select_n3A_2575, %eq3A_2579 : vector<128x128xi32>
      %jit3A_2581 = arith.constant 128 : i32
      %broadcast_in_dim3A_2582 = vector.broadcast %jit3A_2581 : i32 to vector<128x128xi32>
      %select_n3A_2583 = arith.select %eq3A_2580, %iota3A_2511, %broadcast_in_dim3A_2582 : vector<128x128xi1>, vector<128x128xi32>
      %reduce_min3A_2584 = arith.constant dense<2147483647> : vector<128xi32>
      %reduce_min3A_2585 = vector.multi_reduction <minsi>, %select_n3A_2583, %reduce_min3A_2584 [1] : vector<128x128xi32> to vector<128xi32>
      %broadcast_in_dim3A_2586 = vector.shape_cast %reduce_min3A_2585 : vector<128xi32> to vector<128x1xi32>
      %eq3A_2587 = vector.broadcast %broadcast_in_dim3A_2586 : vector<128x1xi32> to vector<128x128xi32>
      %eq3A_2588 = arith.cmpi eq, %iota3A_2511, %eq3A_2587 : vector<128x128xi32>
      %jit3A_2589 = arith.constant -1 : i32
      %broadcast_in_dim3A_2590 = vector.broadcast %jit3A_2589 : i32 to vector<128x128xi32>
      %select_n3A_2591 = arith.select %eq3A_2588, %broadcast_in_dim3A_2590, %select_n3A_2575 : vector<128x128xi1>, vector<128x128xi32>
      %reduce_max3A_2592 = arith.constant dense<-2147483648> : vector<128xi32>
      %reduce_max3A_2593 = vector.multi_reduction <maxsi>, %select_n3A_2591, %reduce_max3A_2592 [1] : vector<128x128xi32> to vector<128xi32>
      %broadcast_in_dim3A_2594 = vector.shape_cast %reduce_max3A_2593 : vector<128xi32> to vector<128x1xi32>
      %eq3A_2595 = vector.broadcast %broadcast_in_dim3A_2594 : vector<128x1xi32> to vector<128x128xi32>
      %eq3A_2596 = arith.cmpi eq, %select_n3A_2591, %eq3A_2595 : vector<128x128xi32>
      %jit3A_2597 = arith.constant 128 : i32
      %broadcast_in_dim3A_2598 = vector.broadcast %jit3A_2597 : i32 to vector<128x128xi32>
      %select_n3A_2599 = arith.select %eq3A_2596, %iota3A_2511, %broadcast_in_dim3A_2598 : vector<128x128xi1>, vector<128x128xi32>
      %reduce_min3A_2600 = arith.constant dense<2147483647> : vector<128xi32>
      %reduce_min3A_2601 = vector.multi_reduction <minsi>, %select_n3A_2599, %reduce_min3A_2600 [1] : vector<128x128xi32> to vector<128xi32>
      %broadcast_in_dim3A_2602 = vector.shape_cast %reduce_min3A_2601 : vector<128xi32> to vector<128x1xi32>
      %eq3A_2603 = vector.broadcast %broadcast_in_dim3A_2602 : vector<128x1xi32> to vector<128x128xi32>
      %eq3A_2604 = arith.cmpi eq, %iota3A_2511, %eq3A_2603 : vector<128x128xi32>
      %jit3A_2605 = arith.constant -1 : i32
      %broadcast_in_dim3A_2606 = vector.broadcast %jit3A_2605 : i32 to vector<128x128xi32>
      %select_n3A_2607 = arith.select %eq3A_2604, %broadcast_in_dim3A_2606, %select_n3A_2591 : vector<128x128xi1>, vector<128x128xi32>
      %reduce_max3A_2608 = arith.constant dense<-2147483648> : vector<128xi32>
      %reduce_max3A_2609 = vector.multi_reduction <maxsi>, %select_n3A_2607, %reduce_max3A_2608 [1] : vector<128x128xi32> to vector<128xi32>
      %broadcast_in_dim3A_2610 = vector.shape_cast %reduce_max3A_2609 : vector<128xi32> to vector<128x1xi32>
      %eq3A_2611 = vector.broadcast %broadcast_in_dim3A_2610 : vector<128x1xi32> to vector<128x128xi32>
      %eq3A_2612 = arith.cmpi eq, %select_n3A_2607, %eq3A_2611 : vector<128x128xi32>
      %jit3A_2613 = arith.constant 128 : i32
      %broadcast_in_dim3A_2614 = vector.broadcast %jit3A_2613 : i32 to vector<128x128xi32>
      %select_n3A_2615 = arith.select %eq3A_2612, %iota3A_2511, %broadcast_in_dim3A_2614 : vector<128x128xi1>, vector<128x128xi32>
      %reduce_min3A_2616 = arith.constant dense<2147483647> : vector<128xi32>
      %reduce_min3A_2617 = vector.multi_reduction <minsi>, %select_n3A_2615, %reduce_min3A_2616 [1] : vector<128x128xi32> to vector<128xi32>
      %broadcast_in_dim3A_2618 = vector.shape_cast %reduce_min3A_2617 : vector<128xi32> to vector<128x1xi32>
      %eq3A_2619 = vector.broadcast %broadcast_in_dim3A_2618 : vector<128x1xi32> to vector<128x128xi32>
      %eq3A_2620 = arith.cmpi eq, %iota3A_2511, %eq3A_2619 : vector<128x128xi32>
      %jit3A_2621 = arith.constant -1 : i32
      %broadcast_in_dim3A_2622 = vector.broadcast %jit3A_2621 : i32 to vector<128x128xi32>
      %select_n3A_2623 = arith.select %eq3A_2620, %broadcast_in_dim3A_2622, %select_n3A_2607 : vector<128x128xi1>, vector<128x128xi32>
      %reduce_max3A_2624 = arith.constant dense<-2147483648> : vector<128xi32>
      %reduce_max3A_2625 = vector.multi_reduction <maxsi>, %select_n3A_2623, %reduce_max3A_2624 [1] : vector<128x128xi32> to vector<128xi32>
      %broadcast_in_dim3A_2626 = vector.shape_cast %reduce_max3A_2625 : vector<128xi32> to vector<128x1xi32>
      %eq3A_2627 = vector.broadcast %broadcast_in_dim3A_2626 : vector<128x1xi32> to vector<128x128xi32>
      %eq3A_2628 = arith.cmpi eq, %select_n3A_2623, %eq3A_2627 : vector<128x128xi32>
      %jit3A_2629 = arith.constant 128 : i32
      %broadcast_in_dim3A_2630 = vector.broadcast %jit3A_2629 : i32 to vector<128x128xi32>
      %select_n3A_2631 = arith.select %eq3A_2628, %iota3A_2511, %broadcast_in_dim3A_2630 : vector<128x128xi1>, vector<128x128xi32>
      %reduce_min3A_2632 = arith.constant dense<2147483647> : vector<128xi32>
      %reduce_min3A_2633 = vector.multi_reduction <minsi>, %select_n3A_2631, %reduce_min3A_2632 [1] : vector<128x128xi32> to vector<128xi32>
      %broadcast_in_dim3A_2634 = vector.shape_cast %reduce_min3A_2633 : vector<128xi32> to vector<128x1xi32>
      %eq3A_2635 = vector.broadcast %broadcast_in_dim3A_2634 : vector<128x1xi32> to vector<128x128xi32>
      %eq3A_2636 = arith.cmpi eq, %iota3A_2511, %eq3A_2635 : vector<128x128xi32>
      %jit3A_2637 = arith.constant -1 : i32
      %broadcast_in_dim3A_2638 = vector.broadcast %jit3A_2637 : i32 to vector<128x128xi32>
      %select_n3A_2639 = arith.select %eq3A_2636, %broadcast_in_dim3A_2638, %select_n3A_2623 : vector<128x128xi1>, vector<128x128xi32>
      %reduce_max3A_2640 = arith.constant dense<-2147483648> : vector<128xi32>
      %reduce_max3A_2641 = vector.multi_reduction <maxsi>, %select_n3A_2639, %reduce_max3A_2640 [1] : vector<128x128xi32> to vector<128xi32>
      %broadcast_in_dim3A_2642 = vector.shape_cast %reduce_max3A_2641 : vector<128xi32> to vector<128x1xi32>
      %eq3A_2643 = vector.broadcast %broadcast_in_dim3A_2642 : vector<128x1xi32> to vector<128x128xi32>
      %eq3A_2644 = arith.cmpi eq, %select_n3A_2639, %eq3A_2643 : vector<128x128xi32>
      %jit3A_2645 = arith.constant 128 : i32
      %broadcast_in_dim3A_2646 = vector.broadcast %jit3A_2645 : i32 to vector<128x128xi32>
      %select_n3A_2647 = arith.select %eq3A_2644, %iota3A_2511, %broadcast_in_dim3A_2646 : vector<128x128xi1>, vector<128x128xi32>
      %reduce_min3A_2648 = arith.constant dense<2147483647> : vector<128xi32>
      %reduce_min3A_2649 = vector.multi_reduction <minsi>, %select_n3A_2647, %reduce_min3A_2648 [1] : vector<128x128xi32> to vector<128xi32>
      %broadcast_in_dim3A_2650 = vector.shape_cast %reduce_min3A_2649 : vector<128xi32> to vector<128x1xi32>
      %eq3A_2651 = vector.broadcast %broadcast_in_dim3A_2650 : vector<128x1xi32> to vector<128x128xi32>
      %eq3A_2652 = arith.cmpi eq, %iota3A_2511, %eq3A_2651 : vector<128x128xi32>
      %jit3A_2653 = arith.constant -1 : i32
      %broadcast_in_dim3A_2654 = vector.broadcast %jit3A_2653 : i32 to vector<128x128xi32>
      %select_n3A_2655 = arith.select %eq3A_2652, %broadcast_in_dim3A_2654, %select_n3A_2639 : vector<128x128xi1>, vector<128x128xi32>
      %reduce_max3A_2656 = arith.constant dense<-2147483648> : vector<128xi32>
      %reduce_max3A_2657 = vector.multi_reduction <maxsi>, %select_n3A_2655, %reduce_max3A_2656 [1] : vector<128x128xi32> to vector<128xi32>
      %broadcast_in_dim3A_2658 = vector.shape_cast %reduce_max3A_2657 : vector<128xi32> to vector<128x1xi32>
      %eq3A_2659 = vector.broadcast %broadcast_in_dim3A_2658 : vector<128x1xi32> to vector<128x128xi32>
      %eq3A_2660 = arith.cmpi eq, %select_n3A_2655, %eq3A_2659 : vector<128x128xi32>
      %jit3A_2661 = arith.constant 128 : i32
      %broadcast_in_dim3A_2662 = vector.broadcast %jit3A_2661 : i32 to vector<128x128xi32>
      %select_n3A_2663 = arith.select %eq3A_2660, %iota3A_2511, %broadcast_in_dim3A_2662 : vector<128x128xi1>, vector<128x128xi32>
      %reduce_min3A_2664 = arith.constant dense<2147483647> : vector<128xi32>
      %reduce_min3A_2665 = vector.multi_reduction <minsi>, %select_n3A_2663, %reduce_min3A_2664 [1] : vector<128x128xi32> to vector<128xi32>
      %broadcast_in_dim3A_2666 = vector.shape_cast %reduce_min3A_2665 : vector<128xi32> to vector<128x1xi32>
      %iota3A_2667 = tpu.iota {dimensions = array<i32: 0>} : vector<128x10xi32>
      %concatenate3A_2668 = tpu.concatenate %broadcast_in_dim3A_2522, %broadcast_in_dim3A_2538, %broadcast_in_dim3A_2554, %broadcast_in_dim3A_2570, %broadcast_in_dim3A_2586, %broadcast_in_dim3A_2602, %broadcast_in_dim3A_2618, %broadcast_in_dim3A_2634, %broadcast_in_dim3A_2650, %broadcast_in_dim3A_2666 in 1 : vector<128x1xi32>, vector<128x1xi32>, vector<128x1xi32>, vector<128x1xi32>, vector<128x1xi32>, vector<128x1xi32>, vector<128x1xi32>, vector<128x1xi32>, vector<128x1xi32>, vector<128x1xi32> -> vector<128x10xi32>
      %mul3A_2669 = arith.constant 128 : i32
      %mul3A_2670 = vector.broadcast %mul3A_2669 : i32 to vector<128x10xi32>
      %mul3A_2671 = arith.muli %iota3A_2667, %mul3A_2670 : vector<128x10xi32>
      %add3A_2672 = arith.addi %concatenate3A_2668, %mul3A_2671 : vector<128x10xi32>
      %swap3A_2673 = arith.constant 0 : index
      %swap3A_2674 = arith.constant 0 : index
      %swap3A_2675 = vector.load %arg4[%swap3A_2673, %swap3A_2674] : memref<128x10xi32, #tpu.memory_space<vmem>>, vector<128x10xi32>
      tpu.vector_store %arg4[%swap3A_2673, %swap3A_2674], %add3A_2672 {strides = array<i32>} : memref<128x10xi32, #tpu.memory_space<vmem>>, vector<128x10xi32>,
    } else {
    }
    return
  }
  func.func @transform_0(%arg0: i32) -> (i32, i32) {
    %c0_i32 = arith.constant 0 : i32
    %c0_i32_0 = arith.constant 0 : i32
    return %c0_i32, %arg0 : i32, i32
  }
  func.func @transform_1(%arg0: i32) -> (i32, i32) {
    %c0_i32 = arith.constant 0 : i32
    %c0_i32_0 = arith.constant 0 : i32
    return %c0_i32, %arg0 : i32, i32
  }
  func.func @transform_2(%arg0: i32) -> (i32, i32) {
    %c0_i32 = arith.constant 0 : i32
    %c0_i32_0 = arith.constant 0 : i32
    %c0_i32_1 = arith.constant 0 : i32
    return %c0_i32, %c0_i32_0 : i32, i32
  }
  func.func @transform_3(%arg0: i32) -> (i32, i32) {
    %c0_i32 = arith.constant 0 : i32
    %c0_i32_0 = arith.constant 0 : i32
    %c0_i32_1 = arith.constant 0 : i32
    return %c0_i32, %c0_i32_0 : i32, i32
  }
}

module attributes {stable_mosaic.version = 14 : i64} {
  func.func @_finish_body(%arg0: memref<128x2560xf32, #tpu.memory_space<vmem>>, %arg1: memref<128x2560xf32, #tpu.memory_space<vmem>>, %arg2: memref<20x512xf32, #tpu.memory_space<vmem>>, %arg3: memref<1x512xf32, #tpu.memory_space<vmem>>, %arg4: memref<512x16xf32, #tpu.memory_space<vmem>>, %arg5: memref<1x16xf32, #tpu.memory_space<vmem>>, %arg6: memref<16x2xf32, #tpu.memory_space<vmem>>, %arg7: memref<1x2xf32, #tpu.memory_space<vmem>>, %arg8: memref<128x2xf32, #tpu.memory_space<vmem>>) attributes {dimension_semantics = [], scalar_prefetch = 0 : i64, scratch_operands = 0 : i64, tpu.core_type = #tpu.core_type<tc>} {
    %get3A = arith.constant 0 : index
    %get3A_0 = arith.constant 0 : index
    %get3A_1 = vector.load %arg0[%get3A, %get3A_0] : memref<128x2560xf32, #tpu.memory_space<vmem>>, vector<128x2560xf32>
    %iota3A = tpu.iota {dimensions = array<i32: 1>} : vector<128x2560xi32>
    %reduce_max3A = arith.constant dense<0xFF800000> : vector<128xf32>
    %reduce_max3A_2 = vector.multi_reduction <maximumf>, %get3A_1, %reduce_max3A [1] : vector<128x2560xf32> to vector<128xf32>
    %broadcast_in_dim3A = vector.shape_cast %reduce_max3A_2 : vector<128xf32> to vector<128x1xf32>
    %eq3A = vector.broadcast %broadcast_in_dim3A : vector<128x1xf32> to vector<128x2560xf32>
    %eq3A_3 = arith.cmpf oeq, %get3A_1, %eq3A : vector<128x2560xf32>
    %jit3A = arith.constant 2560 : i32
    %broadcast_in_dim3A_4 = vector.broadcast %jit3A : i32 to vector<128x2560xi32>
    %select_n3A = arith.select %eq3A_3, %iota3A, %broadcast_in_dim3A_4 : vector<128x2560xi1>, vector<128x2560xi32>
    %reduce_min3A = arith.constant dense<2147483647> : vector<128xi32>
    %reduce_min3A_5 = vector.multi_reduction <minsi>, %select_n3A, %reduce_min3A [1] : vector<128x2560xi32> to vector<128xi32>
    %broadcast_in_dim3A_6 = vector.shape_cast %reduce_min3A_5 : vector<128xi32> to vector<128x1xi32>
    %eq3A_7 = vector.broadcast %broadcast_in_dim3A_6 : vector<128x1xi32> to vector<128x2560xi32>
    %eq3A_8 = arith.cmpi eq, %iota3A, %eq3A_7 : vector<128x2560xi32>
    %jit3A_9 = arith.constant -3.000000e+38 : f32
    %broadcast_in_dim3A_10 = vector.broadcast %jit3A_9 : f32 to vector<128x2560xf32>
    %select_n3A_11 = arith.select %eq3A_8, %broadcast_in_dim3A_10, %get3A_1 : vector<128x2560xi1>, vector<128x2560xf32>
    %reduce_max3A_12 = arith.constant dense<0xFF800000> : vector<128xf32>
    %reduce_max3A_13 = vector.multi_reduction <maximumf>, %select_n3A_11, %reduce_max3A_12 [1] : vector<128x2560xf32> to vector<128xf32>
    %broadcast_in_dim3A_14 = vector.shape_cast %reduce_max3A_13 : vector<128xf32> to vector<128x1xf32>
    %eq3A_15 = vector.broadcast %broadcast_in_dim3A_14 : vector<128x1xf32> to vector<128x2560xf32>
    %eq3A_16 = arith.cmpf oeq, %select_n3A_11, %eq3A_15 : vector<128x2560xf32>
    %jit3A_17 = arith.constant 2560 : i32
    %broadcast_in_dim3A_18 = vector.broadcast %jit3A_17 : i32 to vector<128x2560xi32>
    %select_n3A_19 = arith.select %eq3A_16, %iota3A, %broadcast_in_dim3A_18 : vector<128x2560xi1>, vector<128x2560xi32>
    %reduce_min3A_20 = arith.constant dense<2147483647> : vector<128xi32>
    %reduce_min3A_21 = vector.multi_reduction <minsi>, %select_n3A_19, %reduce_min3A_20 [1] : vector<128x2560xi32> to vector<128xi32>
    %broadcast_in_dim3A_22 = vector.shape_cast %reduce_min3A_21 : vector<128xi32> to vector<128x1xi32>
    %eq3A_23 = vector.broadcast %broadcast_in_dim3A_22 : vector<128x1xi32> to vector<128x2560xi32>
    %eq3A_24 = arith.cmpi eq, %iota3A, %eq3A_23 : vector<128x2560xi32>
    %jit3A_25 = arith.constant -3.000000e+38 : f32
    %broadcast_in_dim3A_26 = vector.broadcast %jit3A_25 : f32 to vector<128x2560xf32>
    %select_n3A_27 = arith.select %eq3A_24, %broadcast_in_dim3A_26, %select_n3A_11 : vector<128x2560xi1>, vector<128x2560xf32>
    %reduce_max3A_28 = arith.constant dense<0xFF800000> : vector<128xf32>
    %reduce_max3A_29 = vector.multi_reduction <maximumf>, %select_n3A_27, %reduce_max3A_28 [1] : vector<128x2560xf32> to vector<128xf32>
    %broadcast_in_dim3A_30 = vector.shape_cast %reduce_max3A_29 : vector<128xf32> to vector<128x1xf32>
    %eq3A_31 = vector.broadcast %broadcast_in_dim3A_30 : vector<128x1xf32> to vector<128x2560xf32>
    %eq3A_32 = arith.cmpf oeq, %select_n3A_27, %eq3A_31 : vector<128x2560xf32>
    %jit3A_33 = arith.constant 2560 : i32
    %broadcast_in_dim3A_34 = vector.broadcast %jit3A_33 : i32 to vector<128x2560xi32>
    %select_n3A_35 = arith.select %eq3A_32, %iota3A, %broadcast_in_dim3A_34 : vector<128x2560xi1>, vector<128x2560xi32>
    %reduce_min3A_36 = arith.constant dense<2147483647> : vector<128xi32>
    %reduce_min3A_37 = vector.multi_reduction <minsi>, %select_n3A_35, %reduce_min3A_36 [1] : vector<128x2560xi32> to vector<128xi32>
    %broadcast_in_dim3A_38 = vector.shape_cast %reduce_min3A_37 : vector<128xi32> to vector<128x1xi32>
    %eq3A_39 = vector.broadcast %broadcast_in_dim3A_38 : vector<128x1xi32> to vector<128x2560xi32>
    %eq3A_40 = arith.cmpi eq, %iota3A, %eq3A_39 : vector<128x2560xi32>
    %jit3A_41 = arith.constant -3.000000e+38 : f32
    %broadcast_in_dim3A_42 = vector.broadcast %jit3A_41 : f32 to vector<128x2560xf32>
    %select_n3A_43 = arith.select %eq3A_40, %broadcast_in_dim3A_42, %select_n3A_27 : vector<128x2560xi1>, vector<128x2560xf32>
    %reduce_max3A_44 = arith.constant dense<0xFF800000> : vector<128xf32>
    %reduce_max3A_45 = vector.multi_reduction <maximumf>, %select_n3A_43, %reduce_max3A_44 [1] : vector<128x2560xf32> to vector<128xf32>
    %broadcast_in_dim3A_46 = vector.shape_cast %reduce_max3A_45 : vector<128xf32> to vector<128x1xf32>
    %eq3A_47 = vector.broadcast %broadcast_in_dim3A_46 : vector<128x1xf32> to vector<128x2560xf32>
    %eq3A_48 = arith.cmpf oeq, %select_n3A_43, %eq3A_47 : vector<128x2560xf32>
    %jit3A_49 = arith.constant 2560 : i32
    %broadcast_in_dim3A_50 = vector.broadcast %jit3A_49 : i32 to vector<128x2560xi32>
    %select_n3A_51 = arith.select %eq3A_48, %iota3A, %broadcast_in_dim3A_50 : vector<128x2560xi1>, vector<128x2560xi32>
    %reduce_min3A_52 = arith.constant dense<2147483647> : vector<128xi32>
    %reduce_min3A_53 = vector.multi_reduction <minsi>, %select_n3A_51, %reduce_min3A_52 [1] : vector<128x2560xi32> to vector<128xi32>
    %broadcast_in_dim3A_54 = vector.shape_cast %reduce_min3A_53 : vector<128xi32> to vector<128x1xi32>
    %eq3A_55 = vector.broadcast %broadcast_in_dim3A_54 : vector<128x1xi32> to vector<128x2560xi32>
    %eq3A_56 = arith.cmpi eq, %iota3A, %eq3A_55 : vector<128x2560xi32>
    %jit3A_57 = arith.constant -3.000000e+38 : f32
    %broadcast_in_dim3A_58 = vector.broadcast %jit3A_57 : f32 to vector<128x2560xf32>
    %select_n3A_59 = arith.select %eq3A_56, %broadcast_in_dim3A_58, %select_n3A_43 : vector<128x2560xi1>, vector<128x2560xf32>
    %reduce_max3A_60 = arith.constant dense<0xFF800000> : vector<128xf32>
    %reduce_max3A_61 = vector.multi_reduction <maximumf>, %select_n3A_59, %reduce_max3A_60 [1] : vector<128x2560xf32> to vector<128xf32>
    %broadcast_in_dim3A_62 = vector.shape_cast %reduce_max3A_61 : vector<128xf32> to vector<128x1xf32>
    %eq3A_63 = vector.broadcast %broadcast_in_dim3A_62 : vector<128x1xf32> to vector<128x2560xf32>
    %eq3A_64 = arith.cmpf oeq, %select_n3A_59, %eq3A_63 : vector<128x2560xf32>
    %jit3A_65 = arith.constant 2560 : i32
    %broadcast_in_dim3A_66 = vector.broadcast %jit3A_65 : i32 to vector<128x2560xi32>
    %select_n3A_67 = arith.select %eq3A_64, %iota3A, %broadcast_in_dim3A_66 : vector<128x2560xi1>, vector<128x2560xi32>
    %reduce_min3A_68 = arith.constant dense<2147483647> : vector<128xi32>
    %reduce_min3A_69 = vector.multi_reduction <minsi>, %select_n3A_67, %reduce_min3A_68 [1] : vector<128x2560xi32> to vector<128xi32>
    %broadcast_in_dim3A_70 = vector.shape_cast %reduce_min3A_69 : vector<128xi32> to vector<128x1xi32>
    %eq3A_71 = vector.broadcast %broadcast_in_dim3A_70 : vector<128x1xi32> to vector<128x2560xi32>
    %eq3A_72 = arith.cmpi eq, %iota3A, %eq3A_71 : vector<128x2560xi32>
    %jit3A_73 = arith.constant -3.000000e+38 : f32
    %broadcast_in_dim3A_74 = vector.broadcast %jit3A_73 : f32 to vector<128x2560xf32>
    %select_n3A_75 = arith.select %eq3A_72, %broadcast_in_dim3A_74, %select_n3A_59 : vector<128x2560xi1>, vector<128x2560xf32>
    %reduce_max3A_76 = arith.constant dense<0xFF800000> : vector<128xf32>
    %reduce_max3A_77 = vector.multi_reduction <maximumf>, %select_n3A_75, %reduce_max3A_76 [1] : vector<128x2560xf32> to vector<128xf32>
    %broadcast_in_dim3A_78 = vector.shape_cast %reduce_max3A_77 : vector<128xf32> to vector<128x1xf32>
    %eq3A_79 = vector.broadcast %broadcast_in_dim3A_78 : vector<128x1xf32> to vector<128x2560xf32>
    %eq3A_80 = arith.cmpf oeq, %select_n3A_75, %eq3A_79 : vector<128x2560xf32>
    %jit3A_81 = arith.constant 2560 : i32
    %broadcast_in_dim3A_82 = vector.broadcast %jit3A_81 : i32 to vector<128x2560xi32>
    %select_n3A_83 = arith.select %eq3A_80, %iota3A, %broadcast_in_dim3A_82 : vector<128x2560xi1>, vector<128x2560xi32>
    %reduce_min3A_84 = arith.constant dense<2147483647> : vector<128xi32>
    %reduce_min3A_85 = vector.multi_reduction <minsi>, %select_n3A_83, %reduce_min3A_84 [1] : vector<128x2560xi32> to vector<128xi32>
    %broadcast_in_dim3A_86 = vector.shape_cast %reduce_min3A_85 : vector<128xi32> to vector<128x1xi32>
    %eq3A_87 = vector.broadcast %broadcast_in_dim3A_86 : vector<128x1xi32> to vector<128x2560xi32>
    %eq3A_88 = arith.cmpi eq, %iota3A, %eq3A_87 : vector<128x2560xi32>
    %jit3A_89 = arith.constant -3.000000e+38 : f32
    %broadcast_in_dim3A_90 = vector.broadcast %jit3A_89 : f32 to vector<128x2560xf32>
    %select_n3A_91 = arith.select %eq3A_88, %broadcast_in_dim3A_90, %select_n3A_75 : vector<128x2560xi1>, vector<128x2560xf32>
    %reduce_max3A_92 = arith.constant dense<0xFF800000> : vector<128xf32>
    %reduce_max3A_93 = vector.multi_reduction <maximumf>, %select_n3A_91, %reduce_max3A_92 [1] : vector<128x2560xf32> to vector<128xf32>
    %broadcast_in_dim3A_94 = vector.shape_cast %reduce_max3A_93 : vector<128xf32> to vector<128x1xf32>
    %eq3A_95 = vector.broadcast %broadcast_in_dim3A_94 : vector<128x1xf32> to vector<128x2560xf32>
    %eq3A_96 = arith.cmpf oeq, %select_n3A_91, %eq3A_95 : vector<128x2560xf32>
    %jit3A_97 = arith.constant 2560 : i32
    %broadcast_in_dim3A_98 = vector.broadcast %jit3A_97 : i32 to vector<128x2560xi32>
    %select_n3A_99 = arith.select %eq3A_96, %iota3A, %broadcast_in_dim3A_98 : vector<128x2560xi1>, vector<128x2560xi32>
    %reduce_min3A_100 = arith.constant dense<2147483647> : vector<128xi32>
    %reduce_min3A_101 = vector.multi_reduction <minsi>, %select_n3A_99, %reduce_min3A_100 [1] : vector<128x2560xi32> to vector<128xi32>
    %broadcast_in_dim3A_102 = vector.shape_cast %reduce_min3A_101 : vector<128xi32> to vector<128x1xi32>
    %eq3A_103 = vector.broadcast %broadcast_in_dim3A_102 : vector<128x1xi32> to vector<128x2560xi32>
    %eq3A_104 = arith.cmpi eq, %iota3A, %eq3A_103 : vector<128x2560xi32>
    %jit3A_105 = arith.constant -3.000000e+38 : f32
    %broadcast_in_dim3A_106 = vector.broadcast %jit3A_105 : f32 to vector<128x2560xf32>
    %select_n3A_107 = arith.select %eq3A_104, %broadcast_in_dim3A_106, %select_n3A_91 : vector<128x2560xi1>, vector<128x2560xf32>
    %reduce_max3A_108 = arith.constant dense<0xFF800000> : vector<128xf32>
    %reduce_max3A_109 = vector.multi_reduction <maximumf>, %select_n3A_107, %reduce_max3A_108 [1] : vector<128x2560xf32> to vector<128xf32>
    %broadcast_in_dim3A_110 = vector.shape_cast %reduce_max3A_109 : vector<128xf32> to vector<128x1xf32>
    %eq3A_111 = vector.broadcast %broadcast_in_dim3A_110 : vector<128x1xf32> to vector<128x2560xf32>
    %eq3A_112 = arith.cmpf oeq, %select_n3A_107, %eq3A_111 : vector<128x2560xf32>
    %jit3A_113 = arith.constant 2560 : i32
    %broadcast_in_dim3A_114 = vector.broadcast %jit3A_113 : i32 to vector<128x2560xi32>
    %select_n3A_115 = arith.select %eq3A_112, %iota3A, %broadcast_in_dim3A_114 : vector<128x2560xi1>, vector<128x2560xi32>
    %reduce_min3A_116 = arith.constant dense<2147483647> : vector<128xi32>
    %reduce_min3A_117 = vector.multi_reduction <minsi>, %select_n3A_115, %reduce_min3A_116 [1] : vector<128x2560xi32> to vector<128xi32>
    %broadcast_in_dim3A_118 = vector.shape_cast %reduce_min3A_117 : vector<128xi32> to vector<128x1xi32>
    %eq3A_119 = vector.broadcast %broadcast_in_dim3A_118 : vector<128x1xi32> to vector<128x2560xi32>
    %eq3A_120 = arith.cmpi eq, %iota3A, %eq3A_119 : vector<128x2560xi32>
    %jit3A_121 = arith.constant -3.000000e+38 : f32
    %broadcast_in_dim3A_122 = vector.broadcast %jit3A_121 : f32 to vector<128x2560xf32>
    %select_n3A_123 = arith.select %eq3A_120, %broadcast_in_dim3A_122, %select_n3A_107 : vector<128x2560xi1>, vector<128x2560xf32>
    %reduce_max3A_124 = arith.constant dense<0xFF800000> : vector<128xf32>
    %reduce_max3A_125 = vector.multi_reduction <maximumf>, %select_n3A_123, %reduce_max3A_124 [1] : vector<128x2560xf32> to vector<128xf32>
    %broadcast_in_dim3A_126 = vector.shape_cast %reduce_max3A_125 : vector<128xf32> to vector<128x1xf32>
    %eq3A_127 = vector.broadcast %broadcast_in_dim3A_126 : vector<128x1xf32> to vector<128x2560xf32>
    %eq3A_128 = arith.cmpf oeq, %select_n3A_123, %eq3A_127 : vector<128x2560xf32>
    %jit3A_129 = arith.constant 2560 : i32
    %broadcast_in_dim3A_130 = vector.broadcast %jit3A_129 : i32 to vector<128x2560xi32>
    %select_n3A_131 = arith.select %eq3A_128, %iota3A, %broadcast_in_dim3A_130 : vector<128x2560xi1>, vector<128x2560xi32>
    %reduce_min3A_132 = arith.constant dense<2147483647> : vector<128xi32>
    %reduce_min3A_133 = vector.multi_reduction <minsi>, %select_n3A_131, %reduce_min3A_132 [1] : vector<128x2560xi32> to vector<128xi32>
    %broadcast_in_dim3A_134 = vector.shape_cast %reduce_min3A_133 : vector<128xi32> to vector<128x1xi32>
    %eq3A_135 = vector.broadcast %broadcast_in_dim3A_134 : vector<128x1xi32> to vector<128x2560xi32>
    %eq3A_136 = arith.cmpi eq, %iota3A, %eq3A_135 : vector<128x2560xi32>
    %jit3A_137 = arith.constant -3.000000e+38 : f32
    %broadcast_in_dim3A_138 = vector.broadcast %jit3A_137 : f32 to vector<128x2560xf32>
    %select_n3A_139 = arith.select %eq3A_136, %broadcast_in_dim3A_138, %select_n3A_123 : vector<128x2560xi1>, vector<128x2560xf32>
    %reduce_max3A_140 = arith.constant dense<0xFF800000> : vector<128xf32>
    %reduce_max3A_141 = vector.multi_reduction <maximumf>, %select_n3A_139, %reduce_max3A_140 [1] : vector<128x2560xf32> to vector<128xf32>
    %broadcast_in_dim3A_142 = vector.shape_cast %reduce_max3A_141 : vector<128xf32> to vector<128x1xf32>
    %concatenate3A = tpu.concatenate %broadcast_in_dim3A, %broadcast_in_dim3A_14, %broadcast_in_dim3A_30, %broadcast_in_dim3A_46, %broadcast_in_dim3A_62, %broadcast_in_dim3A_78, %broadcast_in_dim3A_94, %broadcast_in_dim3A_110, %broadcast_in_dim3A_126, %broadcast_in_dim3A_142 in 1 : vector<128x1xf32>, vector<128x1xf32>, vector<128x1xf32>, vector<128x1xf32>, vector<128x1xf32>, vector<128x1xf32>, vector<128x1xf32>, vector<128x1xf32>, vector<128x1xf32>, vector<128x1xf32> -> vector<128x10xf32>
    %get3A_143 = arith.constant 0 : index
    %get3A_144 = arith.constant 0 : index
    %get3A_145 = vector.load %arg1[%get3A_143, %get3A_144] : memref<128x2560xf32, #tpu.memory_space<vmem>>, vector<128x2560xf32>
    %iota3A_146 = tpu.iota {dimensions = array<i32: 1>} : vector<128x2560xi32>
    %reduce_max3A_147 = arith.constant dense<0xFF800000> : vector<128xf32>
    %reduce_max3A_148 = vector.multi_reduction <maximumf>, %get3A_145, %reduce_max3A_147 [1] : vector<128x2560xf32> to vector<128xf32>
    %broadcast_in_dim3A_149 = vector.shape_cast %reduce_max3A_148 : vector<128xf32> to vector<128x1xf32>
    %eq3A_150 = vector.broadcast %broadcast_in_dim3A_149 : vector<128x1xf32> to vector<128x2560xf32>
    %eq3A_151 = arith.cmpf oeq, %get3A_145, %eq3A_150 : vector<128x2560xf32>
    %jit3A_152 = arith.constant 2560 : i32
    %broadcast_in_dim3A_153 = vector.broadcast %jit3A_152 : i32 to vector<128x2560xi32>
    %select_n3A_154 = arith.select %eq3A_151, %iota3A_146, %broadcast_in_dim3A_153 : vector<128x2560xi1>, vector<128x2560xi32>
    %reduce_min3A_155 = arith.constant dense<2147483647> : vector<128xi32>
    %reduce_min3A_156 = vector.multi_reduction <minsi>, %select_n3A_154, %reduce_min3A_155 [1] : vector<128x2560xi32> to vector<128xi32>
    %broadcast_in_dim3A_157 = vector.shape_cast %reduce_min3A_156 : vector<128xi32> to vector<128x1xi32>
    %eq3A_158 = vector.broadcast %broadcast_in_dim3A_157 : vector<128x1xi32> to vector<128x2560xi32>
    %eq3A_159 = arith.cmpi eq, %iota3A_146, %eq3A_158 : vector<128x2560xi32>
    %jit3A_160 = arith.constant -3.000000e+38 : f32
    %broadcast_in_dim3A_161 = vector.broadcast %jit3A_160 : f32 to vector<128x2560xf32>
    %select_n3A_162 = arith.select %eq3A_159, %broadcast_in_dim3A_161, %get3A_145 : vector<128x2560xi1>, vector<128x2560xf32>
    %reduce_max3A_163 = arith.constant dense<0xFF800000> : vector<128xf32>
    %reduce_max3A_164 = vector.multi_reduction <maximumf>, %select_n3A_162, %reduce_max3A_163 [1] : vector<128x2560xf32> to vector<128xf32>
    %broadcast_in_dim3A_165 = vector.shape_cast %reduce_max3A_164 : vector<128xf32> to vector<128x1xf32>
    %eq3A_166 = vector.broadcast %broadcast_in_dim3A_165 : vector<128x1xf32> to vector<128x2560xf32>
    %eq3A_167 = arith.cmpf oeq, %select_n3A_162, %eq3A_166 : vector<128x2560xf32>
    %jit3A_168 = arith.constant 2560 : i32
    %broadcast_in_dim3A_169 = vector.broadcast %jit3A_168 : i32 to vector<128x2560xi32>
    %select_n3A_170 = arith.select %eq3A_167, %iota3A_146, %broadcast_in_dim3A_169 : vector<128x2560xi1>, vector<128x2560xi32>
    %reduce_min3A_171 = arith.constant dense<2147483647> : vector<128xi32>
    %reduce_min3A_172 = vector.multi_reduction <minsi>, %select_n3A_170, %reduce_min3A_171 [1] : vector<128x2560xi32> to vector<128xi32>
    %broadcast_in_dim3A_173 = vector.shape_cast %reduce_min3A_172 : vector<128xi32> to vector<128x1xi32>
    %eq3A_174 = vector.broadcast %broadcast_in_dim3A_173 : vector<128x1xi32> to vector<128x2560xi32>
    %eq3A_175 = arith.cmpi eq, %iota3A_146, %eq3A_174 : vector<128x2560xi32>
    %jit3A_176 = arith.constant -3.000000e+38 : f32
    %broadcast_in_dim3A_177 = vector.broadcast %jit3A_176 : f32 to vector<128x2560xf32>
    %select_n3A_178 = arith.select %eq3A_175, %broadcast_in_dim3A_177, %select_n3A_162 : vector<128x2560xi1>, vector<128x2560xf32>
    %reduce_max3A_179 = arith.constant dense<0xFF800000> : vector<128xf32>
    %reduce_max3A_180 = vector.multi_reduction <maximumf>, %select_n3A_178, %reduce_max3A_179 [1] : vector<128x2560xf32> to vector<128xf32>
    %broadcast_in_dim3A_181 = vector.shape_cast %reduce_max3A_180 : vector<128xf32> to vector<128x1xf32>
    %eq3A_182 = vector.broadcast %broadcast_in_dim3A_181 : vector<128x1xf32> to vector<128x2560xf32>
    %eq3A_183 = arith.cmpf oeq, %select_n3A_178, %eq3A_182 : vector<128x2560xf32>
    %jit3A_184 = arith.constant 2560 : i32
    %broadcast_in_dim3A_185 = vector.broadcast %jit3A_184 : i32 to vector<128x2560xi32>
    %select_n3A_186 = arith.select %eq3A_183, %iota3A_146, %broadcast_in_dim3A_185 : vector<128x2560xi1>, vector<128x2560xi32>
    %reduce_min3A_187 = arith.constant dense<2147483647> : vector<128xi32>
    %reduce_min3A_188 = vector.multi_reduction <minsi>, %select_n3A_186, %reduce_min3A_187 [1] : vector<128x2560xi32> to vector<128xi32>
    %broadcast_in_dim3A_189 = vector.shape_cast %reduce_min3A_188 : vector<128xi32> to vector<128x1xi32>
    %eq3A_190 = vector.broadcast %broadcast_in_dim3A_189 : vector<128x1xi32> to vector<128x2560xi32>
    %eq3A_191 = arith.cmpi eq, %iota3A_146, %eq3A_190 : vector<128x2560xi32>
    %jit3A_192 = arith.constant -3.000000e+38 : f32
    %broadcast_in_dim3A_193 = vector.broadcast %jit3A_192 : f32 to vector<128x2560xf32>
    %select_n3A_194 = arith.select %eq3A_191, %broadcast_in_dim3A_193, %select_n3A_178 : vector<128x2560xi1>, vector<128x2560xf32>
    %reduce_max3A_195 = arith.constant dense<0xFF800000> : vector<128xf32>
    %reduce_max3A_196 = vector.multi_reduction <maximumf>, %select_n3A_194, %reduce_max3A_195 [1] : vector<128x2560xf32> to vector<128xf32>
    %broadcast_in_dim3A_197 = vector.shape_cast %reduce_max3A_196 : vector<128xf32> to vector<128x1xf32>
    %eq3A_198 = vector.broadcast %broadcast_in_dim3A_197 : vector<128x1xf32> to vector<128x2560xf32>
    %eq3A_199 = arith.cmpf oeq, %select_n3A_194, %eq3A_198 : vector<128x2560xf32>
    %jit3A_200 = arith.constant 2560 : i32
    %broadcast_in_dim3A_201 = vector.broadcast %jit3A_200 : i32 to vector<128x2560xi32>
    %select_n3A_202 = arith.select %eq3A_199, %iota3A_146, %broadcast_in_dim3A_201 : vector<128x2560xi1>, vector<128x2560xi32>
    %reduce_min3A_203 = arith.constant dense<2147483647> : vector<128xi32>
    %reduce_min3A_204 = vector.multi_reduction <minsi>, %select_n3A_202, %reduce_min3A_203 [1] : vector<128x2560xi32> to vector<128xi32>
    %broadcast_in_dim3A_205 = vector.shape_cast %reduce_min3A_204 : vector<128xi32> to vector<128x1xi32>
    %eq3A_206 = vector.broadcast %broadcast_in_dim3A_205 : vector<128x1xi32> to vector<128x2560xi32>
    %eq3A_207 = arith.cmpi eq, %iota3A_146, %eq3A_206 : vector<128x2560xi32>
    %jit3A_208 = arith.constant -3.000000e+38 : f32
    %broadcast_in_dim3A_209 = vector.broadcast %jit3A_208 : f32 to vector<128x2560xf32>
    %select_n3A_210 = arith.select %eq3A_207, %broadcast_in_dim3A_209, %select_n3A_194 : vector<128x2560xi1>, vector<128x2560xf32>
    %reduce_max3A_211 = arith.constant dense<0xFF800000> : vector<128xf32>
    %reduce_max3A_212 = vector.multi_reduction <maximumf>, %select_n3A_210, %reduce_max3A_211 [1] : vector<128x2560xf32> to vector<128xf32>
    %broadcast_in_dim3A_213 = vector.shape_cast %reduce_max3A_212 : vector<128xf32> to vector<128x1xf32>
    %eq3A_214 = vector.broadcast %broadcast_in_dim3A_213 : vector<128x1xf32> to vector<128x2560xf32>
    %eq3A_215 = arith.cmpf oeq, %select_n3A_210, %eq3A_214 : vector<128x2560xf32>
    %jit3A_216 = arith.constant 2560 : i32
    %broadcast_in_dim3A_217 = vector.broadcast %jit3A_216 : i32 to vector<128x2560xi32>
    %select_n3A_218 = arith.select %eq3A_215, %iota3A_146, %broadcast_in_dim3A_217 : vector<128x2560xi1>, vector<128x2560xi32>
    %reduce_min3A_219 = arith.constant dense<2147483647> : vector<128xi32>
    %reduce_min3A_220 = vector.multi_reduction <minsi>, %select_n3A_218, %reduce_min3A_219 [1] : vector<128x2560xi32> to vector<128xi32>
    %broadcast_in_dim3A_221 = vector.shape_cast %reduce_min3A_220 : vector<128xi32> to vector<128x1xi32>
    %eq3A_222 = vector.broadcast %broadcast_in_dim3A_221 : vector<128x1xi32> to vector<128x2560xi32>
    %eq3A_223 = arith.cmpi eq, %iota3A_146, %eq3A_222 : vector<128x2560xi32>
    %jit3A_224 = arith.constant -3.000000e+38 : f32
    %broadcast_in_dim3A_225 = vector.broadcast %jit3A_224 : f32 to vector<128x2560xf32>
    %select_n3A_226 = arith.select %eq3A_223, %broadcast_in_dim3A_225, %select_n3A_210 : vector<128x2560xi1>, vector<128x2560xf32>
    %reduce_max3A_227 = arith.constant dense<0xFF800000> : vector<128xf32>
    %reduce_max3A_228 = vector.multi_reduction <maximumf>, %select_n3A_226, %reduce_max3A_227 [1] : vector<128x2560xf32> to vector<128xf32>
    %broadcast_in_dim3A_229 = vector.shape_cast %reduce_max3A_228 : vector<128xf32> to vector<128x1xf32>
    %eq3A_230 = vector.broadcast %broadcast_in_dim3A_229 : vector<128x1xf32> to vector<128x2560xf32>
    %eq3A_231 = arith.cmpf oeq, %select_n3A_226, %eq3A_230 : vector<128x2560xf32>
    %jit3A_232 = arith.constant 2560 : i32
    %broadcast_in_dim3A_233 = vector.broadcast %jit3A_232 : i32 to vector<128x2560xi32>
    %select_n3A_234 = arith.select %eq3A_231, %iota3A_146, %broadcast_in_dim3A_233 : vector<128x2560xi1>, vector<128x2560xi32>
    %reduce_min3A_235 = arith.constant dense<2147483647> : vector<128xi32>
    %reduce_min3A_236 = vector.multi_reduction <minsi>, %select_n3A_234, %reduce_min3A_235 [1] : vector<128x2560xi32> to vector<128xi32>
    %broadcast_in_dim3A_237 = vector.shape_cast %reduce_min3A_236 : vector<128xi32> to vector<128x1xi32>
    %eq3A_238 = vector.broadcast %broadcast_in_dim3A_237 : vector<128x1xi32> to vector<128x2560xi32>
    %eq3A_239 = arith.cmpi eq, %iota3A_146, %eq3A_238 : vector<128x2560xi32>
    %jit3A_240 = arith.constant -3.000000e+38 : f32
    %broadcast_in_dim3A_241 = vector.broadcast %jit3A_240 : f32 to vector<128x2560xf32>
    %select_n3A_242 = arith.select %eq3A_239, %broadcast_in_dim3A_241, %select_n3A_226 : vector<128x2560xi1>, vector<128x2560xf32>
    %reduce_max3A_243 = arith.constant dense<0xFF800000> : vector<128xf32>
    %reduce_max3A_244 = vector.multi_reduction <maximumf>, %select_n3A_242, %reduce_max3A_243 [1] : vector<128x2560xf32> to vector<128xf32>
    %broadcast_in_dim3A_245 = vector.shape_cast %reduce_max3A_244 : vector<128xf32> to vector<128x1xf32>
    %eq3A_246 = vector.broadcast %broadcast_in_dim3A_245 : vector<128x1xf32> to vector<128x2560xf32>
    %eq3A_247 = arith.cmpf oeq, %select_n3A_242, %eq3A_246 : vector<128x2560xf32>
    %jit3A_248 = arith.constant 2560 : i32
    %broadcast_in_dim3A_249 = vector.broadcast %jit3A_248 : i32 to vector<128x2560xi32>
    %select_n3A_250 = arith.select %eq3A_247, %iota3A_146, %broadcast_in_dim3A_249 : vector<128x2560xi1>, vector<128x2560xi32>
    %reduce_min3A_251 = arith.constant dense<2147483647> : vector<128xi32>
    %reduce_min3A_252 = vector.multi_reduction <minsi>, %select_n3A_250, %reduce_min3A_251 [1] : vector<128x2560xi32> to vector<128xi32>
    %broadcast_in_dim3A_253 = vector.shape_cast %reduce_min3A_252 : vector<128xi32> to vector<128x1xi32>
    %eq3A_254 = vector.broadcast %broadcast_in_dim3A_253 : vector<128x1xi32> to vector<128x2560xi32>
    %eq3A_255 = arith.cmpi eq, %iota3A_146, %eq3A_254 : vector<128x2560xi32>
    %jit3A_256 = arith.constant -3.000000e+38 : f32
    %broadcast_in_dim3A_257 = vector.broadcast %jit3A_256 : f32 to vector<128x2560xf32>
    %select_n3A_258 = arith.select %eq3A_255, %broadcast_in_dim3A_257, %select_n3A_242 : vector<128x2560xi1>, vector<128x2560xf32>
    %reduce_max3A_259 = arith.constant dense<0xFF800000> : vector<128xf32>
    %reduce_max3A_260 = vector.multi_reduction <maximumf>, %select_n3A_258, %reduce_max3A_259 [1] : vector<128x2560xf32> to vector<128xf32>
    %broadcast_in_dim3A_261 = vector.shape_cast %reduce_max3A_260 : vector<128xf32> to vector<128x1xf32>
    %eq3A_262 = vector.broadcast %broadcast_in_dim3A_261 : vector<128x1xf32> to vector<128x2560xf32>
    %eq3A_263 = arith.cmpf oeq, %select_n3A_258, %eq3A_262 : vector<128x2560xf32>
    %jit3A_264 = arith.constant 2560 : i32
    %broadcast_in_dim3A_265 = vector.broadcast %jit3A_264 : i32 to vector<128x2560xi32>
    %select_n3A_266 = arith.select %eq3A_263, %iota3A_146, %broadcast_in_dim3A_265 : vector<128x2560xi1>, vector<128x2560xi32>
    %reduce_min3A_267 = arith.constant dense<2147483647> : vector<128xi32>
    %reduce_min3A_268 = vector.multi_reduction <minsi>, %select_n3A_266, %reduce_min3A_267 [1] : vector<128x2560xi32> to vector<128xi32>
    %broadcast_in_dim3A_269 = vector.shape_cast %reduce_min3A_268 : vector<128xi32> to vector<128x1xi32>
    %eq3A_270 = vector.broadcast %broadcast_in_dim3A_269 : vector<128x1xi32> to vector<128x2560xi32>
    %eq3A_271 = arith.cmpi eq, %iota3A_146, %eq3A_270 : vector<128x2560xi32>
    %jit3A_272 = arith.constant -3.000000e+38 : f32
    %broadcast_in_dim3A_273 = vector.broadcast %jit3A_272 : f32 to vector<128x2560xf32>
    %select_n3A_274 = arith.select %eq3A_271, %broadcast_in_dim3A_273, %select_n3A_258 : vector<128x2560xi1>, vector<128x2560xf32>
    %reduce_max3A_275 = arith.constant dense<0xFF800000> : vector<128xf32>
    %reduce_max3A_276 = vector.multi_reduction <maximumf>, %select_n3A_274, %reduce_max3A_275 [1] : vector<128x2560xf32> to vector<128xf32>
    %broadcast_in_dim3A_277 = vector.shape_cast %reduce_max3A_276 : vector<128xf32> to vector<128x1xf32>
    %eq3A_278 = vector.broadcast %broadcast_in_dim3A_277 : vector<128x1xf32> to vector<128x2560xf32>
    %eq3A_279 = arith.cmpf oeq, %select_n3A_274, %eq3A_278 : vector<128x2560xf32>
    %jit3A_280 = arith.constant 2560 : i32
    %broadcast_in_dim3A_281 = vector.broadcast %jit3A_280 : i32 to vector<128x2560xi32>
    %select_n3A_282 = arith.select %eq3A_279, %iota3A_146, %broadcast_in_dim3A_281 : vector<128x2560xi1>, vector<128x2560xi32>
    %reduce_min3A_283 = arith.constant dense<2147483647> : vector<128xi32>
    %reduce_min3A_284 = vector.multi_reduction <minsi>, %select_n3A_282, %reduce_min3A_283 [1] : vector<128x2560xi32> to vector<128xi32>
    %broadcast_in_dim3A_285 = vector.shape_cast %reduce_min3A_284 : vector<128xi32> to vector<128x1xi32>
    %eq3A_286 = vector.broadcast %broadcast_in_dim3A_285 : vector<128x1xi32> to vector<128x2560xi32>
    %eq3A_287 = arith.cmpi eq, %iota3A_146, %eq3A_286 : vector<128x2560xi32>
    %jit3A_288 = arith.constant -3.000000e+38 : f32
    %broadcast_in_dim3A_289 = vector.broadcast %jit3A_288 : f32 to vector<128x2560xf32>
    %select_n3A_290 = arith.select %eq3A_287, %broadcast_in_dim3A_289, %select_n3A_274 : vector<128x2560xi1>, vector<128x2560xf32>
    %reduce_max3A_291 = arith.constant dense<0xFF800000> : vector<128xf32>
    %reduce_max3A_292 = vector.multi_reduction <maximumf>, %select_n3A_290, %reduce_max3A_291 [1] : vector<128x2560xf32> to vector<128xf32>
    %broadcast_in_dim3A_293 = vector.shape_cast %reduce_max3A_292 : vector<128xf32> to vector<128x1xf32>
    %concatenate3A_294 = tpu.concatenate %broadcast_in_dim3A_149, %broadcast_in_dim3A_165, %broadcast_in_dim3A_181, %broadcast_in_dim3A_197, %broadcast_in_dim3A_213, %broadcast_in_dim3A_229, %broadcast_in_dim3A_245, %broadcast_in_dim3A_261, %broadcast_in_dim3A_277, %broadcast_in_dim3A_293 in 1 : vector<128x1xf32>, vector<128x1xf32>, vector<128x1xf32>, vector<128x1xf32>, vector<128x1xf32>, vector<128x1xf32>, vector<128x1xf32>, vector<128x1xf32>, vector<128x1xf32>, vector<128x1xf32> -> vector<128x10xf32>
    %concatenate3A_295 = tpu.concatenate %concatenate3A, %concatenate3A_294 in 1 : vector<128x10xf32>, vector<128x10xf32> -> vector<128x20xf32>
    %get3A_296 = arith.constant 0 : index
    %get3A_297 = arith.constant 0 : index
    %get3A_298 = vector.load %arg2[%get3A_296, %get3A_297] : memref<20x512xf32, #tpu.memory_space<vmem>>, vector<20x512xf32>
    %dot_general3A = arith.constant dense<0.000000e+00> : vector<128x512xf32>
    %dot_general3A_299 = tpu.matmul %concatenate3A_295, %get3A_298, %dot_general3A {dimension_numbers = #tpu.dot_dimension_numbers<[1], [0], [0], [1], [0, 0, 1, 1], [], []>, transpose_lhs_hint = false} : vector<128x20xf32>, vector<20x512xf32>, vector<128x512xf32> -> vector<128x512xf32>
    %get3A_300 = arith.constant 0 : index
    %get3A_301 = arith.constant 0 : index
    %get3A_302 = vector.load %arg3[%get3A_300, %get3A_301] : memref<1x512xf32, #tpu.memory_space<vmem>>, vector<1x512xf32>
    %add3A = vector.broadcast %get3A_302 : vector<1x512xf32> to vector<128x512xf32>
    %add3A_303 = arith.addf %dot_general3A_299, %add3A : vector<128x512xf32>
    %max3A = arith.constant 0.000000e+00 : f32
    %max3A_304 = vector.broadcast %max3A : f32 to vector<128x512xf32>
    %max3A_305 = arith.maximumf %add3A_303, %max3A_304 : vector<128x512xf32>
    %get3A_306 = arith.constant 0 : index
    %get3A_307 = arith.constant 0 : index
    %get3A_308 = vector.load %arg4[%get3A_306, %get3A_307] : memref<512x16xf32, #tpu.memory_space<vmem>>, vector<512x16xf32>
    %dot_general3A_309 = arith.constant dense<0.000000e+00> : vector<128x16xf32>
    %dot_general3A_310 = tpu.matmul %max3A_305, %get3A_308, %dot_general3A_309 {dimension_numbers = #tpu.dot_dimension_numbers<[1], [0], [0], [1], [0, 0, 1, 1], [], []>, transpose_lhs_hint = false} : vector<128x512xf32>, vector<512x16xf32>, vector<128x16xf32> -> vector<128x16xf32>
    %get3A_311 = arith.constant 0 : index
    %get3A_312 = arith.constant 0 : index
    %get3A_313 = vector.load %arg5[%get3A_311, %get3A_312] : memref<1x16xf32, #tpu.memory_space<vmem>>, vector<1x16xf32>
    %add3A_314 = vector.broadcast %get3A_313 : vector<1x16xf32> to vector<128x16xf32>
    %add3A_315 = arith.addf %dot_general3A_310, %add3A_314 : vector<128x16xf32>
    %max3A_316 = arith.constant 0.000000e+00 : f32
    %max3A_317 = vector.broadcast %max3A_316 : f32 to vector<128x16xf32>
    %max3A_318 = arith.maximumf %add3A_315, %max3A_317 : vector<128x16xf32>
    %get3A_319 = arith.constant 0 : index
    %get3A_320 = arith.constant 0 : index
    %get3A_321 = vector.load %arg6[%get3A_319, %get3A_320] : memref<16x2xf32, #tpu.memory_space<vmem>>, vector<16x2xf32>
    %dot_general3A_322 = arith.constant dense<0.000000e+00> : vector<128x2xf32>
    %dot_general3A_323 = tpu.matmul %max3A_318, %get3A_321, %dot_general3A_322 {dimension_numbers = #tpu.dot_dimension_numbers<[1], [0], [0], [1], [0, 0, 1, 1], [], []>, transpose_lhs_hint = false} : vector<128x16xf32>, vector<16x2xf32>, vector<128x2xf32> -> vector<128x2xf32>
    %get3A_324 = arith.constant 0 : index
    %get3A_325 = arith.constant 0 : index
    %get3A_326 = vector.load %arg7[%get3A_324, %get3A_325] : memref<1x2xf32, #tpu.memory_space<vmem>>, vector<1x2xf32>
    %add3A_327 = vector.broadcast %get3A_326 : vector<1x2xf32> to vector<128x2xf32>
    %add3A_328 = arith.addf %dot_general3A_323, %add3A_327 : vector<128x2xf32>
    %logistic3A = arith.negf %add3A_328 : vector<128x2xf32>
    %logistic3A_329 = math.exp %logistic3A : vector<128x2xf32>
    %logistic3A_330 = arith.constant 1.000000e+00 : f32
    %logistic3A_331 = vector.broadcast %logistic3A_330 : f32 to vector<128x2xf32>
    %logistic3A_332 = arith.addf %logistic3A_331, %logistic3A_329 : vector<128x2xf32>
    %logistic3A_333 = arith.divf %logistic3A_331, %logistic3A_332 : vector<128x2xf32>
    %reduce_sum3A = arith.constant dense<0.000000e+00> : vector<128xf32>
    %reduce_sum3A_334 = vector.multi_reduction <add>, %logistic3A_333, %reduce_sum3A [1] : vector<128x2xf32> to vector<128xf32>
    %broadcast_in_dim3A_335 = vector.shape_cast %reduce_sum3A_334 : vector<128xf32> to vector<128x1xf32>
    %div3A = vector.broadcast %broadcast_in_dim3A_335 : vector<128x1xf32> to vector<128x2xf32>
    %div3A_336 = arith.divf %logistic3A_333, %div3A : vector<128x2xf32>
    %swap3A = arith.constant 0 : index
    %swap3A_337 = arith.constant 0 : index
    %swap3A_338 = vector.load %arg8[%swap3A, %swap3A_337] : memref<128x2xf32, #tpu.memory_space<vmem>>, vector<128x2xf32>
    tpu.vector_store %arg8[%swap3A, %swap3A_337], %div3A_336 {strides = array<i32>} : memref<128x2xf32, #tpu.memory_space<vmem>>, vector<128x2xf32>,
    return
  }
}

</mosaic_0001>

<sc_bundles>
// kernel: kernel.5.cloned.1.call-start
scs
__scs_entry_jumppad:
0x0: {  	(pc) =	sbr.rel $0x88, $3  }
0x1: {  	(tag) =	ssettag $0x0;
	lr =	simm.s32 $0x1  }
0x2: {  	[smem:$0x3F99] =	sst lr;
	_ =	strace $0xD0000000  }
0x3: {  	_ = 	snop  }
0x4: {  	_ = 	snop  }
0x5: {  	_ = 	snop  }
0x6: {  	_ = 	snop  }
0x7: {  	_ = 	snop  }
__scs_overlays_trampoline_lowered:
0x8: {  	[smem:$0x3FA8] =	sst s0  }
0x9: {  	[smem:$0x3FA9] =	sst s1  }
0xa: {  	[smem:$0x3FAA] =	sst s2  }
0xb: {  	[smem:$0x3FAB] =	sst s3  }
0xc: {  	[smem:$0x3FAC] =	sst s4  }
0xd: {  	[smem:$0x3FAD] =	sst s5  }
0xe: {  	[smem:$0x3FAE] =	sst s6  }
0xf: {  	[smem:$0x3FAF] =	sst s7  }
0x10: {  	[smem:$0x3FB0] =	sst s8  }
0x11: {  	[smem:$0x3FB1] =	sst s9;
	s0 =	simm.s32 @!p0 $0x0  }
0x12: {  	s1 =	sld [smem:$0x3F97];
	s0 =	simm.s32 @p0 $0x1  }
0x13: {  	[smem:$0x3FB2] =	sst s0;
	s0 =	simm.s32 @!p1 $0x0  }
0x14: {  	s2 =	sld [smem:$0x3F96];
	s0 =	simm.s32 @p1 $0x1  }
0x15: {  	[smem:$0x3FB3] =	sst s0;
	s0 =	simm.s32 @!p2 $0x0  }
0x16: {  	s3 =	sld [smem:$0x3FDB];
	s0 =	simm.s32 @p2 $0x1  }
0x17: {  	s4 =	simm.s32 $0x1BF5;
	[smem:$0x3FB5] =	sst s0  }
0x18: {  	s0 =	sld [smem:$0x3F98];
	_ =	swait.ge [sflag:s4], $0x0  }
0x19: {  	s7 =	sld [smem:$0x3F99]  }
0x1a: {  	s8 =	sadd.s32 $0xFFFFE003, lr  }
0x1b: {  	s9 =	sadd.s32 $0xFFFFFEF7, lr;
	s5 =	simm.s32 $0xFFFFFFFF;
	p2 =	slt.u32 s8, $0xFFFFF086  }
0x1c: {  	p1 =	slt.u32 s9, $0xF7A;
	s5 =	simm.s32 @!p2 $0x0  }
0x1d: {  	s5 =	simm.s32 @p1 $0x1;
	p0 =	seq.s32 s7, s2  }
0x1e: {  	s7 =	smul.u32 @!p0 $0xF7A, s2;
	p2 =	seq.s32 @!p0 s5, $0x0  }
0x1f: {  	s9 =	smul.u32 $0xF7A, s1;
	s8 =	simm.s32 @!p0 $0x1BF5;
	p2 =	por !p2, p0  }
0x20: {  	[sflag:s8] =	ssyncset.s32 @!p0 $0xFFFFF086;
	s6 =	sadd.s32 @!p0 s3, s7;
	s7 =	simm.s32 @!p0 $0x108  }
0x21: {  	s3 =	sadd.s32 s3, s9;
	s6 =	sadd.s32 @!p0 $0x88, s6;
	s7 =	simm.s32 @p2 $0x1082  }
0x22: {  	[simem:s7], [sflag:s8] =	dma.local @!p0 [hbm:s6], $0xF7A  }
0x23: {  	s9 =	sor.u32 $0xD0000000, s2;
	s6 =	simm.s32 $0x108;
	_ =	swait.ge @!p0 [sflag:s8], $0x0  }
0x24: {  	s3 =	sadd.s32 $0x88, s3;
	s6 =	simm.s32 @!p1 $0x1082;
	[sflag:s4] =	ssyncset.s32 $0xFFFFF086  }
0x25: {  	[simem:s6], [sflag:s4] =	dma.local [hbm:s3], $0xF7A  }
0x26: {  	[smem:$0x3F99] =	sst s1;
	(tag) =	ssettag s2;
	_ =	strace s9  }
0x27: {  	s1 =	sld [smem:$0x3FA9]  }
0x28: {  	s2 =	sld [smem:$0x3FAA]  }
0x29: {  	s4 =	sld [smem:$0x3FAC]  }
0x2a: {  	p0 =	seq.s32 s5, $0x0;
	s5 =	sld [smem:$0x3FAD]  }
0x2b: {  	s6 =	sld [smem:$0x3FAE]  }
0x2c: {  	s7 =	sld [smem:$0x3FAF]  }
0x2d: {  	s3 =	simm.s32 $0x108;
	s8 =	sld [smem:$0x3FB0]  }
0x2e: {  	s3 =	simm.s32 @!p0 $0x1082;
	s9 =	sld [smem:$0x3FB1]  }
0x2f: {  	lr =	sadd.s32 s0, s3;
	s0 =	sld [smem:$0x3FA8]  }
0x30: {  	s3 =	sld [smem:$0x3FAB]  }
0x31: {  	[smem:$0x3FB4] =	sst s10  }
0x32: {  	s10 =	sld [smem:$0x3FB2];
	_ =	sdelay $0x3  }
0x33: {  	p0 =	seq.s32 s10, $0x1;
	s10 =	sld [smem:$0x3FB4];
	_ =	sdelay $0x3  }
0x34: {  	[smem:$0x3FB4] =	sst s10  }
0x35: {  	s10 =	sld [smem:$0x3FB3];
	_ =	sdelay $0x3  }
0x36: {  	p1 =	seq.s32 s10, $0x1;
	s10 =	sld [smem:$0x3FB4];
	_ =	sdelay $0x3  }
0x37: {  	[smem:$0x3FB4] =	sst s10  }
0x38: {  	s10 =	sld [smem:$0x3FB5]  }
0x39: {  	_ = 	snop;
	(pc) =	sbr.ind lr, $3  }
0x3a: {  	_ = 	snop  }
0x3b: {  	_ = 	snop  }
0x3c: {  	p2 =	seq.s32 s10, $0x1;
	s10 =	sld [smem:$0x3FB4]  }
0x3d: {  	_ =	shalt  }
0x3e: {  	_ =	shalt  }
0x3f: {  	_ =	shalt  }
0x40: {  	_ =	shalt  }
0x41: {  	_ =	shalt  }
0x42: {  	_ =	shalt  }
0x43: {  	_ =	shalt  }
0x44: {  	_ =	shalt  }
0x45: {  	_ =	shalt  }
0x46: {  	_ =	shalt  }
0x47: {  	_ =	shalt  }
0x48: {  	_ =	shalt  }
0x49: {  	_ =	shalt  }
0x4a: {  	_ =	shalt  }
0x4b: {  	_ =	shalt  }
0x4c: {  	_ =	shalt  }
0x4d: {  	_ =	shalt  }
0x4e: {  	_ =	shalt  }
0x4f: {  	_ =	shalt  }
0x50: {  	_ =	shalt  }
0x51: {  	_ =	shalt  }
0x52: {  	_ =	shalt  }
0x53: {  	_ =	shalt  }
0x54: {  	_ =	shalt  }
0x55: {  	_ =	shalt  }
0x56: {  	_ =	shalt  }
0x57: {  	_ =	shalt  }
0x58: {  	_ =	shalt  }
0x59: {  	_ =	shalt  }
0x5a: {  	_ =	shalt  }
0x5b: {  	_ =	shalt  }
0x5c: {  	_ =	shalt  }
0x5d: {  	_ =	shalt  }
0x5e: {  	_ =	shalt  }
0x5f: {  	_ =	shalt  }
0x60: {  	_ =	shalt  }
0x61: {  	_ =	shalt  }
0x62: {  	_ =	shalt  }
0x63: {  	_ =	shalt  }
0x64: {  	_ =	shalt  }
0x65: {  	_ =	shalt  }
0x66: {  	_ =	shalt  }
0x67: {  	_ =	shalt  }
0x68: {  	_ =	shalt  }
0x69: {  	_ =	shalt  }
0x6a: {  	_ =	shalt  }
0x6b: {  	_ =	shalt  }
0x6c: {  	_ =	shalt  }
0x6d: {  	_ =	shalt  }
0x6e: {  	_ =	shalt  }
0x6f: {  	_ =	shalt  }
0x70: {  	_ =	shalt  }
0x71: {  	_ =	shalt  }
0x72: {  	_ =	shalt  }
0x73: {  	_ =	shalt  }
0x74: {  	_ =	shalt  }
0x75: {  	_ =	shalt  }
0x76: {  	_ =	shalt  }
0x77: {  	_ =	shalt  }
0x78: {  	_ =	shalt  }
0x79: {  	_ =	shalt  }
0x7a: {  	_ =	shalt  }
0x7b: {  	_ =	shalt  }
0x7c: {  	_ =	shalt  }
0x7d: {  	_ =	shalt  }
0x7e: {  	_ =	shalt  }
0x7f: {  	_ =	shalt  }
0x80: {  	_ =	shalt  }
0x81: {  	_ =	shalt  }
0x82: {  	_ =	shalt  }
0x83: {  	_ =	shalt  }
0x84: {  	_ =	shalt  }
0x85: {  	_ =	shalt  }
0x86: {  	_ =	shalt  }
0x87: {  	_ =	shalt  }
.Lfunc_end0:
.L_simem_size_0:
called_computation_lowered:
.L_overlay_start_0:
0x88: {  	s2 =	sld [smem:$0x3FD9]  }
0x89: {  	s3 =	sld [smem:$0x3FFE];
	_ =	sdelay $0x1  }
0x8a: {  	s1 =	srdreg.scid  }
0x8b: {  	s0 =	sand.u32 $0x1, s1  }
0x8c: {  	s16 =	sshll.u32 s0, $0xA;
	s2 =	sadd.s32 s3, s2  }
0x8d: {  	s2 =	sadd.s32 s2, s16  }
0x8e: {  	[smem:$0x3FC0] =	sst s2  }
0x8f: {  	_ = 	snop  }
0x90: {  	(tm) =	ssettm $0x1  }
0x91: {  	s17 =	sld [smem:$0x3FFB];
	_ =	sdelay $0x3  }
0x92: {  	_ =	strace s17  }
0x93: {  	s2 =	sld [smem:$0x3FFC];
	_ =	sdelay $0x3  }
0x94: {  	_ =	strace s2  }
0x95: {  	s2 =	sld [smem:$0x3FFD];
	_ =	sdelay $0x3  }
0x96: {  	_ =	strace s2  }
0x97: {  	_ =	strace $0x8FFFFFFF  }
0x98: {  	s18 =	sld [smem:$0x3FDB];
	_ =	sdelay $0x1  }
0x99: {  	s19 =	simm.s32 $_scs_section_size  }
0x9a: {  	s4 =	simm.s32 $_size__tile_overlayer_lowered;
	s5 =	simm.s32 $_tile_overlayer_lowered  }
0x9b: {  	s22 =	simm.s32 $0x1BFF;
	s21 =	sshll.u32 s5, $0x1;
	s2 =	sadd.s32 s19, s18  }
0x9c: {  	s6 =	simm.s32 $0x0;
	s20 =	sshll.u32 s4, $0x1;
	s4 =	sadd.s32 s21, s2  }
0x9d: {  	[timem:s6], [sflag:s22] =	dma.local [hbm:s4], s20  }
0x9e: {  	_ =	swait.ge [sflag:s22], s20  }
0x9f: {  	s3 =	ssub.s32 $0x0, s20;
	[sflag:s22] =	ssyncset.done $0x0  }
0xa0: {  	[sflag:s22] =	ssyncadd.s32 s3;
	_ =	sdelay $0x1  }
0xa1: {  	s23 =	simm.s32 $0x1B8B  }
0xa2: {  	_ =	swait.ge [sflag:s23], $0x1  }
0xa3: {  	[sflag:s23] =	ssyncset.done $0x0  }
0xa4: {  	s25 =	simm.s32 $0x1B8E;
	s24 =	sld [smem:$0x3FFE];
	[sflag:s23] =	ssyncadd.s32 $0xFFFFFFFF  }
0xa5: {  	s26 =	simm.s32 $execute0_lowered;
	[smem:$0x3FD2] =	sst s25  }
0xa6: {  	s4 =	sshll.u32 s26, $0x1;
	_ =	strace $0x80000046;
	[dreg:$0x1] =	wrdreg $0xFFFFFFFF  }
0xa7: {  	s28 =	simm.s32 $_size_execute0_lowered;
	s2 =	sadd.s32 s2, s4;
	[dreg:$0x0] =	wrdreg $0x0  }
0xa8: {  	s4 =	sshll.u32 s28, $0x1;
	[dreg:$0x2] =	wrdreg s2  }
0xa9: {  	[dreg:$0x3] =	wrdreg s4  }
0xaa: {  	[dreg:$0x4] =	wrdreg $0xC0  }
0xab: {  	_ =	task [dreg:s6], $0x5FFFF  }
0xac: {  	[dreg:$0x1] =	wrdreg $0xFFFFFFFF  }
0xad: {  	[dreg:$0x0] =	wrdreg $0x60  }
0xae: {  	[dreg:$0x2] =	wrdreg s24  }
0xaf: {  	[dreg:$0x3] =	wrdreg $0x9  }
0xb0: {  	_ =	task.clear_ibuf [dreg:s6], $0x4FFFF;
	_ =	strace $0x90000046  }
0xb1: {  	s29 =	simm.s32 $0x9;
	_ =	strace $0x80000048  }
0xb2: {  	_ =	swait.ge [sflag:s29], $0x1  }
0xb3: {  	[sflag:s29] =	ssyncadd.s32 $0xFFFFFFFF  }
0xb4: {  	_ =	strace $0x90000048  }
0xb5: {  	_ =	sfence  }
0xb6: {  	s30 =	sld [smem:$0x0];
	_ =	sdelay $0x2  }
0xb7: {  	s31 =	sshll.u32 s1, $0xD;
	s1 =	sshrl.u32 s1, $0x2  }
0xb8: {  	s3 =	sand.u32 $0x4000, s31;
	s1 =	sadd.s32 s1, s30  }
0xb9: {  	s0 =	sor.u32 s3, s0;
	s1 =	sshll.u32 s1, $0x11  }
0xba: {  	s0 =	sor.u32 s1, s0  }
0xbb: {  	s0 =	sadd.s32 $0x8F2B, s0  }
0xbc: {  	[sflag:s0] =	ssyncadd.remote.s32 $0x1  }
0xbd: {  	_ =	sfence.sel $0xFFFF  }
0xbe: {  	[dreg:$0x0] =	wrdreg $0xFFFFFFFF;
	(pc) =	sbr.abs _section_cstart, $3  }
0xbf: {  	[dreg:$0x1] =	wrdreg $0xFFFFFFFF  }
0xc0: {  	_ =	task.clear_ibuf [dreg:s6], $0x2FFFF;
	_ =	strace $0x9FFFFFFF  }
0xc1: {  	(tm) =	ssettm $0x7FFFFFFF  }
tec
execute0_lowered:
.L_overlay_start_1:
0x0: {  	(tag) =	ssettag $0x1  }
0x1: {  	s1 =	srdreg.scid;
	s0 =	stileid.u32  }
0x2: {  	s12 =	sand.u32 $0x1, s1;
	s30 =	sshll.u32 s0, $0x1  }
0x3: {  	s6 =	sor.u32 s12, s30  }
0x4: {  	s11 =	rddreg [dreg:$0x0];
	s3 =	smul.u32 $0x5, s6  }
0x5: {  	s2 =	simm.s32 $0x0;
	s1 =	rddreg [dreg:$0x1]  }
0x6: {  	[smem:$0x7FF] =	sst s2;
	s10 =	sadd.s32 s3, s11  }
0x7: {  	_ =	strace $0x80000047;
	s3 =	simm.s32 $0x2;
	s4 =	sadd.s32 $0x80E00, s10  }
0x8: {  	[tilespmem:s2], [sflag:$0x2] =	stream.linear.gather [hbm4b:s4+s2], $0x28, $0x38;
	[tilespmem:$0x1480] =	vst v63  }
0x9: {  	s7 =	simm.s32 $0x80;
	_ =	swait.ge [sflag:s3], $0x28  }
0xa: {  	s8 =	simm.s32 $0x1;
	s5 =	sadd.s32 $0xE00, s11;
	[sflag:s3] =	ssyncset.done $0x0  }
0xb: {  	s9 =	smul.u32 $0x280, s6;
	s6 =	simm.s32 $0x28;
	[sflag:s3] =	ssyncadd.s32 $0xFFFFFFD8  }
0xc: {  	[tilespmem:s7], [sflag:$0x1] =	stream.indirect.gather [hbm4b:s5+s6], $0x80, s2, s6, $0xb8;
	[tilespmem:$0x1480] =	vst v63  }
0xd: {  	_ =	swait.ge [sflag:s8], $0x1400  }
0xe: {  	s13 =	sadd.s32 s9, s11;
	[sflag:s8] =	ssyncset.done $0x0  }
0xf: {  	s9 =	sadd.s32 $0x81200, s13;
	[sflag:s8] =	ssyncadd.s32 $0xFFFFEC00  }
0x10: {  	[hbm4b:s9+s2] =	stream.linear.scatter [tilespmem:s7], [sflag:$0x2], $0x1400, $0x38;
	[tilespmem:$0x1480] =	vst v63  }
0x11: {  	_ =	swait.ge [sflag:s3], $0x1400  }
0x12: {  	[sflag:s3] =	ssyncset.done $0x0  }
0x13: {  	s12 =	ssub.s32 $0x2, s12;
	s10 =	sadd.s32 $0x81000, s10;
	[sflag:s3] =	ssyncadd.s32 $0xFFFFEC00  }
0x14: {  	[tilespmem:s2], [sflag:$0x2] =	stream.linear.gather [hbm4b:s10+s2], $0x28, $0x38;
	[tilespmem:$0x1480] =	vst v63  }
0x15: {  	s14 =	sshrl.u32 s12, $0x1;
	_ =	swait.ge [sflag:s3], $0x28  }
0x16: {  	s14 =	ssub.s32 s12, s14;
	[sflag:s3] =	ssyncset.done $0x0  }
0x17: {  	s11 =	sadd.s32 $0x40E00, s11;
	s31 =	smax.u32 s14, $0x1;
	[sflag:s3] =	ssyncadd.s32 $0xFFFFFFD8  }
0x18: {  	[tilespmem:s7], [sflag:$0x1] =	stream.indirect.gather [hbm4b:s11+s6], $0x80, s2, s6, $0xb8;
	[tilespmem:$0x1480] =	vst v63  }
0x19: {  	p0 =	sne.s32 s31, $0x1;
	_ =	swait.ge [sflag:s8], $0x1400  }
.Ltmp0:
0x1a: {  	[sflag:s8] =	ssyncset.done $0x0;
	(pc) =	sbr.rel @!p0 .LBB2_2-.Ltmp0, $4  }
0x1b: {  	s12 =	sadd.s32 $0x86200, s13;
	[sflag:s8] =	ssyncadd.s32 $0xFFFFEC00  }
0x1c: {  	[hbm4b:s12+s2] =	stream.linear.scatter [tilespmem:s7], [sflag:$0x2], $0x1400, $0x38;
	[tilespmem:$0x1480] =	vst v63  }
0x1d: {  	_ =	swait.ge [sflag:s3], $0x1400  }
0x1e: {  	s13 =	sadd.s32 $0xFFFFFFFF, s31;
	[sflag:s3] =	ssyncset.done $0x0  }
.LBB2_1:
0x1f: {  	p0 =	sne.s32 s13, $0x1;
	s13 =	sadd.s32 $0xFFFFFFFF, s13;
	[sflag:s3] =	ssyncadd.s32 $0xFFFFEC00  }
0x20: {  	[tilespmem:s2], [sflag:$0x2] =	stream.linear.gather [hbm4b:s4+s2], $0x28, $0x38;
	[tilespmem:$0x1480] =	vst v63  }
0x21: {  	_ =	swait.ge [sflag:s3], $0x28  }
0x22: {  	[sflag:s3] =	ssyncset.done $0x0  }
0x23: {  	[sflag:s3] =	ssyncadd.s32 $0xFFFFFFD8  }
0x24: {  	[tilespmem:s7], [sflag:$0x1] =	stream.indirect.gather [hbm4b:s5+s6], $0x80, s2, s6, $0xb8;
	[tilespmem:$0x1480] =	vst v63  }
0x25: {  	_ =	swait.ge [sflag:s8], $0x1400  }
0x26: {  	[sflag:s8] =	ssyncset.done $0x0  }
0x27: {  	[sflag:s8] =	ssyncadd.s32 $0xFFFFEC00  }
0x28: {  	[hbm4b:s9+s2] =	stream.linear.scatter [tilespmem:s7], [sflag:$0x2], $0x1400, $0x38;
	[tilespmem:$0x1480] =	vst v63  }
0x29: {  	_ =	swait.ge [sflag:s3], $0x1400  }
0x2a: {  	[sflag:s3] =	ssyncset.done $0x0  }
0x2b: {  	[sflag:s3] =	ssyncadd.s32 $0xFFFFEC00  }
0x2c: {  	[tilespmem:s2], [sflag:$0x2] =	stream.linear.gather [hbm4b:s10+s2], $0x28, $0x38;
	[tilespmem:$0x1480] =	vst v63  }
0x2d: {  	_ =	swait.ge [sflag:s3], $0x28  }
0x2e: {  	[sflag:s3] =	ssyncset.done $0x0  }
0x2f: {  	[sflag:s3] =	ssyncadd.s32 $0xFFFFFFD8  }
0x30: {  	[tilespmem:s7], [sflag:$0x1] =	stream.indirect.gather [hbm4b:s11+s6], $0x80, s2, s6, $0xb8;
	[tilespmem:$0x1480] =	vst v63  }
0x31: {  	_ =	swait.ge [sflag:s8], $0x1400  }
.Ltmp1:
0x32: {  	[sflag:s8] =	ssyncset.done $0x0;
	(pc) =	sbr.rel @p0 .LBB2_1-.Ltmp1, $4  }
0x33: {  	[sflag:s8] =	ssyncadd.s32 $0xFFFFEC00  }
0x34: {  	[hbm4b:s12+s2] =	stream.linear.scatter [tilespmem:s7], [sflag:$0x2], $0x1400, $0x38;
	[tilespmem:$0x1480] =	vst v63  }
0x35: {  	_ =	swait.ge [sflag:s3], $0x1400  }
0x36: {  	[sflag:s3] =	ssyncset.done $0x0  }
.LBB2_2:
0x37: {  	[sflag:s3] =	ssyncadd.s32 $0xFFFFEC00  }
0x38: {  	_ =	sfence.sel $0x180000  }
0x39: {  	[bflag:$0x0] =	sbarrier.arrive $0xFFFF  }
0x3a: {  	p0 =	sne.s32 s0, $0x0;
	_ =	strace $0x90000047  }
0x3b: {  	s0 =	sadd.s32 @!p0 $0x100000, s1;
	[bflag:$0x2] =	sbarrier.arrive $0xFFFF  }
0x3c: {  	[sflag:s0] =	ssyncadd.tile.s32 @!p0 $0x1;
	_ =	shalt  }
.Lfunc_end2:
_tile_overlayer_lowered:
.L_overlay_start_2:
0x3d: {  	(tag) =	ssettag $0x2  }
0x3e: {  	s0 =	rddreg [dreg:$0x0];
	s2 =	stileid.u32  }
0x3f: {  	s1 =	rddreg [dreg:$0x1];
	p0 =	sne.s32 s2, $0x0  }
0x40: {  	s3 =	rddreg [dreg:$0x2];
	[bflag:$0x3] =	sbarrier.arrive $0xFFFF;
	s2 =	simm.s32 @!p0 $0x1C02  }
0x41: {  	[timem:s3], [sflag:s2] =	dma.local @!p0 [hbm:s0], s1  }
0x42: {  	s0 =	simm.s32 @!p0 $0x2  }
0x43: {  	_ =	swait.ge @!p0 [sflag:s0], s1  }
0x44: {  	s1 =	ssub.s32 @!p0 $0x0, s1;
	[sflag:s0] =	ssyncset.done @!p0 $0x0  }
0x45: {  	[sflag:s0] =	ssyncadd.s32 @!p0 s1  }
0x46: {  	[bflag:$0x3] =	sbarrier.arrive $0xFFFF  }
0x47: {  	_ =	shalt  }

</sc_bundles>
